<compile_context>
chip_gen: v7x
topology: tpu7x:2x2x1
jax: 0.10.2.dev20260603
libtpu: 0.0.44.dev20260713+nightly
codegen_flags: <defaults>
</compile_context>

<pallas_src>
import jax
import jax.numpy as jnp
from jax import lax
from jax.experimental import pallas as pl
from jax.experimental.pallas import tpu as pltpu
from jax.experimental.pallas import tpu_sc as plsc

NN = 10000
NE = 10000
NNZ = 320000
C = 128
NC = 2
NS = 16
NW = NC * NS
EPW = NNZ // NW
CH = 80
NCH = EPW // CH
CHP = 125
NCHP = EPW // CHP
ACC_ROWS = 10240
ZR = ACC_ROWS // NS


def _degree_body(gi_hbm, si_hbm, hew_hbm, dp_out, bp_out,
                 gi_v, si_v, hew_v, d_v, b_v):
    cid = lax.axis_index("c")
    sid = lax.axis_index("s")
    wid = sid * NC + cid

    pltpu.sync_copy(gi_hbm.at[wid], gi_v)
    pltpu.sync_copy(si_hbm.at[wid], si_v)
    pltpu.sync_copy(hew_hbm, hew_v)

    z16 = jnp.zeros((16,), jnp.float32)

    def zdb(i, carry):
        d_v[pl.ds(i * 16, 16)] = z16
        b_v[pl.ds(i * 16, 16)] = z16
        return carry

    lax.fori_loop(0, NN // 16, zdb, 0)

    ones16 = jnp.ones((16,), jnp.float32)

    def chunk(c, carry):
        for g in range(CH // 16):
            s16 = gi_v[c, pl.ds(g * 16, 16)]
            d16 = si_v[c, pl.ds(g * 16, 16)]
            w16 = plsc.load_gather(hew_v, [d16])
            plsc.addupdate_scatter(d_v, [s16], w16)
            plsc.addupdate_scatter(b_v, [d16], ones16)
        return carry

    lax.fori_loop(0, NCH, chunk, 0)

    obase = pl.multiple_of(wid * NN, 8)
    pltpu.sync_copy(d_v, dp_out.at[pl.ds(obase, NN)])
    pltpu.sync_copy(b_v, bp_out.at[pl.ds(obase, NN)])


NBUF = 8


def _phase_body(tab_hbm, gi_hbm, si_hbm, acc_out,
                gi_v, si_v, *bufs_and_sems):
    rows = bufs_and_sems[:NBUF]
    acc_sh = bufs_and_sems[NBUF]
    gs = bufs_and_sems[NBUF + 1:2 * NBUF + 1]
    ss = bufs_and_sems[2 * NBUF + 1:]
    cid = lax.axis_index("c")
    sid = lax.axis_index("s")
    wid = sid * NC + cid

    pltpu.sync_copy(gi_hbm.at[wid], gi_v)
    pltpu.sync_copy(si_hbm.at[wid], si_v)

    z32 = jnp.zeros((32,), jnp.bfloat16)

    def zrow(i, carry):
        rows[0][i // 4, pl.ds((i % 4) * 32, 32)] = z32
        return carry

    lax.fori_loop(0, CHP * 4, zrow, 0)
    zbase = pl.multiple_of(sid * ZR, 8)
    for k in range(ZR // CH):
        pltpu.sync_copy(rows[0].at[pl.ds(0, CH)],
                        acc_sh.at[pl.ds(zbase + k * CH, CH)])
    plsc.subcore_barrier()

    def gather(c, rows_v, sem):
        pltpu.async_copy(tab_hbm.at[gi_v.at[c]], rows_v, sem)

    def gather_wait(c, rows_v, sem):
        pltpu.make_async_copy(tab_hbm.at[gi_v.at[c]], rows_v, sem).wait()

    def scatter(c, rows_v, sem):
        pltpu.async_copy(rows_v, acc_sh.at[si_v.at[c]], sem, add=True)

    def scatter_wait(c, rows_v, sem):
        pltpu.make_async_copy(rows_v, acc_sh.at[si_v.at[c]], sem).wait()

    for j in range(NBUF):
        gather(j, rows[j], gs[j])

    def block(i, carry):
        c0 = i * NBUF
        for j in range(NBUF):
            gather_wait(c0 + j, rows[j], gs[j])
            scatter(c0 + j, rows[j], ss[j])
        for j in range(NBUF):
            cn = c0 + NBUF + j

            @pl.when(cn < NCHP)
            def _(j=j, cn=cn):
                scatter_wait(c0 + j, rows[j], ss[j])
                gather(cn, rows[j], gs[j])

        return carry

    lax.fori_loop(0, NCHP // NBUF, block, 0)
    for j in range(NBUF):
        scatter_wait(NCHP - NBUF + j, rows[j], ss[j])
    plsc.subcore_barrier()

    pltpu.sync_copy(acc_sh.at[pl.ds(zbase, ZR)],
                    acc_out.at[cid, pl.ds(zbase, ZR)])


_MESH = plsc.VectorSubcoreMesh(core_axis_name="c", subcore_axis_name="s",
                               num_cores=NC, num_subcores=NS)
_SC_PARAMS = pltpu.CompilerParams(needs_layout_passes=False,
                                  use_tc_tiling_on_sc=False)

_degree = pl.kernel(
    _degree_body,
    out_type=(
        jax.ShapeDtypeStruct((NW * NN,), jnp.float32),
        jax.ShapeDtypeStruct((NW * NE,), jnp.float32),
    ),
    mesh=_MESH,
    compiler_params=_SC_PARAMS,
    scratch_types=(
        pltpu.VMEM((NCH, CH), jnp.int32),
        pltpu.VMEM((NCH, CH), jnp.int32),
        pltpu.VMEM((NE,), jnp.float32),
        pltpu.VMEM((NN,), jnp.float32),
        pltpu.VMEM((NE,), jnp.float32),
    ),
)

_phase = pl.kernel(
    _phase_body,
    out_type=jax.ShapeDtypeStruct((NC, ACC_ROWS, C), jnp.bfloat16),
    mesh=_MESH,
    compiler_params=_SC_PARAMS,
    scratch_types=(
        (pltpu.VMEM((NCHP, CHP), jnp.int32),
         pltpu.VMEM((NCHP, CHP), jnp.int32))
        + tuple(pltpu.VMEM((CHP, C), jnp.bfloat16) for _ in range(NBUF))
        + (pltpu.VMEM_SHARED((ACC_ROWS, C), jnp.bfloat16),)
        + tuple(pltpu.SemaphoreType.DMA for _ in range(2 * NBUF))
    ),
)


def _combine_edges_body(ep_ref, bp_ref, out_ref):
    bsum = jnp.sum(bp_ref[...], axis=0)
    binv = jnp.where(bsum > 0, 1.0 / bsum, 0.0)
    esum = (ep_ref[0, :NE].astype(jnp.float32)
            + ep_ref[1, :NE].astype(jnp.float32))
    out_ref[...] = (esum * binv[:, None]).astype(jnp.bfloat16)


def _finish_body(np_ref, dp_ref, w_ref, b_ref, out_ref):
    dsum = jnp.sum(dp_ref[...], axis=0)
    dinv = jnp.where(dsum > 0, 1.0 / dsum, 0.0)
    t = (np_ref[0, :NN].astype(jnp.float32)
         + np_ref[1, :NN].astype(jnp.float32)) * dinv[:, None]
    out_ref[...] = (jnp.dot(t, w_ref[...], preferred_element_type=jnp.float32)
                    + b_ref[...])


def kernel(x, HE, HEW, W, b):
    src = HE[0]
    dst = HE[1]
    src_w = src.reshape(NW, NCH, CH)
    dst_w = dst.reshape(NW, NCH, CH)
    src_p = src.reshape(NW, NCHP, CHP)
    dst_p = dst.reshape(NW, NCHP, CHP)
    xb = x.astype(jnp.bfloat16)

    dp, bp = _degree(src_w, dst_w, HEW)
    dp = dp.reshape(NW, NN)
    bp = bp.reshape(NW, NE)

    ep = _phase(xb, src_p, dst_p)

    ef = pl.pallas_call(
        _combine_edges_body,
        out_shape=jax.ShapeDtypeStruct((NE, C), jnp.bfloat16),
    )(ep, bp)

    npar = _phase(ef, dst_p, src_p)

    out = pl.pallas_call(
        _finish_body,
        out_shape=jax.ShapeDtypeStruct((NN, C), jnp.float32),
    )(npar, dp, W, b.reshape(1, C))
    return out

# --- scband reference (transcript-rebuilt; emitter-appended) ---
"""Pipeline reference for scband-hyper-gcnconv-84980222918798 (READ-ONLY COPY).

The authoritative reference and input builder live on the scoring server;
editing this copy changes nothing except your own understanding.
"""

import jax, jax.numpy as jnp
import numpy as np

NUM_NODES = 10000
NUM_EDGES = 10000
NNZ = 320000
IN_C = 128
OUT_C = 128


def setup_inputs(seed: int = 0) -> dict:
    key = jax.random.key(seed)
    k1, k2, k3, k4, k5 = jax.random.split(key, 5)
    x = jax.random.normal(k1, (NUM_NODES, IN_C), dtype=jnp.float32)
    HE = jax.random.randint(k2, (2, NNZ), 0, NUM_EDGES)
    HEW = jax.random.uniform(k3, (NUM_EDGES,), dtype=jnp.float32)
    # learned params of the inner HypergraphConv (heads=1, use_attention=False)
    W = jax.random.normal(k4, (IN_C, OUT_C), dtype=jnp.float32) * (1.0 / np.sqrt(IN_C))
    b = jnp.zeros((OUT_C,), dtype=jnp.float32)
    return {"x": x, "HE": HE, "HEW": HEW, "W": W, "b": b}


def reference(x, HE, HEW, W, b):
    # Faithful translation of PyG HypergraphConv.forward (heads=1, no attention):
    # X' = D^{-1} H B^{-1} H^T (X Theta) + bias, with D_ii = sum_e w_e h_ie,
    # B_ee = sum_i h_ie (hyperedge_weight enters via D, as in the PyG impl).
    src = HE[0]  # node indices of incidence entries
    dst = HE[1]  # hyperedge indices of incidence entries

    xl = x @ W  # self.lin(x), bias=False

    D = jax.ops.segment_sum(HEW[dst], src, num_segments=NUM_NODES)
    Dinv = jnp.where(D > 0, 1.0 / D, 0.0)  # D[D == inf] = 0

    B = jax.ops.segment_sum(jnp.ones((NNZ,), dtype=x.dtype), dst, num_segments=NUM_EDGES)
    Binv = jnp.where(B > 0, 1.0 / B, 0.0)  # B[B == inf] = 0

    # propagate 1: node -> hyperedge, message = B_inv[edge] * x[node], sum-aggregate at edge
    m1 = Binv[dst][:, None] * xl[src]
    edge_feat = jax.ops.segment_sum(m1, dst, num_segments=NUM_EDGES)

    # propagate 2 (flipped): hyperedge -> node, message = D_inv[node] * edge_feat[edge]
    m2 = Dinv[src][:, None] * edge_feat[dst]
    out = jax.ops.segment_sum(m2, src, num_segments=NUM_NODES)

    # concat=True, heads=1 -> view(-1, out_channels) is identity; then add bias
    out = out + b
    return out

if __name__ == "__main__":
    import jax
    _d = setup_inputs()
    print(jax.jit(kernel)(*tuple(_d.values())))

</pallas_src>

<mosaic_0001>
#map = affine_map<(d0, d1) -> (0, 0)>
#map1 = affine_map<(d0, d1) -> (0, 0, 0)>
module attributes {stable_mosaic.version = 14 : i64} {
  func.func @_phase_body(%arg0: i32, %arg1: i32, %arg2: memref<10000x128xbf16, #tpu.memory_space<hbm>>, %arg3: memref<32x80x125xi32, #tpu.memory_space<hbm>>, %arg4: memref<32x80x125xi32, #tpu.memory_space<hbm>>, %arg5: memref<2x10240x128xbf16, #tpu.memory_space<hbm>>, %arg6: memref<80x125xi32, #tpu.memory_space<vmem>>, %arg7: memref<80x125xi32, #tpu.memory_space<vmem>>, %arg8: memref<125x128xbf16, #tpu.memory_space<vmem>>, %arg9: memref<125x128xbf16, #tpu.memory_space<vmem>>, %arg10: memref<125x128xbf16, #tpu.memory_space<vmem>>, %arg11: memref<125x128xbf16, #tpu.memory_space<vmem>>, %arg12: memref<125x128xbf16, #tpu.memory_space<vmem>>, %arg13: memref<125x128xbf16, #tpu.memory_space<vmem>>, %arg14: memref<125x128xbf16, #tpu.memory_space<vmem>>, %arg15: memref<125x128xbf16, #tpu.memory_space<vmem>>, %arg16: memref<10240x128xbf16, #tpu.memory_space<vmem_shared>>, %arg17: memref<!tpu.dma_semaphore, #tpu.memory_space<semaphore_mem>>, %arg18: memref<!tpu.dma_semaphore, #tpu.memory_space<semaphore_mem>>, %arg19: memref<!tpu.dma_semaphore, #tpu.memory_space<semaphore_mem>>, %arg20: memref<!tpu.dma_semaphore, #tpu.memory_space<semaphore_mem>>, %arg21: memref<!tpu.dma_semaphore, #tpu.memory_space<semaphore_mem>>, %arg22: memref<!tpu.dma_semaphore, #tpu.memory_space<semaphore_mem>>, %arg23: memref<!tpu.dma_semaphore, #tpu.memory_space<semaphore_mem>>, %arg24: memref<!tpu.dma_semaphore, #tpu.memory_space<semaphore_mem>>, %arg25: memref<!tpu.dma_semaphore, #tpu.memory_space<semaphore_mem>>, %arg26: memref<!tpu.dma_semaphore, #tpu.memory_space<semaphore_mem>>, %arg27: memref<!tpu.dma_semaphore, #tpu.memory_space<semaphore_mem>>, %arg28: memref<!tpu.dma_semaphore, #tpu.memory_space<semaphore_mem>>, %arg29: memref<!tpu.dma_semaphore, #tpu.memory_space<semaphore_mem>>, %arg30: memref<!tpu.dma_semaphore, #tpu.memory_space<semaphore_mem>>, %arg31: memref<!tpu.dma_semaphore, #tpu.memory_space<semaphore_mem>>, %arg32: memref<!tpu.dma_semaphore, #tpu.memory_space<semaphore_mem>>) attributes {dimension_semantics = [#tpu.dimension_semantics<core_parallel>, #tpu.dimension_semantics<subcore_parallel>], iteration_bounds = array<i64: 2, 16>, scalar_prefetch = 0 : i64, scratch_operands = 27 : i64, tpu.core_type = #tpu.core_type<sc_vector_subcore>, window_params = [{transform_indices = #map}, {transform_indices = #map1}, {transform_indices = #map1}, {transform_indices = #map1}]} {
    %mul3A = arith.constant 2 : i32
    %mul3A_0 = arith.muli %arg1, %mul3A : i32
    %add3A = arith.addi %mul3A_0, %arg0 : i32
    "tpu.region"() ({
      %run_scoped3A = tpu.sem_alloc : memref<!tpu.dma_semaphore, #tpu.memory_space<semaphore_mem>>
      %dma_start3A_142 = arith.constant 0 : i32
      %dma_start3A_143 = arith.constant 0 : i32
      %dma_start3A_144 = tpu.memref_slice %arg3[%add3A, %dma_start3A_142, %dma_start3A_143] : memref<32x80x125xi32, #tpu.memory_space<hbm>> -> memref<1x80x125xi32, #tpu.memory_space<hbm>>
      %dma_start3A_145 = tpu.memref_squeeze %dma_start3A_144 : memref<1x80x125xi32, #tpu.memory_space<hbm>> -> memref<80x125xi32, #tpu.memory_space<hbm>>
      %dma_start3A_146 = arith.constant 0 : i32
      %dma_start3A_147 = arith.constant 0 : i32
      %dma_start3A_148 = tpu.memref_slice %arg3[%add3A, %dma_start3A_146, %dma_start3A_147] : memref<32x80x125xi32, #tpu.memory_space<hbm>> -> memref<1x80x125xi32, #tpu.memory_space<hbm>>
      %dma_start3A_149 = tpu.memref_squeeze %dma_start3A_148 : memref<1x80x125xi32, #tpu.memory_space<hbm>> -> memref<80x125xi32, #tpu.memory_space<hbm>>
      tpu.enqueue_dma source(%dma_start3A_149 : memref<80x125xi32, #tpu.memory_space<hbm>>) target(%arg6 : memref<80x125xi32, #tpu.memory_space<vmem>>) target_semaphore(%run_scoped3A : memref<!tpu.dma_semaphore, #tpu.memory_space<semaphore_mem>>)
      %dma_wait3A_150 = arith.constant 0 : i32
      %dma_wait3A_151 = arith.constant 0 : i32
      %dma_wait3A_152 = tpu.memref_slice %arg3[%add3A, %dma_wait3A_150, %dma_wait3A_151] : memref<32x80x125xi32, #tpu.memory_space<hbm>> -> memref<1x80x125xi32, #tpu.memory_space<hbm>>
      %dma_wait3A_153 = tpu.memref_squeeze %dma_wait3A_152 : memref<1x80x125xi32, #tpu.memory_space<hbm>> -> memref<80x125xi32, #tpu.memory_space<hbm>>
      %dma_wait3A_154 = arith.constant 0 : i32
      %dma_wait3A_155 = arith.constant 0 : i32
      %dma_wait3A_156 = tpu.memref_slice %arg3[%add3A, %dma_wait3A_154, %dma_wait3A_155] : memref<32x80x125xi32, #tpu.memory_space<hbm>> -> memref<1x80x125xi32, #tpu.memory_space<hbm>>
      %dma_wait3A_157 = tpu.memref_squeeze %dma_wait3A_156 : memref<1x80x125xi32, #tpu.memory_space<hbm>> -> memref<80x125xi32, #tpu.memory_space<hbm>>
      tpu.wait_dma2 semaphore(%run_scoped3A : memref<!tpu.dma_semaphore, #tpu.memory_space<semaphore_mem>>) src(%dma_wait3A_157 : memref<80x125xi32, #tpu.memory_space<hbm>>) dst(%arg6 : memref<80x125xi32, #tpu.memory_space<vmem>>)
      tpu.yield
    }) : () -> ()
    "tpu.region"() ({
      %run_scoped3A = tpu.sem_alloc : memref<!tpu.dma_semaphore, #tpu.memory_space<semaphore_mem>>
      %dma_start3A_142 = arith.constant 0 : i32
      %dma_start3A_143 = arith.constant 0 : i32
      %dma_start3A_144 = tpu.memref_slice %arg4[%add3A, %dma_start3A_142, %dma_start3A_143] : memref<32x80x125xi32, #tpu.memory_space<hbm>> -> memref<1x80x125xi32, #tpu.memory_space<hbm>>
      %dma_start3A_145 = tpu.memref_squeeze %dma_start3A_144 : memref<1x80x125xi32, #tpu.memory_space<hbm>> -> memref<80x125xi32, #tpu.memory_space<hbm>>
      %dma_start3A_146 = arith.constant 0 : i32
      %dma_start3A_147 = arith.constant 0 : i32
      %dma_start3A_148 = tpu.memref_slice %arg4[%add3A, %dma_start3A_146, %dma_start3A_147] : memref<32x80x125xi32, #tpu.memory_space<hbm>> -> memref<1x80x125xi32, #tpu.memory_space<hbm>>
      %dma_start3A_149 = tpu.memref_squeeze %dma_start3A_148 : memref<1x80x125xi32, #tpu.memory_space<hbm>> -> memref<80x125xi32, #tpu.memory_space<hbm>>
      tpu.enqueue_dma source(%dma_start3A_149 : memref<80x125xi32, #tpu.memory_space<hbm>>) target(%arg7 : memref<80x125xi32, #tpu.memory_space<vmem>>) target_semaphore(%run_scoped3A : memref<!tpu.dma_semaphore, #tpu.memory_space<semaphore_mem>>)
      %dma_wait3A_150 = arith.constant 0 : i32
      %dma_wait3A_151 = arith.constant 0 : i32
      %dma_wait3A_152 = tpu.memref_slice %arg4[%add3A, %dma_wait3A_150, %dma_wait3A_151] : memref<32x80x125xi32, #tpu.memory_space<hbm>> -> memref<1x80x125xi32, #tpu.memory_space<hbm>>
      %dma_wait3A_153 = tpu.memref_squeeze %dma_wait3A_152 : memref<1x80x125xi32, #tpu.memory_space<hbm>> -> memref<80x125xi32, #tpu.memory_space<hbm>>
      %dma_wait3A_154 = arith.constant 0 : i32
      %dma_wait3A_155 = arith.constant 0 : i32
      %dma_wait3A_156 = tpu.memref_slice %arg4[%add3A, %dma_wait3A_154, %dma_wait3A_155] : memref<32x80x125xi32, #tpu.memory_space<hbm>> -> memref<1x80x125xi32, #tpu.memory_space<hbm>>
      %dma_wait3A_157 = tpu.memref_squeeze %dma_wait3A_156 : memref<1x80x125xi32, #tpu.memory_space<hbm>> -> memref<80x125xi32, #tpu.memory_space<hbm>>
      tpu.wait_dma2 semaphore(%run_scoped3A : memref<!tpu.dma_semaphore, #tpu.memory_space<semaphore_mem>>) src(%dma_wait3A_157 : memref<80x125xi32, #tpu.memory_space<hbm>>) dst(%arg7 : memref<80x125xi32, #tpu.memory_space<vmem>>)
      tpu.yield
    }) : () -> ()
    %broadcast_in_dim3A = arith.constant 0.000000e+00 : bf16
    %broadcast_in_dim3A_1 = vector.broadcast %broadcast_in_dim3A : bf16 to vector<32xbf16>
    %scan3A = arith.constant 0 : i32
    %scan3A_2 = arith.constant 0 : i32
    %scan3A_3 = arith.constant 500 : i32
    %scan3A_4 = arith.addi %scan3A_2, %scan3A_3 : i32
    %scan3A_5 = arith.constant 1 : i32
    scf.for %scan3A_142 = %scan3A_2 to %scan3A_4 step %scan3A_5  : i32 {
      %jit3A = arith.constant 4 : i32
      %div3A = arith.divsi %scan3A_142, %jit3A : i32
      %sign3A = arith.constant 0 : i32
      %sign3A_143 = arith.cmpi sgt, %scan3A_142, %sign3A : i32
      %sign3A_144 = arith.extui %sign3A_143 : i1 to i32
      %sign3A_145 = arith.constant 0 : i32
      %sign3A_146 = arith.cmpi slt, %scan3A_142, %sign3A_145 : i32
      %sign3A_147 = arith.extui %sign3A_146 : i1 to i32
      %sign3A_148 = arith.subi %sign3A_144, %sign3A_147 : i32
      %sign3A_149 = arith.constant 0 : i32
      %sign3A_150 = arith.cmpi sgt, %jit3A, %sign3A_149 : i32
      %sign3A_151 = arith.extui %sign3A_150 : i1 to i32
      %sign3A_152 = arith.constant 0 : i32
      %sign3A_153 = arith.cmpi slt, %jit3A, %sign3A_152 : i32
      %sign3A_154 = arith.extui %sign3A_153 : i1 to i32
      %sign3A_155 = arith.subi %sign3A_151, %sign3A_154 : i32
      %ne3A = arith.cmpi ne, %sign3A_148, %sign3A_155 : i32
      %rem3A = arith.remsi %scan3A_142, %jit3A : i32
      %ne3A_156 = arith.constant 0 : i32
      %ne3A_157 = arith.cmpi ne, %rem3A, %ne3A_156 : i32
      %and3A = arith.andi %ne3A, %ne3A_157 : i1
      %sub3A = arith.constant 1 : i32
      %sub3A_158 = arith.subi %div3A, %sub3A : i32
      %select_n3A = arith.select %and3A, %sub3A_158, %div3A : i32
      %jit3A_159 = arith.constant 4 : i32
      %eq3A = arith.constant 0 : i32
      %eq3A_160 = arith.cmpi eq, %jit3A_159, %eq3A : i32
      %jit3A_161 = arith.constant 1 : i32
      %select_n3A_162 = arith.select %eq3A_160, %jit3A_161, %jit3A_159 : i32
      %rem3A_163 = arith.remsi %scan3A_142, %select_n3A_162 : i32
      %ne3A_164 = arith.constant 0 : i32
      %ne3A_165 = arith.cmpi ne, %rem3A_163, %ne3A_164 : i32
      %lt3A = arith.constant 0 : i32
      %lt3A_166 = arith.cmpi slt, %rem3A_163, %lt3A : i32
      %lt3A_167 = arith.constant 0 : i32
      %lt3A_168 = arith.cmpi slt, %select_n3A_162, %lt3A_167 : i32
      %ne3A_169 = arith.xori %lt3A_166, %lt3A_168 : i1
      %and3A_170 = arith.andi %ne3A_169, %ne3A_165 : i1
      %add3A_171 = arith.addi %rem3A_163, %select_n3A_162 : i32
      %select_n3A_172 = arith.select %and3A_170, %add3A_171, %rem3A_163 : i32
      %mul3A_173 = arith.constant 32 : i32
      %mul3A_174 = arith.muli %select_n3A_172, %mul3A_173 : i32
      %swap3A = arith.index_cast %select_n3A : i32 to index
      %swap3A_175 = arith.index_cast %mul3A_174 : i32 to index
      %swap3A_176 = tpu.vector_load %arg8[%swap3A, %swap3A_175] {strides = array<i32>} : memref<125x128xbf16, #tpu.memory_space<vmem>>, vector<32xbf16>,
      tpu.vector_store %arg8[%swap3A, %swap3A_175], %broadcast_in_dim3A_1 {strides = array<i32>} : memref<125x128xbf16, #tpu.memory_space<vmem>>, vector<32xbf16>,
    }
    %scan3A_6 = arith.constant 500 : i32
    %mul3A_7 = arith.constant 640 : i32
    %mul3A_8 = arith.muli %arg1, %mul3A_7 : i32
    %multiple_of3A = tpu.assume_multiple %mul3A_8, 8 : i32
    %add3A_9 = arith.constant 0 : i32
    %add3A_10 = arith.addi %multiple_of3A, %add3A_9 : i32
    "tpu.region"() ({
      %run_scoped3A = tpu.sem_alloc : memref<!tpu.dma_semaphore, #tpu.memory_space<semaphore_mem>>
      %dma_start3A_142 = arith.constant 0 : i32
      %dma_start3A_143 = arith.constant 0 : i32
      %dma_start3A_144 = tpu.memref_slice %arg8[%dma_start3A_142, %dma_start3A_143] : memref<125x128xbf16, #tpu.memory_space<vmem>> -> memref<80x128xbf16, #tpu.memory_space<vmem>>
      %dma_start3A_145 = arith.constant 0 : i32
      %dma_start3A_146 = tpu.memref_slice %arg16[%add3A_10, %dma_start3A_145] : memref<10240x128xbf16, #tpu.memory_space<vmem_shared>> -> memref<80x128xbf16, #tpu.memory_space<vmem_shared>>
      %dma_start3A_147 = arith.constant 0 : i32
      %dma_start3A_148 = tpu.memref_slice %arg16[%add3A_10, %dma_start3A_147] : memref<10240x128xbf16, #tpu.memory_space<vmem_shared>> -> memref<80x128xbf16, #tpu.memory_space<vmem_shared>>
      %dma_start3A_149 = arith.constant 0 : i32
      %dma_start3A_150 = arith.constant 0 : i32
      %dma_start3A_151 = tpu.memref_slice %arg8[%dma_start3A_149, %dma_start3A_150] : memref<125x128xbf16, #tpu.memory_space<vmem>> -> memref<80x128xbf16, #tpu.memory_space<vmem>>
      tpu.enqueue_dma source(%dma_start3A_151 : memref<80x128xbf16, #tpu.memory_space<vmem>>) target(%dma_start3A_148 : memref<80x128xbf16, #tpu.memory_space<vmem_shared>>) target_semaphore(%run_scoped3A : memref<!tpu.dma_semaphore, #tpu.memory_space<semaphore_mem>>)
      %dma_wait3A_152 = arith.constant 0 : i32
      %dma_wait3A_153 = arith.constant 0 : i32
      %dma_wait3A_154 = tpu.memref_slice %arg8[%dma_wait3A_152, %dma_wait3A_153] : memref<125x128xbf16, #tpu.memory_space<vmem>> -> memref<80x128xbf16, #tpu.memory_space<vmem>>
      %dma_wait3A_155 = arith.constant 0 : i32
      %dma_wait3A_156 = tpu.memref_slice %arg16[%add3A_10, %dma_wait3A_155] : memref<10240x128xbf16, #tpu.memory_space<vmem_shared>> -> memref<80x128xbf16, #tpu.memory_space<vmem_shared>>
      %dma_wait3A_157 = arith.constant 0 : i32
      %dma_wait3A_158 = tpu.memref_slice %arg16[%add3A_10, %dma_wait3A_157] : memref<10240x128xbf16, #tpu.memory_space<vmem_shared>> -> memref<80x128xbf16, #tpu.memory_space<vmem_shared>>
      %dma_wait3A_159 = arith.constant 0 : i32
      %dma_wait3A_160 = arith.constant 0 : i32
      %dma_wait3A_161 = tpu.memref_slice %arg8[%dma_wait3A_159, %dma_wait3A_160] : memref<125x128xbf16, #tpu.memory_space<vmem>> -> memref<80x128xbf16, #tpu.memory_space<vmem>>
      tpu.wait_dma2 semaphore(%run_scoped3A : memref<!tpu.dma_semaphore, #tpu.memory_space<semaphore_mem>>) src(%dma_wait3A_161 : memref<80x128xbf16, #tpu.memory_space<vmem>>) dst(%dma_wait3A_158 : memref<80x128xbf16, #tpu.memory_space<vmem_shared>>)
      tpu.yield
    }) : () -> ()
    %add3A_11 = arith.constant 80 : i32
    %add3A_12 = arith.addi %multiple_of3A, %add3A_11 : i32
    "tpu.region"() ({
      %run_scoped3A = tpu.sem_alloc : memref<!tpu.dma_semaphore, #tpu.memory_space<semaphore_mem>>
      %dma_start3A_142 = arith.constant 0 : i32
      %dma_start3A_143 = arith.constant 0 : i32
      %dma_start3A_144 = tpu.memref_slice %arg8[%dma_start3A_142, %dma_start3A_143] : memref<125x128xbf16, #tpu.memory_space<vmem>> -> memref<80x128xbf16, #tpu.memory_space<vmem>>
      %dma_start3A_145 = arith.constant 0 : i32
      %dma_start3A_146 = tpu.memref_slice %arg16[%add3A_12, %dma_start3A_145] : memref<10240x128xbf16, #tpu.memory_space<vmem_shared>> -> memref<80x128xbf16, #tpu.memory_space<vmem_shared>>
      %dma_start3A_147 = arith.constant 0 : i32
      %dma_start3A_148 = tpu.memref_slice %arg16[%add3A_12, %dma_start3A_147] : memref<10240x128xbf16, #tpu.memory_space<vmem_shared>> -> memref<80x128xbf16, #tpu.memory_space<vmem_shared>>
      %dma_start3A_149 = arith.constant 0 : i32
      %dma_start3A_150 = arith.constant 0 : i32
      %dma_start3A_151 = tpu.memref_slice %arg8[%dma_start3A_149, %dma_start3A_150] : memref<125x128xbf16, #tpu.memory_space<vmem>> -> memref<80x128xbf16, #tpu.memory_space<vmem>>
      tpu.enqueue_dma source(%dma_start3A_151 : memref<80x128xbf16, #tpu.memory_space<vmem>>) target(%dma_start3A_148 : memref<80x128xbf16, #tpu.memory_space<vmem_shared>>) target_semaphore(%run_scoped3A : memref<!tpu.dma_semaphore, #tpu.memory_space<semaphore_mem>>)
      %dma_wait3A_152 = arith.constant 0 : i32
      %dma_wait3A_153 = arith.constant 0 : i32
      %dma_wait3A_154 = tpu.memref_slice %arg8[%dma_wait3A_152, %dma_wait3A_153] : memref<125x128xbf16, #tpu.memory_space<vmem>> -> memref<80x128xbf16, #tpu.memory_space<vmem>>
      %dma_wait3A_155 = arith.constant 0 : i32
      %dma_wait3A_156 = tpu.memref_slice %arg16[%add3A_12, %dma_wait3A_155] : memref<10240x128xbf16, #tpu.memory_space<vmem_shared>> -> memref<80x128xbf16, #tpu.memory_space<vmem_shared>>
      %dma_wait3A_157 = arith.constant 0 : i32
      %dma_wait3A_158 = tpu.memref_slice %arg16[%add3A_12, %dma_wait3A_157] : memref<10240x128xbf16, #tpu.memory_space<vmem_shared>> -> memref<80x128xbf16, #tpu.memory_space<vmem_shared>>
      %dma_wait3A_159 = arith.constant 0 : i32
      %dma_wait3A_160 = arith.constant 0 : i32
      %dma_wait3A_161 = tpu.memref_slice %arg8[%dma_wait3A_159, %dma_wait3A_160] : memref<125x128xbf16, #tpu.memory_space<vmem>> -> memref<80x128xbf16, #tpu.memory_space<vmem>>
      tpu.wait_dma2 semaphore(%run_scoped3A : memref<!tpu.dma_semaphore, #tpu.memory_space<semaphore_mem>>) src(%dma_wait3A_161 : memref<80x128xbf16, #tpu.memory_space<vmem>>) dst(%dma_wait3A_158 : memref<80x128xbf16, #tpu.memory_space<vmem_shared>>)
      tpu.yield
    }) : () -> ()
    %add3A_13 = arith.constant 160 : i32
    %add3A_14 = arith.addi %multiple_of3A, %add3A_13 : i32
    "tpu.region"() ({
      %run_scoped3A = tpu.sem_alloc : memref<!tpu.dma_semaphore, #tpu.memory_space<semaphore_mem>>
      %dma_start3A_142 = arith.constant 0 : i32
      %dma_start3A_143 = arith.constant 0 : i32
      %dma_start3A_144 = tpu.memref_slice %arg8[%dma_start3A_142, %dma_start3A_143] : memref<125x128xbf16, #tpu.memory_space<vmem>> -> memref<80x128xbf16, #tpu.memory_space<vmem>>
      %dma_start3A_145 = arith.constant 0 : i32
      %dma_start3A_146 = tpu.memref_slice %arg16[%add3A_14, %dma_start3A_145] : memref<10240x128xbf16, #tpu.memory_space<vmem_shared>> -> memref<80x128xbf16, #tpu.memory_space<vmem_shared>>
      %dma_start3A_147 = arith.constant 0 : i32
      %dma_start3A_148 = tpu.memref_slice %arg16[%add3A_14, %dma_start3A_147] : memref<10240x128xbf16, #tpu.memory_space<vmem_shared>> -> memref<80x128xbf16, #tpu.memory_space<vmem_shared>>
      %dma_start3A_149 = arith.constant 0 : i32
      %dma_start3A_150 = arith.constant 0 : i32
      %dma_start3A_151 = tpu.memref_slice %arg8[%dma_start3A_149, %dma_start3A_150] : memref<125x128xbf16, #tpu.memory_space<vmem>> -> memref<80x128xbf16, #tpu.memory_space<vmem>>
      tpu.enqueue_dma source(%dma_start3A_151 : memref<80x128xbf16, #tpu.memory_space<vmem>>) target(%dma_start3A_148 : memref<80x128xbf16, #tpu.memory_space<vmem_shared>>) target_semaphore(%run_scoped3A : memref<!tpu.dma_semaphore, #tpu.memory_space<semaphore_mem>>)
      %dma_wait3A_152 = arith.constant 0 : i32
      %dma_wait3A_153 = arith.constant 0 : i32
      %dma_wait3A_154 = tpu.memref_slice %arg8[%dma_wait3A_152, %dma_wait3A_153] : memref<125x128xbf16, #tpu.memory_space<vmem>> -> memref<80x128xbf16, #tpu.memory_space<vmem>>
      %dma_wait3A_155 = arith.constant 0 : i32
      %dma_wait3A_156 = tpu.memref_slice %arg16[%add3A_14, %dma_wait3A_155] : memref<10240x128xbf16, #tpu.memory_space<vmem_shared>> -> memref<80x128xbf16, #tpu.memory_space<vmem_shared>>
      %dma_wait3A_157 = arith.constant 0 : i32
      %dma_wait3A_158 = tpu.memref_slice %arg16[%add3A_14, %dma_wait3A_157] : memref<10240x128xbf16, #tpu.memory_space<vmem_shared>> -> memref<80x128xbf16, #tpu.memory_space<vmem_shared>>
      %dma_wait3A_159 = arith.constant 0 : i32
      %dma_wait3A_160 = arith.constant 0 : i32
      %dma_wait3A_161 = tpu.memref_slice %arg8[%dma_wait3A_159, %dma_wait3A_160] : memref<125x128xbf16, #tpu.memory_space<vmem>> -> memref<80x128xbf16, #tpu.memory_space<vmem>>
      tpu.wait_dma2 semaphore(%run_scoped3A : memref<!tpu.dma_semaphore, #tpu.memory_space<semaphore_mem>>) src(%dma_wait3A_161 : memref<80x128xbf16, #tpu.memory_space<vmem>>) dst(%dma_wait3A_158 : memref<80x128xbf16, #tpu.memory_space<vmem_shared>>)
      tpu.yield
    }) : () -> ()
    %add3A_15 = arith.constant 240 : i32
    %add3A_16 = arith.addi %multiple_of3A, %add3A_15 : i32
    "tpu.region"() ({
      %run_scoped3A = tpu.sem_alloc : memref<!tpu.dma_semaphore, #tpu.memory_space<semaphore_mem>>
      %dma_start3A_142 = arith.constant 0 : i32
      %dma_start3A_143 = arith.constant 0 : i32
      %dma_start3A_144 = tpu.memref_slice %arg8[%dma_start3A_142, %dma_start3A_143] : memref<125x128xbf16, #tpu.memory_space<vmem>> -> memref<80x128xbf16, #tpu.memory_space<vmem>>
      %dma_start3A_145 = arith.constant 0 : i32
      %dma_start3A_146 = tpu.memref_slice %arg16[%add3A_16, %dma_start3A_145] : memref<10240x128xbf16, #tpu.memory_space<vmem_shared>> -> memref<80x128xbf16, #tpu.memory_space<vmem_shared>>
      %dma_start3A_147 = arith.constant 0 : i32
      %dma_start3A_148 = tpu.memref_slice %arg16[%add3A_16, %dma_start3A_147] : memref<10240x128xbf16, #tpu.memory_space<vmem_shared>> -> memref<80x128xbf16, #tpu.memory_space<vmem_shared>>
      %dma_start3A_149 = arith.constant 0 : i32
      %dma_start3A_150 = arith.constant 0 : i32
      %dma_start3A_151 = tpu.memref_slice %arg8[%dma_start3A_149, %dma_start3A_150] : memref<125x128xbf16, #tpu.memory_space<vmem>> -> memref<80x128xbf16, #tpu.memory_space<vmem>>
      tpu.enqueue_dma source(%dma_start3A_151 : memref<80x128xbf16, #tpu.memory_space<vmem>>) target(%dma_start3A_148 : memref<80x128xbf16, #tpu.memory_space<vmem_shared>>) target_semaphore(%run_scoped3A : memref<!tpu.dma_semaphore, #tpu.memory_space<semaphore_mem>>)
      %dma_wait3A_152 = arith.constant 0 : i32
      %dma_wait3A_153 = arith.constant 0 : i32
      %dma_wait3A_154 = tpu.memref_slice %arg8[%dma_wait3A_152, %dma_wait3A_153] : memref<125x128xbf16, #tpu.memory_space<vmem>> -> memref<80x128xbf16, #tpu.memory_space<vmem>>
      %dma_wait3A_155 = arith.constant 0 : i32
      %dma_wait3A_156 = tpu.memref_slice %arg16[%add3A_16, %dma_wait3A_155] : memref<10240x128xbf16, #tpu.memory_space<vmem_shared>> -> memref<80x128xbf16, #tpu.memory_space<vmem_shared>>
      %dma_wait3A_157 = arith.constant 0 : i32
      %dma_wait3A_158 = tpu.memref_slice %arg16[%add3A_16, %dma_wait3A_157] : memref<10240x128xbf16, #tpu.memory_space<vmem_shared>> -> memref<80x128xbf16, #tpu.memory_space<vmem_shared>>
      %dma_wait3A_159 = arith.constant 0 : i32
      %dma_wait3A_160 = arith.constant 0 : i32
      %dma_wait3A_161 = tpu.memref_slice %arg8[%dma_wait3A_159, %dma_wait3A_160] : memref<125x128xbf16, #tpu.memory_space<vmem>> -> memref<80x128xbf16, #tpu.memory_space<vmem>>
      tpu.wait_dma2 semaphore(%run_scoped3A : memref<!tpu.dma_semaphore, #tpu.memory_space<semaphore_mem>>) src(%dma_wait3A_161 : memref<80x128xbf16, #tpu.memory_space<vmem>>) dst(%dma_wait3A_158 : memref<80x128xbf16, #tpu.memory_space<vmem_shared>>)
      tpu.yield
    }) : () -> ()
    %add3A_17 = arith.constant 320 : i32
    %add3A_18 = arith.addi %multiple_of3A, %add3A_17 : i32
    "tpu.region"() ({
      %run_scoped3A = tpu.sem_alloc : memref<!tpu.dma_semaphore, #tpu.memory_space<semaphore_mem>>
      %dma_start3A_142 = arith.constant 0 : i32
      %dma_start3A_143 = arith.constant 0 : i32
      %dma_start3A_144 = tpu.memref_slice %arg8[%dma_start3A_142, %dma_start3A_143] : memref<125x128xbf16, #tpu.memory_space<vmem>> -> memref<80x128xbf16, #tpu.memory_space<vmem>>
      %dma_start3A_145 = arith.constant 0 : i32
      %dma_start3A_146 = tpu.memref_slice %arg16[%add3A_18, %dma_start3A_145] : memref<10240x128xbf16, #tpu.memory_space<vmem_shared>> -> memref<80x128xbf16, #tpu.memory_space<vmem_shared>>
      %dma_start3A_147 = arith.constant 0 : i32
      %dma_start3A_148 = tpu.memref_slice %arg16[%add3A_18, %dma_start3A_147] : memref<10240x128xbf16, #tpu.memory_space<vmem_shared>> -> memref<80x128xbf16, #tpu.memory_space<vmem_shared>>
      %dma_start3A_149 = arith.constant 0 : i32
      %dma_start3A_150 = arith.constant 0 : i32
      %dma_start3A_151 = tpu.memref_slice %arg8[%dma_start3A_149, %dma_start3A_150] : memref<125x128xbf16, #tpu.memory_space<vmem>> -> memref<80x128xbf16, #tpu.memory_space<vmem>>
      tpu.enqueue_dma source(%dma_start3A_151 : memref<80x128xbf16, #tpu.memory_space<vmem>>) target(%dma_start3A_148 : memref<80x128xbf16, #tpu.memory_space<vmem_shared>>) target_semaphore(%run_scoped3A : memref<!tpu.dma_semaphore, #tpu.memory_space<semaphore_mem>>)
      %dma_wait3A_152 = arith.constant 0 : i32
      %dma_wait3A_153 = arith.constant 0 : i32
      %dma_wait3A_154 = tpu.memref_slice %arg8[%dma_wait3A_152, %dma_wait3A_153] : memref<125x128xbf16, #tpu.memory_space<vmem>> -> memref<80x128xbf16, #tpu.memory_space<vmem>>
      %dma_wait3A_155 = arith.constant 0 : i32
      %dma_wait3A_156 = tpu.memref_slice %arg16[%add3A_18, %dma_wait3A_155] : memref<10240x128xbf16, #tpu.memory_space<vmem_shared>> -> memref<80x128xbf16, #tpu.memory_space<vmem_shared>>
      %dma_wait3A_157 = arith.constant 0 : i32
      %dma_wait3A_158 = tpu.memref_slice %arg16[%add3A_18, %dma_wait3A_157] : memref<10240x128xbf16, #tpu.memory_space<vmem_shared>> -> memref<80x128xbf16, #tpu.memory_space<vmem_shared>>
      %dma_wait3A_159 = arith.constant 0 : i32
      %dma_wait3A_160 = arith.constant 0 : i32
      %dma_wait3A_161 = tpu.memref_slice %arg8[%dma_wait3A_159, %dma_wait3A_160] : memref<125x128xbf16, #tpu.memory_space<vmem>> -> memref<80x128xbf16, #tpu.memory_space<vmem>>
      tpu.wait_dma2 semaphore(%run_scoped3A : memref<!tpu.dma_semaphore, #tpu.memory_space<semaphore_mem>>) src(%dma_wait3A_161 : memref<80x128xbf16, #tpu.memory_space<vmem>>) dst(%dma_wait3A_158 : memref<80x128xbf16, #tpu.memory_space<vmem_shared>>)
      tpu.yield
    }) : () -> ()
    %add3A_19 = arith.constant 400 : i32
    %add3A_20 = arith.addi %multiple_of3A, %add3A_19 : i32
    "tpu.region"() ({
      %run_scoped3A = tpu.sem_alloc : memref<!tpu.dma_semaphore, #tpu.memory_space<semaphore_mem>>
      %dma_start3A_142 = arith.constant 0 : i32
      %dma_start3A_143 = arith.constant 0 : i32
      %dma_start3A_144 = tpu.memref_slice %arg8[%dma_start3A_142, %dma_start3A_143] : memref<125x128xbf16, #tpu.memory_space<vmem>> -> memref<80x128xbf16, #tpu.memory_space<vmem>>
      %dma_start3A_145 = arith.constant 0 : i32
      %dma_start3A_146 = tpu.memref_slice %arg16[%add3A_20, %dma_start3A_145] : memref<10240x128xbf16, #tpu.memory_space<vmem_shared>> -> memref<80x128xbf16, #tpu.memory_space<vmem_shared>>
      %dma_start3A_147 = arith.constant 0 : i32
      %dma_start3A_148 = tpu.memref_slice %arg16[%add3A_20, %dma_start3A_147] : memref<10240x128xbf16, #tpu.memory_space<vmem_shared>> -> memref<80x128xbf16, #tpu.memory_space<vmem_shared>>
      %dma_start3A_149 = arith.constant 0 : i32
      %dma_start3A_150 = arith.constant 0 : i32
      %dma_start3A_151 = tpu.memref_slice %arg8[%dma_start3A_149, %dma_start3A_150] : memref<125x128xbf16, #tpu.memory_space<vmem>> -> memref<80x128xbf16, #tpu.memory_space<vmem>>
      tpu.enqueue_dma source(%dma_start3A_151 : memref<80x128xbf16, #tpu.memory_space<vmem>>) target(%dma_start3A_148 : memref<80x128xbf16, #tpu.memory_space<vmem_shared>>) target_semaphore(%run_scoped3A : memref<!tpu.dma_semaphore, #tpu.memory_space<semaphore_mem>>)
      %dma_wait3A_152 = arith.constant 0 : i32
      %dma_wait3A_153 = arith.constant 0 : i32
      %dma_wait3A_154 = tpu.memref_slice %arg8[%dma_wait3A_152, %dma_wait3A_153] : memref<125x128xbf16, #tpu.memory_space<vmem>> -> memref<80x128xbf16, #tpu.memory_space<vmem>>
      %dma_wait3A_155 = arith.constant 0 : i32
      %dma_wait3A_156 = tpu.memref_slice %arg16[%add3A_20, %dma_wait3A_155] : memref<10240x128xbf16, #tpu.memory_space<vmem_shared>> -> memref<80x128xbf16, #tpu.memory_space<vmem_shared>>
      %dma_wait3A_157 = arith.constant 0 : i32
      %dma_wait3A_158 = tpu.memref_slice %arg16[%add3A_20, %dma_wait3A_157] : memref<10240x128xbf16, #tpu.memory_space<vmem_shared>> -> memref<80x128xbf16, #tpu.memory_space<vmem_shared>>
      %dma_wait3A_159 = arith.constant 0 : i32
      %dma_wait3A_160 = arith.constant 0 : i32
      %dma_wait3A_161 = tpu.memref_slice %arg8[%dma_wait3A_159, %dma_wait3A_160] : memref<125x128xbf16, #tpu.memory_space<vmem>> -> memref<80x128xbf16, #tpu.memory_space<vmem>>
      tpu.wait_dma2 semaphore(%run_scoped3A : memref<!tpu.dma_semaphore, #tpu.memory_space<semaphore_mem>>) src(%dma_wait3A_161 : memref<80x128xbf16, #tpu.memory_space<vmem>>) dst(%dma_wait3A_158 : memref<80x128xbf16, #tpu.memory_space<vmem_shared>>)
      tpu.yield
    }) : () -> ()
    %add3A_21 = arith.constant 480 : i32
    %add3A_22 = arith.addi %multiple_of3A, %add3A_21 : i32
    "tpu.region"() ({
      %run_scoped3A = tpu.sem_alloc : memref<!tpu.dma_semaphore, #tpu.memory_space<semaphore_mem>>
      %dma_start3A_142 = arith.constant 0 : i32
      %dma_start3A_143 = arith.constant 0 : i32
      %dma_start3A_144 = tpu.memref_slice %arg8[%dma_start3A_142, %dma_start3A_143] : memref<125x128xbf16, #tpu.memory_space<vmem>> -> memref<80x128xbf16, #tpu.memory_space<vmem>>
      %dma_start3A_145 = arith.constant 0 : i32
      %dma_start3A_146 = tpu.memref_slice %arg16[%add3A_22, %dma_start3A_145] : memref<10240x128xbf16, #tpu.memory_space<vmem_shared>> -> memref<80x128xbf16, #tpu.memory_space<vmem_shared>>
      %dma_start3A_147 = arith.constant 0 : i32
      %dma_start3A_148 = tpu.memref_slice %arg16[%add3A_22, %dma_start3A_147] : memref<10240x128xbf16, #tpu.memory_space<vmem_shared>> -> memref<80x128xbf16, #tpu.memory_space<vmem_shared>>
      %dma_start3A_149 = arith.constant 0 : i32
      %dma_start3A_150 = arith.constant 0 : i32
      %dma_start3A_151 = tpu.memref_slice %arg8[%dma_start3A_149, %dma_start3A_150] : memref<125x128xbf16, #tpu.memory_space<vmem>> -> memref<80x128xbf16, #tpu.memory_space<vmem>>
      tpu.enqueue_dma source(%dma_start3A_151 : memref<80x128xbf16, #tpu.memory_space<vmem>>) target(%dma_start3A_148 : memref<80x128xbf16, #tpu.memory_space<vmem_shared>>) target_semaphore(%run_scoped3A : memref<!tpu.dma_semaphore, #tpu.memory_space<semaphore_mem>>)
      %dma_wait3A_152 = arith.constant 0 : i32
      %dma_wait3A_153 = arith.constant 0 : i32
      %dma_wait3A_154 = tpu.memref_slice %arg8[%dma_wait3A_152, %dma_wait3A_153] : memref<125x128xbf16, #tpu.memory_space<vmem>> -> memref<80x128xbf16, #tpu.memory_space<vmem>>
      %dma_wait3A_155 = arith.constant 0 : i32
      %dma_wait3A_156 = tpu.memref_slice %arg16[%add3A_22, %dma_wait3A_155] : memref<10240x128xbf16, #tpu.memory_space<vmem_shared>> -> memref<80x128xbf16, #tpu.memory_space<vmem_shared>>
      %dma_wait3A_157 = arith.constant 0 : i32
      %dma_wait3A_158 = tpu.memref_slice %arg16[%add3A_22, %dma_wait3A_157] : memref<10240x128xbf16, #tpu.memory_space<vmem_shared>> -> memref<80x128xbf16, #tpu.memory_space<vmem_shared>>
      %dma_wait3A_159 = arith.constant 0 : i32
      %dma_wait3A_160 = arith.constant 0 : i32
      %dma_wait3A_161 = tpu.memref_slice %arg8[%dma_wait3A_159, %dma_wait3A_160] : memref<125x128xbf16, #tpu.memory_space<vmem>> -> memref<80x128xbf16, #tpu.memory_space<vmem>>
      tpu.wait_dma2 semaphore(%run_scoped3A : memref<!tpu.dma_semaphore, #tpu.memory_space<semaphore_mem>>) src(%dma_wait3A_161 : memref<80x128xbf16, #tpu.memory_space<vmem>>) dst(%dma_wait3A_158 : memref<80x128xbf16, #tpu.memory_space<vmem_shared>>)
      tpu.yield
    }) : () -> ()
    %add3A_23 = arith.constant 560 : i32
    %add3A_24 = arith.addi %multiple_of3A, %add3A_23 : i32
    "tpu.region"() ({
      %run_scoped3A = tpu.sem_alloc : memref<!tpu.dma_semaphore, #tpu.memory_space<semaphore_mem>>
      %dma_start3A_142 = arith.constant 0 : i32
      %dma_start3A_143 = arith.constant 0 : i32
      %dma_start3A_144 = tpu.memref_slice %arg8[%dma_start3A_142, %dma_start3A_143] : memref<125x128xbf16, #tpu.memory_space<vmem>> -> memref<80x128xbf16, #tpu.memory_space<vmem>>
      %dma_start3A_145 = arith.constant 0 : i32
      %dma_start3A_146 = tpu.memref_slice %arg16[%add3A_24, %dma_start3A_145] : memref<10240x128xbf16, #tpu.memory_space<vmem_shared>> -> memref<80x128xbf16, #tpu.memory_space<vmem_shared>>
      %dma_start3A_147 = arith.constant 0 : i32
      %dma_start3A_148 = tpu.memref_slice %arg16[%add3A_24, %dma_start3A_147] : memref<10240x128xbf16, #tpu.memory_space<vmem_shared>> -> memref<80x128xbf16, #tpu.memory_space<vmem_shared>>
      %dma_start3A_149 = arith.constant 0 : i32
      %dma_start3A_150 = arith.constant 0 : i32
      %dma_start3A_151 = tpu.memref_slice %arg8[%dma_start3A_149, %dma_start3A_150] : memref<125x128xbf16, #tpu.memory_space<vmem>> -> memref<80x128xbf16, #tpu.memory_space<vmem>>
      tpu.enqueue_dma source(%dma_start3A_151 : memref<80x128xbf16, #tpu.memory_space<vmem>>) target(%dma_start3A_148 : memref<80x128xbf16, #tpu.memory_space<vmem_shared>>) target_semaphore(%run_scoped3A : memref<!tpu.dma_semaphore, #tpu.memory_space<semaphore_mem>>)
      %dma_wait3A_152 = arith.constant 0 : i32
      %dma_wait3A_153 = arith.constant 0 : i32
      %dma_wait3A_154 = tpu.memref_slice %arg8[%dma_wait3A_152, %dma_wait3A_153] : memref<125x128xbf16, #tpu.memory_space<vmem>> -> memref<80x128xbf16, #tpu.memory_space<vmem>>
      %dma_wait3A_155 = arith.constant 0 : i32
      %dma_wait3A_156 = tpu.memref_slice %arg16[%add3A_24, %dma_wait3A_155] : memref<10240x128xbf16, #tpu.memory_space<vmem_shared>> -> memref<80x128xbf16, #tpu.memory_space<vmem_shared>>
      %dma_wait3A_157 = arith.constant 0 : i32
      %dma_wait3A_158 = tpu.memref_slice %arg16[%add3A_24, %dma_wait3A_157] : memref<10240x128xbf16, #tpu.memory_space<vmem_shared>> -> memref<80x128xbf16, #tpu.memory_space<vmem_shared>>
      %dma_wait3A_159 = arith.constant 0 : i32
      %dma_wait3A_160 = arith.constant 0 : i32
      %dma_wait3A_161 = tpu.memref_slice %arg8[%dma_wait3A_159, %dma_wait3A_160] : memref<125x128xbf16, #tpu.memory_space<vmem>> -> memref<80x128xbf16, #tpu.memory_space<vmem>>
      tpu.wait_dma2 semaphore(%run_scoped3A : memref<!tpu.dma_semaphore, #tpu.memory_space<semaphore_mem>>) src(%dma_wait3A_161 : memref<80x128xbf16, #tpu.memory_space<vmem>>) dst(%dma_wait3A_158 : memref<80x128xbf16, #tpu.memory_space<vmem_shared>>)
      tpu.yield
    }) : () -> ()
    %barrier3A = arith.constant 0 : index
    tpu.barrier barrier_id(%barrier3A)
    %dma_start3A = arith.constant 0 : i32
    %dma_start3A_25 = arith.constant 0 : i32
    %dma_start3A_26 = tpu.memref_slice %arg6[%dma_start3A, %dma_start3A_25] : memref<80x125xi32, #tpu.memory_space<vmem>> -> memref<1x125xi32, #tpu.memory_space<vmem>>
    %dma_start3A_27 = tpu.memref_squeeze %dma_start3A_26 : memref<1x125xi32, #tpu.memory_space<vmem>> -> memref<125xi32, #tpu.memory_space<vmem>>
    %dma_start3A_28 = arith.constant 0 : i32
    %dma_start3A_29 = arith.constant 0 : i32
    %dma_start3A_30 = tpu.memref_slice %arg2[%dma_start3A_28, %dma_start3A_29] : memref<10000x128xbf16, #tpu.memory_space<hbm>> -> memref<10000x128xbf16, #tpu.memory_space<hbm>>
    tpu.enqueue_indirect_dma source(%dma_start3A_30 : memref<10000x128xbf16, #tpu.memory_space<hbm>>) target(%arg8 : memref<125x128xbf16, #tpu.memory_space<vmem>>) offsets(%dma_start3A_27 : memref<125xi32, #tpu.memory_space<vmem>>) semaphore(%arg17 : memref<!tpu.dma_semaphore, #tpu.memory_space<semaphore_mem>>)
    %dma_start3A_31 = arith.constant 1 : i32
    %dma_start3A_32 = arith.constant 0 : i32
    %dma_start3A_33 = tpu.memref_slice %arg6[%dma_start3A_31, %dma_start3A_32] : memref<80x125xi32, #tpu.memory_space<vmem>> -> memref<1x125xi32, #tpu.memory_space<vmem>>
    %dma_start3A_34 = tpu.memref_squeeze %dma_start3A_33 : memref<1x125xi32, #tpu.memory_space<vmem>> -> memref<125xi32, #tpu.memory_space<vmem>>
    %dma_start3A_35 = arith.constant 0 : i32
    %dma_start3A_36 = arith.constant 0 : i32
    %dma_start3A_37 = tpu.memref_slice %arg2[%dma_start3A_35, %dma_start3A_36] : memref<10000x128xbf16, #tpu.memory_space<hbm>> -> memref<10000x128xbf16, #tpu.memory_space<hbm>>
    tpu.enqueue_indirect_dma source(%dma_start3A_37 : memref<10000x128xbf16, #tpu.memory_space<hbm>>) target(%arg9 : memref<125x128xbf16, #tpu.memory_space<vmem>>) offsets(%dma_start3A_34 : memref<125xi32, #tpu.memory_space<vmem>>) semaphore(%arg18 : memref<!tpu.dma_semaphore, #tpu.memory_space<semaphore_mem>>)
    %dma_start3A_38 = arith.constant 2 : i32
    %dma_start3A_39 = arith.constant 0 : i32
    %dma_start3A_40 = tpu.memref_slice %arg6[%dma_start3A_38, %dma_start3A_39] : memref<80x125xi32, #tpu.memory_space<vmem>> -> memref<1x125xi32, #tpu.memory_space<vmem>>
    %dma_start3A_41 = tpu.memref_squeeze %dma_start3A_40 : memref<1x125xi32, #tpu.memory_space<vmem>> -> memref<125xi32, #tpu.memory_space<vmem>>
    %dma_start3A_42 = arith.constant 0 : i32
    %dma_start3A_43 = arith.constant 0 : i32
    %dma_start3A_44 = tpu.memref_slice %arg2[%dma_start3A_42, %dma_start3A_43] : memref<10000x128xbf16, #tpu.memory_space<hbm>> -> memref<10000x128xbf16, #tpu.memory_space<hbm>>
    tpu.enqueue_indirect_dma source(%dma_start3A_44 : memref<10000x128xbf16, #tpu.memory_space<hbm>>) target(%arg10 : memref<125x128xbf16, #tpu.memory_space<vmem>>) offsets(%dma_start3A_41 : memref<125xi32, #tpu.memory_space<vmem>>) semaphore(%arg19 : memref<!tpu.dma_semaphore, #tpu.memory_space<semaphore_mem>>)
    %dma_start3A_45 = arith.constant 3 : i32
    %dma_start3A_46 = arith.constant 0 : i32
    %dma_start3A_47 = tpu.memref_slice %arg6[%dma_start3A_45, %dma_start3A_46] : memref<80x125xi32, #tpu.memory_space<vmem>> -> memref<1x125xi32, #tpu.memory_space<vmem>>
    %dma_start3A_48 = tpu.memref_squeeze %dma_start3A_47 : memref<1x125xi32, #tpu.memory_space<vmem>> -> memref<125xi32, #tpu.memory_space<vmem>>
    %dma_start3A_49 = arith.constant 0 : i32
    %dma_start3A_50 = arith.constant 0 : i32
    %dma_start3A_51 = tpu.memref_slice %arg2[%dma_start3A_49, %dma_start3A_50] : memref<10000x128xbf16, #tpu.memory_space<hbm>> -> memref<10000x128xbf16, #tpu.memory_space<hbm>>
    tpu.enqueue_indirect_dma source(%dma_start3A_51 : memref<10000x128xbf16, #tpu.memory_space<hbm>>) target(%arg11 : memref<125x128xbf16, #tpu.memory_space<vmem>>) offsets(%dma_start3A_48 : memref<125xi32, #tpu.memory_space<vmem>>) semaphore(%arg20 : memref<!tpu.dma_semaphore, #tpu.memory_space<semaphore_mem>>)
    %dma_start3A_52 = arith.constant 4 : i32
    %dma_start3A_53 = arith.constant 0 : i32
    %dma_start3A_54 = tpu.memref_slice %arg6[%dma_start3A_52, %dma_start3A_53] : memref<80x125xi32, #tpu.memory_space<vmem>> -> memref<1x125xi32, #tpu.memory_space<vmem>>
    %dma_start3A_55 = tpu.memref_squeeze %dma_start3A_54 : memref<1x125xi32, #tpu.memory_space<vmem>> -> memref<125xi32, #tpu.memory_space<vmem>>
    %dma_start3A_56 = arith.constant 0 : i32
    %dma_start3A_57 = arith.constant 0 : i32
    %dma_start3A_58 = tpu.memref_slice %arg2[%dma_start3A_56, %dma_start3A_57] : memref<10000x128xbf16, #tpu.memory_space<hbm>> -> memref<10000x128xbf16, #tpu.memory_space<hbm>>
    tpu.enqueue_indirect_dma source(%dma_start3A_58 : memref<10000x128xbf16, #tpu.memory_space<hbm>>) target(%arg12 : memref<125x128xbf16, #tpu.memory_space<vmem>>) offsets(%dma_start3A_55 : memref<125xi32, #tpu.memory_space<vmem>>) semaphore(%arg21 : memref<!tpu.dma_semaphore, #tpu.memory_space<semaphore_mem>>)
    %dma_start3A_59 = arith.constant 5 : i32
    %dma_start3A_60 = arith.constant 0 : i32
    %dma_start3A_61 = tpu.memref_slice %arg6[%dma_start3A_59, %dma_start3A_60] : memref<80x125xi32, #tpu.memory_space<vmem>> -> memref<1x125xi32, #tpu.memory_space<vmem>>
    %dma_start3A_62 = tpu.memref_squeeze %dma_start3A_61 : memref<1x125xi32, #tpu.memory_space<vmem>> -> memref<125xi32, #tpu.memory_space<vmem>>
    %dma_start3A_63 = arith.constant 0 : i32
    %dma_start3A_64 = arith.constant 0 : i32
    %dma_start3A_65 = tpu.memref_slice %arg2[%dma_start3A_63, %dma_start3A_64] : memref<10000x128xbf16, #tpu.memory_space<hbm>> -> memref<10000x128xbf16, #tpu.memory_space<hbm>>
    tpu.enqueue_indirect_dma source(%dma_start3A_65 : memref<10000x128xbf16, #tpu.memory_space<hbm>>) target(%arg13 : memref<125x128xbf16, #tpu.memory_space<vmem>>) offsets(%dma_start3A_62 : memref<125xi32, #tpu.memory_space<vmem>>) semaphore(%arg22 : memref<!tpu.dma_semaphore, #tpu.memory_space<semaphore_mem>>)
    %dma_start3A_66 = arith.constant 6 : i32
    %dma_start3A_67 = arith.constant 0 : i32
    %dma_start3A_68 = tpu.memref_slice %arg6[%dma_start3A_66, %dma_start3A_67] : memref<80x125xi32, #tpu.memory_space<vmem>> -> memref<1x125xi32, #tpu.memory_space<vmem>>
    %dma_start3A_69 = tpu.memref_squeeze %dma_start3A_68 : memref<1x125xi32, #tpu.memory_space<vmem>> -> memref<125xi32, #tpu.memory_space<vmem>>
    %dma_start3A_70 = arith.constant 0 : i32
    %dma_start3A_71 = arith.constant 0 : i32
    %dma_start3A_72 = tpu.memref_slice %arg2[%dma_start3A_70, %dma_start3A_71] : memref<10000x128xbf16, #tpu.memory_space<hbm>> -> memref<10000x128xbf16, #tpu.memory_space<hbm>>
    tpu.enqueue_indirect_dma source(%dma_start3A_72 : memref<10000x128xbf16, #tpu.memory_space<hbm>>) target(%arg14 : memref<125x128xbf16, #tpu.memory_space<vmem>>) offsets(%dma_start3A_69 : memref<125xi32, #tpu.memory_space<vmem>>) semaphore(%arg23 : memref<!tpu.dma_semaphore, #tpu.memory_space<semaphore_mem>>)
    %dma_start3A_73 = arith.constant 7 : i32
    %dma_start3A_74 = arith.constant 0 : i32
    %dma_start3A_75 = tpu.memref_slice %arg6[%dma_start3A_73, %dma_start3A_74] : memref<80x125xi32, #tpu.memory_space<vmem>> -> memref<1x125xi32, #tpu.memory_space<vmem>>
    %dma_start3A_76 = tpu.memref_squeeze %dma_start3A_75 : memref<1x125xi32, #tpu.memory_space<vmem>> -> memref<125xi32, #tpu.memory_space<vmem>>
    %dma_start3A_77 = arith.constant 0 : i32
    %dma_start3A_78 = arith.constant 0 : i32
    %dma_start3A_79 = tpu.memref_slice %arg2[%dma_start3A_77, %dma_start3A_78] : memref<10000x128xbf16, #tpu.memory_space<hbm>> -> memref<10000x128xbf16, #tpu.memory_space<hbm>>
    tpu.enqueue_indirect_dma source(%dma_start3A_79 : memref<10000x128xbf16, #tpu.memory_space<hbm>>) target(%arg15 : memref<125x128xbf16, #tpu.memory_space<vmem>>) offsets(%dma_start3A_76 : memref<125xi32, #tpu.memory_space<vmem>>) semaphore(%arg24 : memref<!tpu.dma_semaphore, #tpu.memory_space<semaphore_mem>>)
    %scan3A_80 = arith.constant 0 : i32
    %scan3A_81 = arith.constant 0 : i32
    %scan3A_82 = arith.constant 10 : i32
    %scan3A_83 = arith.addi %scan3A_81, %scan3A_82 : i32
    %scan3A_84 = arith.constant 1 : i32
    scf.for %scan3A_142 = %scan3A_81 to %scan3A_83 step %scan3A_84  : i32 {
      %mul3A_143 = arith.constant 8 : i32
      %mul3A_144 = arith.muli %scan3A_142, %mul3A_143 : i32
      %add3A_145 = arith.constant 0 : i32
      %add3A_146 = arith.addi %mul3A_144, %add3A_145 : i32
      %dma_wait3A_147 = arith.constant 0 : i32
      %dma_wait3A_148 = tpu.memref_slice %arg6[%add3A_146, %dma_wait3A_147] : memref<80x125xi32, #tpu.memory_space<vmem>> -> memref<1x125xi32, #tpu.memory_space<vmem>>
      %dma_wait3A_149 = tpu.memref_squeeze %dma_wait3A_148 : memref<1x125xi32, #tpu.memory_space<vmem>> -> memref<125xi32, #tpu.memory_space<vmem>>
      %dma_wait3A_150 = arith.constant 0 : i32
      %dma_wait3A_151 = arith.constant 0 : i32
      %dma_wait3A_152 = tpu.memref_slice %arg2[%dma_wait3A_150, %dma_wait3A_151] : memref<10000x128xbf16, #tpu.memory_space<hbm>> -> memref<10000x128xbf16, #tpu.memory_space<hbm>>
      tpu.wait_indirect_dma semaphore(%arg17 : memref<!tpu.dma_semaphore, #tpu.memory_space<semaphore_mem>>) src(%dma_wait3A_152 : memref<10000x128xbf16, #tpu.memory_space<hbm>>) dst(%arg8 : memref<125x128xbf16, #tpu.memory_space<vmem>>)
      %add3A_153 = arith.constant 0 : i32
      %add3A_154 = arith.addi %mul3A_144, %add3A_153 : i32
      %dma_start3A_155 = arith.constant 0 : i32
      %dma_start3A_156 = tpu.memref_slice %arg7[%add3A_154, %dma_start3A_155] : memref<80x125xi32, #tpu.memory_space<vmem>> -> memref<1x125xi32, #tpu.memory_space<vmem>>
      %dma_start3A_157 = tpu.memref_squeeze %dma_start3A_156 : memref<1x125xi32, #tpu.memory_space<vmem>> -> memref<125xi32, #tpu.memory_space<vmem>>
      %dma_start3A_158 = arith.constant 0 : i32
      %dma_start3A_159 = arith.constant 0 : i32
      %dma_start3A_160 = tpu.memref_slice %arg16[%dma_start3A_158, %dma_start3A_159] : memref<10240x128xbf16, #tpu.memory_space<vmem_shared>> -> memref<10240x128xbf16, #tpu.memory_space<vmem_shared>>
      tpu.enqueue_indirect_dma source(%arg8 : memref<125x128xbf16, #tpu.memory_space<vmem>>) target(%dma_start3A_160 : memref<10240x128xbf16, #tpu.memory_space<vmem_shared>>) offsets(%dma_start3A_157 : memref<125xi32, #tpu.memory_space<vmem>>) semaphore(%arg25 : memref<!tpu.dma_semaphore, #tpu.memory_space<semaphore_mem>>) {add = true}
      %add3A_161 = arith.constant 1 : i32
      %add3A_162 = arith.addi %mul3A_144, %add3A_161 : i32
      %dma_wait3A_163 = arith.constant 0 : i32
      %dma_wait3A_164 = tpu.memref_slice %arg6[%add3A_162, %dma_wait3A_163] : memref<80x125xi32, #tpu.memory_space<vmem>> -> memref<1x125xi32, #tpu.memory_space<vmem>>
      %dma_wait3A_165 = tpu.memref_squeeze %dma_wait3A_164 : memref<1x125xi32, #tpu.memory_space<vmem>> -> memref<125xi32, #tpu.memory_space<vmem>>
      %dma_wait3A_166 = arith.constant 0 : i32
      %dma_wait3A_167 = arith.constant 0 : i32
      %dma_wait3A_168 = tpu.memref_slice %arg2[%dma_wait3A_166, %dma_wait3A_167] : memref<10000x128xbf16, #tpu.memory_space<hbm>> -> memref<10000x128xbf16, #tpu.memory_space<hbm>>
      tpu.wait_indirect_dma semaphore(%arg18 : memref<!tpu.dma_semaphore, #tpu.memory_space<semaphore_mem>>) src(%dma_wait3A_168 : memref<10000x128xbf16, #tpu.memory_space<hbm>>) dst(%arg9 : memref<125x128xbf16, #tpu.memory_space<vmem>>)
      %add3A_169 = arith.constant 1 : i32
      %add3A_170 = arith.addi %mul3A_144, %add3A_169 : i32
      %dma_start3A_171 = arith.constant 0 : i32
      %dma_start3A_172 = tpu.memref_slice %arg7[%add3A_170, %dma_start3A_171] : memref<80x125xi32, #tpu.memory_space<vmem>> -> memref<1x125xi32, #tpu.memory_space<vmem>>
      %dma_start3A_173 = tpu.memref_squeeze %dma_start3A_172 : memref<1x125xi32, #tpu.memory_space<vmem>> -> memref<125xi32, #tpu.memory_space<vmem>>
      %dma_start3A_174 = arith.constant 0 : i32
      %dma_start3A_175 = arith.constant 0 : i32
      %dma_start3A_176 = tpu.memref_slice %arg16[%dma_start3A_174, %dma_start3A_175] : memref<10240x128xbf16, #tpu.memory_space<vmem_shared>> -> memref<10240x128xbf16, #tpu.memory_space<vmem_shared>>
      tpu.enqueue_indirect_dma source(%arg9 : memref<125x128xbf16, #tpu.memory_space<vmem>>) target(%dma_start3A_176 : memref<10240x128xbf16, #tpu.memory_space<vmem_shared>>) offsets(%dma_start3A_173 : memref<125xi32, #tpu.memory_space<vmem>>) semaphore(%arg26 : memref<!tpu.dma_semaphore, #tpu.memory_space<semaphore_mem>>) {add = true}
      %add3A_177 = arith.constant 2 : i32
      %add3A_178 = arith.addi %mul3A_144, %add3A_177 : i32
      %dma_wait3A_179 = arith.constant 0 : i32
      %dma_wait3A_180 = tpu.memref_slice %arg6[%add3A_178, %dma_wait3A_179] : memref<80x125xi32, #tpu.memory_space<vmem>> -> memref<1x125xi32, #tpu.memory_space<vmem>>
      %dma_wait3A_181 = tpu.memref_squeeze %dma_wait3A_180 : memref<1x125xi32, #tpu.memory_space<vmem>> -> memref<125xi32, #tpu.memory_space<vmem>>
      %dma_wait3A_182 = arith.constant 0 : i32
      %dma_wait3A_183 = arith.constant 0 : i32
      %dma_wait3A_184 = tpu.memref_slice %arg2[%dma_wait3A_182, %dma_wait3A_183] : memref<10000x128xbf16, #tpu.memory_space<hbm>> -> memref<10000x128xbf16, #tpu.memory_space<hbm>>
      tpu.wait_indirect_dma semaphore(%arg19 : memref<!tpu.dma_semaphore, #tpu.memory_space<semaphore_mem>>) src(%dma_wait3A_184 : memref<10000x128xbf16, #tpu.memory_space<hbm>>) dst(%arg10 : memref<125x128xbf16, #tpu.memory_space<vmem>>)
      %add3A_185 = arith.constant 2 : i32
      %add3A_186 = arith.addi %mul3A_144, %add3A_185 : i32
      %dma_start3A_187 = arith.constant 0 : i32
      %dma_start3A_188 = tpu.memref_slice %arg7[%add3A_186, %dma_start3A_187] : memref<80x125xi32, #tpu.memory_space<vmem>> -> memref<1x125xi32, #tpu.memory_space<vmem>>
      %dma_start3A_189 = tpu.memref_squeeze %dma_start3A_188 : memref<1x125xi32, #tpu.memory_space<vmem>> -> memref<125xi32, #tpu.memory_space<vmem>>
      %dma_start3A_190 = arith.constant 0 : i32
      %dma_start3A_191 = arith.constant 0 : i32
      %dma_start3A_192 = tpu.memref_slice %arg16[%dma_start3A_190, %dma_start3A_191] : memref<10240x128xbf16, #tpu.memory_space<vmem_shared>> -> memref<10240x128xbf16, #tpu.memory_space<vmem_shared>>
      tpu.enqueue_indirect_dma source(%arg10 : memref<125x128xbf16, #tpu.memory_space<vmem>>) target(%dma_start3A_192 : memref<10240x128xbf16, #tpu.memory_space<vmem_shared>>) offsets(%dma_start3A_189 : memref<125xi32, #tpu.memory_space<vmem>>) semaphore(%arg27 : memref<!tpu.dma_semaphore, #tpu.memory_space<semaphore_mem>>) {add = true}
      %add3A_193 = arith.constant 3 : i32
      %add3A_194 = arith.addi %mul3A_144, %add3A_193 : i32
      %dma_wait3A_195 = arith.constant 0 : i32
      %dma_wait3A_196 = tpu.memref_slice %arg6[%add3A_194, %dma_wait3A_195] : memref<80x125xi32, #tpu.memory_space<vmem>> -> memref<1x125xi32, #tpu.memory_space<vmem>>
      %dma_wait3A_197 = tpu.memref_squeeze %dma_wait3A_196 : memref<1x125xi32, #tpu.memory_space<vmem>> -> memref<125xi32, #tpu.memory_space<vmem>>
      %dma_wait3A_198 = arith.constant 0 : i32
      %dma_wait3A_199 = arith.constant 0 : i32
      %dma_wait3A_200 = tpu.memref_slice %arg2[%dma_wait3A_198, %dma_wait3A_199] : memref<10000x128xbf16, #tpu.memory_space<hbm>> -> memref<10000x128xbf16, #tpu.memory_space<hbm>>
      tpu.wait_indirect_dma semaphore(%arg20 : memref<!tpu.dma_semaphore, #tpu.memory_space<semaphore_mem>>) src(%dma_wait3A_200 : memref<10000x128xbf16, #tpu.memory_space<hbm>>) dst(%arg11 : memref<125x128xbf16, #tpu.memory_space<vmem>>)
      %add3A_201 = arith.constant 3 : i32
      %add3A_202 = arith.addi %mul3A_144, %add3A_201 : i32
      %dma_start3A_203 = arith.constant 0 : i32
      %dma_start3A_204 = tpu.memref_slice %arg7[%add3A_202, %dma_start3A_203] : memref<80x125xi32, #tpu.memory_space<vmem>> -> memref<1x125xi32, #tpu.memory_space<vmem>>
      %dma_start3A_205 = tpu.memref_squeeze %dma_start3A_204 : memref<1x125xi32, #tpu.memory_space<vmem>> -> memref<125xi32, #tpu.memory_space<vmem>>
      %dma_start3A_206 = arith.constant 0 : i32
      %dma_start3A_207 = arith.constant 0 : i32
      %dma_start3A_208 = tpu.memref_slice %arg16[%dma_start3A_206, %dma_start3A_207] : memref<10240x128xbf16, #tpu.memory_space<vmem_shared>> -> memref<10240x128xbf16, #tpu.memory_space<vmem_shared>>
      tpu.enqueue_indirect_dma source(%arg11 : memref<125x128xbf16, #tpu.memory_space<vmem>>) target(%dma_start3A_208 : memref<10240x128xbf16, #tpu.memory_space<vmem_shared>>) offsets(%dma_start3A_205 : memref<125xi32, #tpu.memory_space<vmem>>) semaphore(%arg28 : memref<!tpu.dma_semaphore, #tpu.memory_space<semaphore_mem>>) {add = true}
      %add3A_209 = arith.constant 4 : i32
      %add3A_210 = arith.addi %mul3A_144, %add3A_209 : i32
      %dma_wait3A_211 = arith.constant 0 : i32
      %dma_wait3A_212 = tpu.memref_slice %arg6[%add3A_210, %dma_wait3A_211] : memref<80x125xi32, #tpu.memory_space<vmem>> -> memref<1x125xi32, #tpu.memory_space<vmem>>
      %dma_wait3A_213 = tpu.memref_squeeze %dma_wait3A_212 : memref<1x125xi32, #tpu.memory_space<vmem>> -> memref<125xi32, #tpu.memory_space<vmem>>
      %dma_wait3A_214 = arith.constant 0 : i32
      %dma_wait3A_215 = arith.constant 0 : i32
      %dma_wait3A_216 = tpu.memref_slice %arg2[%dma_wait3A_214, %dma_wait3A_215] : memref<10000x128xbf16, #tpu.memory_space<hbm>> -> memref<10000x128xbf16, #tpu.memory_space<hbm>>
      tpu.wait_indirect_dma semaphore(%arg21 : memref<!tpu.dma_semaphore, #tpu.memory_space<semaphore_mem>>) src(%dma_wait3A_216 : memref<10000x128xbf16, #tpu.memory_space<hbm>>) dst(%arg12 : memref<125x128xbf16, #tpu.memory_space<vmem>>)
      %add3A_217 = arith.constant 4 : i32
      %add3A_218 = arith.addi %mul3A_144, %add3A_217 : i32
      %dma_start3A_219 = arith.constant 0 : i32
      %dma_start3A_220 = tpu.memref_slice %arg7[%add3A_218, %dma_start3A_219] : memref<80x125xi32, #tpu.memory_space<vmem>> -> memref<1x125xi32, #tpu.memory_space<vmem>>
      %dma_start3A_221 = tpu.memref_squeeze %dma_start3A_220 : memref<1x125xi32, #tpu.memory_space<vmem>> -> memref<125xi32, #tpu.memory_space<vmem>>
      %dma_start3A_222 = arith.constant 0 : i32
      %dma_start3A_223 = arith.constant 0 : i32
      %dma_start3A_224 = tpu.memref_slice %arg16[%dma_start3A_222, %dma_start3A_223] : memref<10240x128xbf16, #tpu.memory_space<vmem_shared>> -> memref<10240x128xbf16, #tpu.memory_space<vmem_shared>>
      tpu.enqueue_indirect_dma source(%arg12 : memref<125x128xbf16, #tpu.memory_space<vmem>>) target(%dma_start3A_224 : memref<10240x128xbf16, #tpu.memory_space<vmem_shared>>) offsets(%dma_start3A_221 : memref<125xi32, #tpu.memory_space<vmem>>) semaphore(%arg29 : memref<!tpu.dma_semaphore, #tpu.memory_space<semaphore_mem>>) {add = true}
      %add3A_225 = arith.constant 5 : i32
      %add3A_226 = arith.addi %mul3A_144, %add3A_225 : i32
      %dma_wait3A_227 = arith.constant 0 : i32
      %dma_wait3A_228 = tpu.memref_slice %arg6[%add3A_226, %dma_wait3A_227] : memref<80x125xi32, #tpu.memory_space<vmem>> -> memref<1x125xi32, #tpu.memory_space<vmem>>
      %dma_wait3A_229 = tpu.memref_squeeze %dma_wait3A_228 : memref<1x125xi32, #tpu.memory_space<vmem>> -> memref<125xi32, #tpu.memory_space<vmem>>
      %dma_wait3A_230 = arith.constant 0 : i32
      %dma_wait3A_231 = arith.constant 0 : i32
      %dma_wait3A_232 = tpu.memref_slice %arg2[%dma_wait3A_230, %dma_wait3A_231] : memref<10000x128xbf16, #tpu.memory_space<hbm>> -> memref<10000x128xbf16, #tpu.memory_space<hbm>>
      tpu.wait_indirect_dma semaphore(%arg22 : memref<!tpu.dma_semaphore, #tpu.memory_space<semaphore_mem>>) src(%dma_wait3A_232 : memref<10000x128xbf16, #tpu.memory_space<hbm>>) dst(%arg13 : memref<125x128xbf16, #tpu.memory_space<vmem>>)
      %add3A_233 = arith.constant 5 : i32
      %add3A_234 = arith.addi %mul3A_144, %add3A_233 : i32
      %dma_start3A_235 = arith.constant 0 : i32
      %dma_start3A_236 = tpu.memref_slice %arg7[%add3A_234, %dma_start3A_235] : memref<80x125xi32, #tpu.memory_space<vmem>> -> memref<1x125xi32, #tpu.memory_space<vmem>>
      %dma_start3A_237 = tpu.memref_squeeze %dma_start3A_236 : memref<1x125xi32, #tpu.memory_space<vmem>> -> memref<125xi32, #tpu.memory_space<vmem>>
      %dma_start3A_238 = arith.constant 0 : i32
      %dma_start3A_239 = arith.constant 0 : i32
      %dma_start3A_240 = tpu.memref_slice %arg16[%dma_start3A_238, %dma_start3A_239] : memref<10240x128xbf16, #tpu.memory_space<vmem_shared>> -> memref<10240x128xbf16, #tpu.memory_space<vmem_shared>>
      tpu.enqueue_indirect_dma source(%arg13 : memref<125x128xbf16, #tpu.memory_space<vmem>>) target(%dma_start3A_240 : memref<10240x128xbf16, #tpu.memory_space<vmem_shared>>) offsets(%dma_start3A_237 : memref<125xi32, #tpu.memory_space<vmem>>) semaphore(%arg30 : memref<!tpu.dma_semaphore, #tpu.memory_space<semaphore_mem>>) {add = true}
      %add3A_241 = arith.constant 6 : i32
      %add3A_242 = arith.addi %mul3A_144, %add3A_241 : i32
      %dma_wait3A_243 = arith.constant 0 : i32
      %dma_wait3A_244 = tpu.memref_slice %arg6[%add3A_242, %dma_wait3A_243] : memref<80x125xi32, #tpu.memory_space<vmem>> -> memref<1x125xi32, #tpu.memory_space<vmem>>
      %dma_wait3A_245 = tpu.memref_squeeze %dma_wait3A_244 : memref<1x125xi32, #tpu.memory_space<vmem>> -> memref<125xi32, #tpu.memory_space<vmem>>
      %dma_wait3A_246 = arith.constant 0 : i32
      %dma_wait3A_247 = arith.constant 0 : i32
      %dma_wait3A_248 = tpu.memref_slice %arg2[%dma_wait3A_246, %dma_wait3A_247] : memref<10000x128xbf16, #tpu.memory_space<hbm>> -> memref<10000x128xbf16, #tpu.memory_space<hbm>>
      tpu.wait_indirect_dma semaphore(%arg23 : memref<!tpu.dma_semaphore, #tpu.memory_space<semaphore_mem>>) src(%dma_wait3A_248 : memref<10000x128xbf16, #tpu.memory_space<hbm>>) dst(%arg14 : memref<125x128xbf16, #tpu.memory_space<vmem>>)
      %add3A_249 = arith.constant 6 : i32
      %add3A_250 = arith.addi %mul3A_144, %add3A_249 : i32
      %dma_start3A_251 = arith.constant 0 : i32
      %dma_start3A_252 = tpu.memref_slice %arg7[%add3A_250, %dma_start3A_251] : memref<80x125xi32, #tpu.memory_space<vmem>> -> memref<1x125xi32, #tpu.memory_space<vmem>>
      %dma_start3A_253 = tpu.memref_squeeze %dma_start3A_252 : memref<1x125xi32, #tpu.memory_space<vmem>> -> memref<125xi32, #tpu.memory_space<vmem>>
      %dma_start3A_254 = arith.constant 0 : i32
      %dma_start3A_255 = arith.constant 0 : i32
      %dma_start3A_256 = tpu.memref_slice %arg16[%dma_start3A_254, %dma_start3A_255] : memref<10240x128xbf16, #tpu.memory_space<vmem_shared>> -> memref<10240x128xbf16, #tpu.memory_space<vmem_shared>>
      tpu.enqueue_indirect_dma source(%arg14 : memref<125x128xbf16, #tpu.memory_space<vmem>>) target(%dma_start3A_256 : memref<10240x128xbf16, #tpu.memory_space<vmem_shared>>) offsets(%dma_start3A_253 : memref<125xi32, #tpu.memory_space<vmem>>) semaphore(%arg31 : memref<!tpu.dma_semaphore, #tpu.memory_space<semaphore_mem>>) {add = true}
      %add3A_257 = arith.constant 7 : i32
      %add3A_258 = arith.addi %mul3A_144, %add3A_257 : i32
      %dma_wait3A_259 = arith.constant 0 : i32
      %dma_wait3A_260 = tpu.memref_slice %arg6[%add3A_258, %dma_wait3A_259] : memref<80x125xi32, #tpu.memory_space<vmem>> -> memref<1x125xi32, #tpu.memory_space<vmem>>
      %dma_wait3A_261 = tpu.memref_squeeze %dma_wait3A_260 : memref<1x125xi32, #tpu.memory_space<vmem>> -> memref<125xi32, #tpu.memory_space<vmem>>
      %dma_wait3A_262 = arith.constant 0 : i32
      %dma_wait3A_263 = arith.constant 0 : i32
      %dma_wait3A_264 = tpu.memref_slice %arg2[%dma_wait3A_262, %dma_wait3A_263] : memref<10000x128xbf16, #tpu.memory_space<hbm>> -> memref<10000x128xbf16, #tpu.memory_space<hbm>>
      tpu.wait_indirect_dma semaphore(%arg24 : memref<!tpu.dma_semaphore, #tpu.memory_space<semaphore_mem>>) src(%dma_wait3A_264 : memref<10000x128xbf16, #tpu.memory_space<hbm>>) dst(%arg15 : memref<125x128xbf16, #tpu.memory_space<vmem>>)
      %add3A_265 = arith.constant 7 : i32
      %add3A_266 = arith.addi %mul3A_144, %add3A_265 : i32
      %dma_start3A_267 = arith.constant 0 : i32
      %dma_start3A_268 = tpu.memref_slice %arg7[%add3A_266, %dma_start3A_267] : memref<80x125xi32, #tpu.memory_space<vmem>> -> memref<1x125xi32, #tpu.memory_space<vmem>>
      %dma_start3A_269 = tpu.memref_squeeze %dma_start3A_268 : memref<1x125xi32, #tpu.memory_space<vmem>> -> memref<125xi32, #tpu.memory_space<vmem>>
      %dma_start3A_270 = arith.constant 0 : i32
      %dma_start3A_271 = arith.constant 0 : i32
      %dma_start3A_272 = tpu.memref_slice %arg16[%dma_start3A_270, %dma_start3A_271] : memref<10240x128xbf16, #tpu.memory_space<vmem_shared>> -> memref<10240x128xbf16, #tpu.memory_space<vmem_shared>>
      tpu.enqueue_indirect_dma source(%arg15 : memref<125x128xbf16, #tpu.memory_space<vmem>>) target(%dma_start3A_272 : memref<10240x128xbf16, #tpu.memory_space<vmem_shared>>) offsets(%dma_start3A_269 : memref<125xi32, #tpu.memory_space<vmem>>) semaphore(%arg32 : memref<!tpu.dma_semaphore, #tpu.memory_space<semaphore_mem>>) {add = true}
      %add3A_273 = arith.constant 8 : i32
      %add3A_274 = arith.addi %mul3A_144, %add3A_273 : i32
      %add3A_275 = arith.constant 0 : i32
      %add3A_276 = arith.addi %add3A_274, %add3A_275 : i32
      %lt3A = arith.constant 80 : i32
      %lt3A_277 = arith.cmpi slt, %add3A_276, %lt3A : i32
      %convert_element_type3A = arith.extui %lt3A_277 : i1 to i32
      %cond3A = arith.constant 0 : i32
      %cond3A_278 = arith.cmpi ne, %convert_element_type3A, %cond3A : i32
      scf.if %cond3A_278 {
        %add3A_342 = arith.constant 0 : i32
        %add3A_343 = arith.addi %mul3A_144, %add3A_342 : i32
        %dma_wait3A_344 = arith.constant 0 : i32
        %dma_wait3A_345 = tpu.memref_slice %arg7[%add3A_343, %dma_wait3A_344] : memref<80x125xi32, #tpu.memory_space<vmem>> -> memref<1x125xi32, #tpu.memory_space<vmem>>
        %dma_wait3A_346 = tpu.memref_squeeze %dma_wait3A_345 : memref<1x125xi32, #tpu.memory_space<vmem>> -> memref<125xi32, #tpu.memory_space<vmem>>
        %dma_wait3A_347 = arith.constant 0 : i32
        %dma_wait3A_348 = arith.constant 0 : i32
        %dma_wait3A_349 = tpu.memref_slice %arg16[%dma_wait3A_347, %dma_wait3A_348] : memref<10240x128xbf16, #tpu.memory_space<vmem_shared>> -> memref<10240x128xbf16, #tpu.memory_space<vmem_shared>>
        tpu.wait_indirect_dma semaphore(%arg25 : memref<!tpu.dma_semaphore, #tpu.memory_space<semaphore_mem>>) src(%arg8 : memref<125x128xbf16, #tpu.memory_space<vmem>>) dst(%dma_wait3A_349 : memref<10240x128xbf16, #tpu.memory_space<vmem_shared>>)
        %dma_start3A_350 = arith.constant 0 : i32
        %dma_start3A_351 = tpu.memref_slice %arg6[%add3A_276, %dma_start3A_350] : memref<80x125xi32, #tpu.memory_space<vmem>> -> memref<1x125xi32, #tpu.memory_space<vmem>>
        %dma_start3A_352 = tpu.memref_squeeze %dma_start3A_351 : memref<1x125xi32, #tpu.memory_space<vmem>> -> memref<125xi32, #tpu.memory_space<vmem>>
        %dma_start3A_353 = arith.constant 0 : i32
        %dma_start3A_354 = arith.constant 0 : i32
        %dma_start3A_355 = tpu.memref_slice %arg2[%dma_start3A_353, %dma_start3A_354] : memref<10000x128xbf16, #tpu.memory_space<hbm>> -> memref<10000x128xbf16, #tpu.memory_space<hbm>>
        tpu.enqueue_indirect_dma source(%dma_start3A_355 : memref<10000x128xbf16, #tpu.memory_space<hbm>>) target(%arg8 : memref<125x128xbf16, #tpu.memory_space<vmem>>) offsets(%dma_start3A_352 : memref<125xi32, #tpu.memory_space<vmem>>) semaphore(%arg17 : memref<!tpu.dma_semaphore, #tpu.memory_space<semaphore_mem>>)
      } else {
      }
      %add3A_279 = arith.constant 8 : i32
      %add3A_280 = arith.addi %mul3A_144, %add3A_279 : i32
      %add3A_281 = arith.constant 1 : i32
      %add3A_282 = arith.addi %add3A_280, %add3A_281 : i32
      %lt3A_283 = arith.constant 80 : i32
      %lt3A_284 = arith.cmpi slt, %add3A_282, %lt3A_283 : i32
      %convert_element_type3A_285 = arith.extui %lt3A_284 : i1 to i32
      %cond3A_286 = arith.constant 0 : i32
      %cond3A_287 = arith.cmpi ne, %convert_element_type3A_285, %cond3A_286 : i32
      scf.if %cond3A_287 {
        %add3A_342 = arith.constant 1 : i32
        %add3A_343 = arith.addi %mul3A_144, %add3A_342 : i32
        %dma_wait3A_344 = arith.constant 0 : i32
        %dma_wait3A_345 = tpu.memref_slice %arg7[%add3A_343, %dma_wait3A_344] : memref<80x125xi32, #tpu.memory_space<vmem>> -> memref<1x125xi32, #tpu.memory_space<vmem>>
        %dma_wait3A_346 = tpu.memref_squeeze %dma_wait3A_345 : memref<1x125xi32, #tpu.memory_space<vmem>> -> memref<125xi32, #tpu.memory_space<vmem>>
        %dma_wait3A_347 = arith.constant 0 : i32
        %dma_wait3A_348 = arith.constant 0 : i32
        %dma_wait3A_349 = tpu.memref_slice %arg16[%dma_wait3A_347, %dma_wait3A_348] : memref<10240x128xbf16, #tpu.memory_space<vmem_shared>> -> memref<10240x128xbf16, #tpu.memory_space<vmem_shared>>
        tpu.wait_indirect_dma semaphore(%arg26 : memref<!tpu.dma_semaphore, #tpu.memory_space<semaphore_mem>>) src(%arg9 : memref<125x128xbf16, #tpu.memory_space<vmem>>) dst(%dma_wait3A_349 : memref<10240x128xbf16, #tpu.memory_space<vmem_shared>>)
        %dma_start3A_350 = arith.constant 0 : i32
        %dma_start3A_351 = tpu.memref_slice %arg6[%add3A_282, %dma_start3A_350] : memref<80x125xi32, #tpu.memory_space<vmem>> -> memref<1x125xi32, #tpu.memory_space<vmem>>
        %dma_start3A_352 = tpu.memref_squeeze %dma_start3A_351 : memref<1x125xi32, #tpu.memory_space<vmem>> -> memref<125xi32, #tpu.memory_space<vmem>>
        %dma_start3A_353 = arith.constant 0 : i32
        %dma_start3A_354 = arith.constant 0 : i32
        %dma_start3A_355 = tpu.memref_slice %arg2[%dma_start3A_353, %dma_start3A_354] : memref<10000x128xbf16, #tpu.memory_space<hbm>> -> memref<10000x128xbf16, #tpu.memory_space<hbm>>
        tpu.enqueue_indirect_dma source(%dma_start3A_355 : memref<10000x128xbf16, #tpu.memory_space<hbm>>) target(%arg9 : memref<125x128xbf16, #tpu.memory_space<vmem>>) offsets(%dma_start3A_352 : memref<125xi32, #tpu.memory_space<vmem>>) semaphore(%arg18 : memref<!tpu.dma_semaphore, #tpu.memory_space<semaphore_mem>>)
      } else {
      }
      %add3A_288 = arith.constant 8 : i32
      %add3A_289 = arith.addi %mul3A_144, %add3A_288 : i32
      %add3A_290 = arith.constant 2 : i32
      %add3A_291 = arith.addi %add3A_289, %add3A_290 : i32
      %lt3A_292 = arith.constant 80 : i32
      %lt3A_293 = arith.cmpi slt, %add3A_291, %lt3A_292 : i32
      %convert_element_type3A_294 = arith.extui %lt3A_293 : i1 to i32
      %cond3A_295 = arith.constant 0 : i32
      %cond3A_296 = arith.cmpi ne, %convert_element_type3A_294, %cond3A_295 : i32
      scf.if %cond3A_296 {
        %add3A_342 = arith.constant 2 : i32
        %add3A_343 = arith.addi %mul3A_144, %add3A_342 : i32
        %dma_wait3A_344 = arith.constant 0 : i32
        %dma_wait3A_345 = tpu.memref_slice %arg7[%add3A_343, %dma_wait3A_344] : memref<80x125xi32, #tpu.memory_space<vmem>> -> memref<1x125xi32, #tpu.memory_space<vmem>>
        %dma_wait3A_346 = tpu.memref_squeeze %dma_wait3A_345 : memref<1x125xi32, #tpu.memory_space<vmem>> -> memref<125xi32, #tpu.memory_space<vmem>>
        %dma_wait3A_347 = arith.constant 0 : i32
        %dma_wait3A_348 = arith.constant 0 : i32
        %dma_wait3A_349 = tpu.memref_slice %arg16[%dma_wait3A_347, %dma_wait3A_348] : memref<10240x128xbf16, #tpu.memory_space<vmem_shared>> -> memref<10240x128xbf16, #tpu.memory_space<vmem_shared>>
        tpu.wait_indirect_dma semaphore(%arg27 : memref<!tpu.dma_semaphore, #tpu.memory_space<semaphore_mem>>) src(%arg10 : memref<125x128xbf16, #tpu.memory_space<vmem>>) dst(%dma_wait3A_349 : memref<10240x128xbf16, #tpu.memory_space<vmem_shared>>)
        %dma_start3A_350 = arith.constant 0 : i32
        %dma_start3A_351 = tpu.memref_slice %arg6[%add3A_291, %dma_start3A_350] : memref<80x125xi32, #tpu.memory_space<vmem>> -> memref<1x125xi32, #tpu.memory_space<vmem>>
        %dma_start3A_352 = tpu.memref_squeeze %dma_start3A_351 : memref<1x125xi32, #tpu.memory_space<vmem>> -> memref<125xi32, #tpu.memory_space<vmem>>
        %dma_start3A_353 = arith.constant 0 : i32
        %dma_start3A_354 = arith.constant 0 : i32
        %dma_start3A_355 = tpu.memref_slice %arg2[%dma_start3A_353, %dma_start3A_354] : memref<10000x128xbf16, #tpu.memory_space<hbm>> -> memref<10000x128xbf16, #tpu.memory_space<hbm>>
        tpu.enqueue_indirect_dma source(%dma_start3A_355 : memref<10000x128xbf16, #tpu.memory_space<hbm>>) target(%arg10 : memref<125x128xbf16, #tpu.memory_space<vmem>>) offsets(%dma_start3A_352 : memref<125xi32, #tpu.memory_space<vmem>>) semaphore(%arg19 : memref<!tpu.dma_semaphore, #tpu.memory_space<semaphore_mem>>)
      } else {
      }
      %add3A_297 = arith.constant 8 : i32
      %add3A_298 = arith.addi %mul3A_144, %add3A_297 : i32
      %add3A_299 = arith.constant 3 : i32
      %add3A_300 = arith.addi %add3A_298, %add3A_299 : i32
      %lt3A_301 = arith.constant 80 : i32
      %lt3A_302 = arith.cmpi slt, %add3A_300, %lt3A_301 : i32
      %convert_element_type3A_303 = arith.extui %lt3A_302 : i1 to i32
      %cond3A_304 = arith.constant 0 : i32
      %cond3A_305 = arith.cmpi ne, %convert_element_type3A_303, %cond3A_304 : i32
      scf.if %cond3A_305 {
        %add3A_342 = arith.constant 3 : i32
        %add3A_343 = arith.addi %mul3A_144, %add3A_342 : i32
        %dma_wait3A_344 = arith.constant 0 : i32
        %dma_wait3A_345 = tpu.memref_slice %arg7[%add3A_343, %dma_wait3A_344] : memref<80x125xi32, #tpu.memory_space<vmem>> -> memref<1x125xi32, #tpu.memory_space<vmem>>
        %dma_wait3A_346 = tpu.memref_squeeze %dma_wait3A_345 : memref<1x125xi32, #tpu.memory_space<vmem>> -> memref<125xi32, #tpu.memory_space<vmem>>
        %dma_wait3A_347 = arith.constant 0 : i32
        %dma_wait3A_348 = arith.constant 0 : i32
        %dma_wait3A_349 = tpu.memref_slice %arg16[%dma_wait3A_347, %dma_wait3A_348] : memref<10240x128xbf16, #tpu.memory_space<vmem_shared>> -> memref<10240x128xbf16, #tpu.memory_space<vmem_shared>>
        tpu.wait_indirect_dma semaphore(%arg28 : memref<!tpu.dma_semaphore, #tpu.memory_space<semaphore_mem>>) src(%arg11 : memref<125x128xbf16, #tpu.memory_space<vmem>>) dst(%dma_wait3A_349 : memref<10240x128xbf16, #tpu.memory_space<vmem_shared>>)
        %dma_start3A_350 = arith.constant 0 : i32
        %dma_start3A_351 = tpu.memref_slice %arg6[%add3A_300, %dma_start3A_350] : memref<80x125xi32, #tpu.memory_space<vmem>> -> memref<1x125xi32, #tpu.memory_space<vmem>>
        %dma_start3A_352 = tpu.memref_squeeze %dma_start3A_351 : memref<1x125xi32, #tpu.memory_space<vmem>> -> memref<125xi32, #tpu.memory_space<vmem>>
        %dma_start3A_353 = arith.constant 0 : i32
        %dma_start3A_354 = arith.constant 0 : i32
        %dma_start3A_355 = tpu.memref_slice %arg2[%dma_start3A_353, %dma_start3A_354] : memref<10000x128xbf16, #tpu.memory_space<hbm>> -> memref<10000x128xbf16, #tpu.memory_space<hbm>>
        tpu.enqueue_indirect_dma source(%dma_start3A_355 : memref<10000x128xbf16, #tpu.memory_space<hbm>>) target(%arg11 : memref<125x128xbf16, #tpu.memory_space<vmem>>) offsets(%dma_start3A_352 : memref<125xi32, #tpu.memory_space<vmem>>) semaphore(%arg20 : memref<!tpu.dma_semaphore, #tpu.memory_space<semaphore_mem>>)
      } else {
      }
      %add3A_306 = arith.constant 8 : i32
      %add3A_307 = arith.addi %mul3A_144, %add3A_306 : i32
      %add3A_308 = arith.constant 4 : i32
      %add3A_309 = arith.addi %add3A_307, %add3A_308 : i32
      %lt3A_310 = arith.constant 80 : i32
      %lt3A_311 = arith.cmpi slt, %add3A_309, %lt3A_310 : i32
      %convert_element_type3A_312 = arith.extui %lt3A_311 : i1 to i32
      %cond3A_313 = arith.constant 0 : i32
      %cond3A_314 = arith.cmpi ne, %convert_element_type3A_312, %cond3A_313 : i32
      scf.if %cond3A_314 {
        %add3A_342 = arith.constant 4 : i32
        %add3A_343 = arith.addi %mul3A_144, %add3A_342 : i32
        %dma_wait3A_344 = arith.constant 0 : i32
        %dma_wait3A_345 = tpu.memref_slice %arg7[%add3A_343, %dma_wait3A_344] : memref<80x125xi32, #tpu.memory_space<vmem>> -> memref<1x125xi32, #tpu.memory_space<vmem>>
        %dma_wait3A_346 = tpu.memref_squeeze %dma_wait3A_345 : memref<1x125xi32, #tpu.memory_space<vmem>> -> memref<125xi32, #tpu.memory_space<vmem>>
        %dma_wait3A_347 = arith.constant 0 : i32
        %dma_wait3A_348 = arith.constant 0 : i32
        %dma_wait3A_349 = tpu.memref_slice %arg16[%dma_wait3A_347, %dma_wait3A_348] : memref<10240x128xbf16, #tpu.memory_space<vmem_shared>> -> memref<10240x128xbf16, #tpu.memory_space<vmem_shared>>
        tpu.wait_indirect_dma semaphore(%arg29 : memref<!tpu.dma_semaphore, #tpu.memory_space<semaphore_mem>>) src(%arg12 : memref<125x128xbf16, #tpu.memory_space<vmem>>) dst(%dma_wait3A_349 : memref<10240x128xbf16, #tpu.memory_space<vmem_shared>>)
        %dma_start3A_350 = arith.constant 0 : i32
        %dma_start3A_351 = tpu.memref_slice %arg6[%add3A_309, %dma_start3A_350] : memref<80x125xi32, #tpu.memory_space<vmem>> -> memref<1x125xi32, #tpu.memory_space<vmem>>
        %dma_start3A_352 = tpu.memref_squeeze %dma_start3A_351 : memref<1x125xi32, #tpu.memory_space<vmem>> -> memref<125xi32, #tpu.memory_space<vmem>>
        %dma_start3A_353 = arith.constant 0 : i32
        %dma_start3A_354 = arith.constant 0 : i32
        %dma_start3A_355 = tpu.memref_slice %arg2[%dma_start3A_353, %dma_start3A_354] : memref<10000x128xbf16, #tpu.memory_space<hbm>> -> memref<10000x128xbf16, #tpu.memory_space<hbm>>
        tpu.enqueue_indirect_dma source(%dma_start3A_355 : memref<10000x128xbf16, #tpu.memory_space<hbm>>) target(%arg12 : memref<125x128xbf16, #tpu.memory_space<vmem>>) offsets(%dma_start3A_352 : memref<125xi32, #tpu.memory_space<vmem>>) semaphore(%arg21 : memref<!tpu.dma_semaphore, #tpu.memory_space<semaphore_mem>>)
      } else {
      }
      %add3A_315 = arith.constant 8 : i32
      %add3A_316 = arith.addi %mul3A_144, %add3A_315 : i32
      %add3A_317 = arith.constant 5 : i32
      %add3A_318 = arith.addi %add3A_316, %add3A_317 : i32
      %lt3A_319 = arith.constant 80 : i32
      %lt3A_320 = arith.cmpi slt, %add3A_318, %lt3A_319 : i32
      %convert_element_type3A_321 = arith.extui %lt3A_320 : i1 to i32
      %cond3A_322 = arith.constant 0 : i32
      %cond3A_323 = arith.cmpi ne, %convert_element_type3A_321, %cond3A_322 : i32
      scf.if %cond3A_323 {
        %add3A_342 = arith.constant 5 : i32
        %add3A_343 = arith.addi %mul3A_144, %add3A_342 : i32
        %dma_wait3A_344 = arith.constant 0 : i32
        %dma_wait3A_345 = tpu.memref_slice %arg7[%add3A_343, %dma_wait3A_344] : memref<80x125xi32, #tpu.memory_space<vmem>> -> memref<1x125xi32, #tpu.memory_space<vmem>>
        %dma_wait3A_346 = tpu.memref_squeeze %dma_wait3A_345 : memref<1x125xi32, #tpu.memory_space<vmem>> -> memref<125xi32, #tpu.memory_space<vmem>>
        %dma_wait3A_347 = arith.constant 0 : i32
        %dma_wait3A_348 = arith.constant 0 : i32
        %dma_wait3A_349 = tpu.memref_slice %arg16[%dma_wait3A_347, %dma_wait3A_348] : memref<10240x128xbf16, #tpu.memory_space<vmem_shared>> -> memref<10240x128xbf16, #tpu.memory_space<vmem_shared>>
        tpu.wait_indirect_dma semaphore(%arg30 : memref<!tpu.dma_semaphore, #tpu.memory_space<semaphore_mem>>) src(%arg13 : memref<125x128xbf16, #tpu.memory_space<vmem>>) dst(%dma_wait3A_349 : memref<10240x128xbf16, #tpu.memory_space<vmem_shared>>)
        %dma_start3A_350 = arith.constant 0 : i32
        %dma_start3A_351 = tpu.memref_slice %arg6[%add3A_318, %dma_start3A_350] : memref<80x125xi32, #tpu.memory_space<vmem>> -> memref<1x125xi32, #tpu.memory_space<vmem>>
        %dma_start3A_352 = tpu.memref_squeeze %dma_start3A_351 : memref<1x125xi32, #tpu.memory_space<vmem>> -> memref<125xi32, #tpu.memory_space<vmem>>
        %dma_start3A_353 = arith.constant 0 : i32
        %dma_start3A_354 = arith.constant 0 : i32
        %dma_start3A_355 = tpu.memref_slice %arg2[%dma_start3A_353, %dma_start3A_354] : memref<10000x128xbf16, #tpu.memory_space<hbm>> -> memref<10000x128xbf16, #tpu.memory_space<hbm>>
        tpu.enqueue_indirect_dma source(%dma_start3A_355 : memref<10000x128xbf16, #tpu.memory_space<hbm>>) target(%arg13 : memref<125x128xbf16, #tpu.memory_space<vmem>>) offsets(%dma_start3A_352 : memref<125xi32, #tpu.memory_space<vmem>>) semaphore(%arg22 : memref<!tpu.dma_semaphore, #tpu.memory_space<semaphore_mem>>)
      } else {
      }
      %add3A_324 = arith.constant 8 : i32
      %add3A_325 = arith.addi %mul3A_144, %add3A_324 : i32
      %add3A_326 = arith.constant 6 : i32
      %add3A_327 = arith.addi %add3A_325, %add3A_326 : i32
      %lt3A_328 = arith.constant 80 : i32
      %lt3A_329 = arith.cmpi slt, %add3A_327, %lt3A_328 : i32
      %convert_element_type3A_330 = arith.extui %lt3A_329 : i1 to i32
      %cond3A_331 = arith.constant 0 : i32
      %cond3A_332 = arith.cmpi ne, %convert_element_type3A_330, %cond3A_331 : i32
      scf.if %cond3A_332 {
        %add3A_342 = arith.constant 6 : i32
        %add3A_343 = arith.addi %mul3A_144, %add3A_342 : i32
        %dma_wait3A_344 = arith.constant 0 : i32
        %dma_wait3A_345 = tpu.memref_slice %arg7[%add3A_343, %dma_wait3A_344] : memref<80x125xi32, #tpu.memory_space<vmem>> -> memref<1x125xi32, #tpu.memory_space<vmem>>
        %dma_wait3A_346 = tpu.memref_squeeze %dma_wait3A_345 : memref<1x125xi32, #tpu.memory_space<vmem>> -> memref<125xi32, #tpu.memory_space<vmem>>
        %dma_wait3A_347 = arith.constant 0 : i32
        %dma_wait3A_348 = arith.constant 0 : i32
        %dma_wait3A_349 = tpu.memref_slice %arg16[%dma_wait3A_347, %dma_wait3A_348] : memref<10240x128xbf16, #tpu.memory_space<vmem_shared>> -> memref<10240x128xbf16, #tpu.memory_space<vmem_shared>>
        tpu.wait_indirect_dma semaphore(%arg31 : memref<!tpu.dma_semaphore, #tpu.memory_space<semaphore_mem>>) src(%arg14 : memref<125x128xbf16, #tpu.memory_space<vmem>>) dst(%dma_wait3A_349 : memref<10240x128xbf16, #tpu.memory_space<vmem_shared>>)
        %dma_start3A_350 = arith.constant 0 : i32
        %dma_start3A_351 = tpu.memref_slice %arg6[%add3A_327, %dma_start3A_350] : memref<80x125xi32, #tpu.memory_space<vmem>> -> memref<1x125xi32, #tpu.memory_space<vmem>>
        %dma_start3A_352 = tpu.memref_squeeze %dma_start3A_351 : memref<1x125xi32, #tpu.memory_space<vmem>> -> memref<125xi32, #tpu.memory_space<vmem>>
        %dma_start3A_353 = arith.constant 0 : i32
        %dma_start3A_354 = arith.constant 0 : i32
        %dma_start3A_355 = tpu.memref_slice %arg2[%dma_start3A_353, %dma_start3A_354] : memref<10000x128xbf16, #tpu.memory_space<hbm>> -> memref<10000x128xbf16, #tpu.memory_space<hbm>>
        tpu.enqueue_indirect_dma source(%dma_start3A_355 : memref<10000x128xbf16, #tpu.memory_space<hbm>>) target(%arg14 : memref<125x128xbf16, #tpu.memory_space<vmem>>) offsets(%dma_start3A_352 : memref<125xi32, #tpu.memory_space<vmem>>) semaphore(%arg23 : memref<!tpu.dma_semaphore, #tpu.memory_space<semaphore_mem>>)
      } else {
      }
      %add3A_333 = arith.constant 8 : i32
      %add3A_334 = arith.addi %mul3A_144, %add3A_333 : i32
      %add3A_335 = arith.constant 7 : i32
      %add3A_336 = arith.addi %add3A_334, %add3A_335 : i32
      %lt3A_337 = arith.constant 80 : i32
      %lt3A_338 = arith.cmpi slt, %add3A_336, %lt3A_337 : i32
      %convert_element_type3A_339 = arith.extui %lt3A_338 : i1 to i32
      %cond3A_340 = arith.constant 0 : i32
      %cond3A_341 = arith.cmpi ne, %convert_element_type3A_339, %cond3A_340 : i32
      scf.if %cond3A_341 {
        %add3A_342 = arith.constant 7 : i32
        %add3A_343 = arith.addi %mul3A_144, %add3A_342 : i32
        %dma_wait3A_344 = arith.constant 0 : i32
        %dma_wait3A_345 = tpu.memref_slice %arg7[%add3A_343, %dma_wait3A_344] : memref<80x125xi32, #tpu.memory_space<vmem>> -> memref<1x125xi32, #tpu.memory_space<vmem>>
        %dma_wait3A_346 = tpu.memref_squeeze %dma_wait3A_345 : memref<1x125xi32, #tpu.memory_space<vmem>> -> memref<125xi32, #tpu.memory_space<vmem>>
        %dma_wait3A_347 = arith.constant 0 : i32
        %dma_wait3A_348 = arith.constant 0 : i32
        %dma_wait3A_349 = tpu.memref_slice %arg16[%dma_wait3A_347, %dma_wait3A_348] : memref<10240x128xbf16, #tpu.memory_space<vmem_shared>> -> memref<10240x128xbf16, #tpu.memory_space<vmem_shared>>
        tpu.wait_indirect_dma semaphore(%arg32 : memref<!tpu.dma_semaphore, #tpu.memory_space<semaphore_mem>>) src(%arg15 : memref<125x128xbf16, #tpu.memory_space<vmem>>) dst(%dma_wait3A_349 : memref<10240x128xbf16, #tpu.memory_space<vmem_shared>>)
        %dma_start3A_350 = arith.constant 0 : i32
        %dma_start3A_351 = tpu.memref_slice %arg6[%add3A_336, %dma_start3A_350] : memref<80x125xi32, #tpu.memory_space<vmem>> -> memref<1x125xi32, #tpu.memory_space<vmem>>
        %dma_start3A_352 = tpu.memref_squeeze %dma_start3A_351 : memref<1x125xi32, #tpu.memory_space<vmem>> -> memref<125xi32, #tpu.memory_space<vmem>>
        %dma_start3A_353 = arith.constant 0 : i32
        %dma_start3A_354 = arith.constant 0 : i32
        %dma_start3A_355 = tpu.memref_slice %arg2[%dma_start3A_353, %dma_start3A_354] : memref<10000x128xbf16, #tpu.memory_space<hbm>> -> memref<10000x128xbf16, #tpu.memory_space<hbm>>
        tpu.enqueue_indirect_dma source(%dma_start3A_355 : memref<10000x128xbf16, #tpu.memory_space<hbm>>) target(%arg15 : memref<125x128xbf16, #tpu.memory_space<vmem>>) offsets(%dma_start3A_352 : memref<125xi32, #tpu.memory_space<vmem>>) semaphore(%arg24 : memref<!tpu.dma_semaphore, #tpu.memory_space<semaphore_mem>>)
      } else {
      }
    }
    %scan3A_85 = arith.constant 10 : i32
    %dma_wait3A = arith.constant 72 : i32
    %dma_wait3A_86 = arith.constant 0 : i32
    %dma_wait3A_87 = tpu.memref_slice %arg7[%dma_wait3A, %dma_wait3A_86] : memref<80x125xi32, #tpu.memory_space<vmem>> -> memref<1x125xi32, #tpu.memory_space<vmem>>
    %dma_wait3A_88 = tpu.memref_squeeze %dma_wait3A_87 : memref<1x125xi32, #tpu.memory_space<vmem>> -> memref<125xi32, #tpu.memory_space<vmem>>
    %dma_wait3A_89 = arith.constant 0 : i32
    %dma_wait3A_90 = arith.constant 0 : i32
    %dma_wait3A_91 = tpu.memref_slice %arg16[%dma_wait3A_89, %dma_wait3A_90] : memref<10240x128xbf16, #tpu.memory_space<vmem_shared>> -> memref<10240x128xbf16, #tpu.memory_space<vmem_shared>>
    tpu.wait_indirect_dma semaphore(%arg25 : memref<!tpu.dma_semaphore, #tpu.memory_space<semaphore_mem>>) src(%arg8 : memref<125x128xbf16, #tpu.memory_space<vmem>>) dst(%dma_wait3A_91 : memref<10240x128xbf16, #tpu.memory_space<vmem_shared>>)
    %dma_wait3A_92 = arith.constant 73 : i32
    %dma_wait3A_93 = arith.constant 0 : i32
    %dma_wait3A_94 = tpu.memref_slice %arg7[%dma_wait3A_92, %dma_wait3A_93] : memref<80x125xi32, #tpu.memory_space<vmem>> -> memref<1x125xi32, #tpu.memory_space<vmem>>
    %dma_wait3A_95 = tpu.memref_squeeze %dma_wait3A_94 : memref<1x125xi32, #tpu.memory_space<vmem>> -> memref<125xi32, #tpu.memory_space<vmem>>
    %dma_wait3A_96 = arith.constant 0 : i32
    %dma_wait3A_97 = arith.constant 0 : i32
    %dma_wait3A_98 = tpu.memref_slice %arg16[%dma_wait3A_96, %dma_wait3A_97] : memref<10240x128xbf16, #tpu.memory_space<vmem_shared>> -> memref<10240x128xbf16, #tpu.memory_space<vmem_shared>>
    tpu.wait_indirect_dma semaphore(%arg26 : memref<!tpu.dma_semaphore, #tpu.memory_space<semaphore_mem>>) src(%arg9 : memref<125x128xbf16, #tpu.memory_space<vmem>>) dst(%dma_wait3A_98 : memref<10240x128xbf16, #tpu.memory_space<vmem_shared>>)
    %dma_wait3A_99 = arith.constant 74 : i32
    %dma_wait3A_100 = arith.constant 0 : i32
    %dma_wait3A_101 = tpu.memref_slice %arg7[%dma_wait3A_99, %dma_wait3A_100] : memref<80x125xi32, #tpu.memory_space<vmem>> -> memref<1x125xi32, #tpu.memory_space<vmem>>
    %dma_wait3A_102 = tpu.memref_squeeze %dma_wait3A_101 : memref<1x125xi32, #tpu.memory_space<vmem>> -> memref<125xi32, #tpu.memory_space<vmem>>
    %dma_wait3A_103 = arith.constant 0 : i32
    %dma_wait3A_104 = arith.constant 0 : i32
    %dma_wait3A_105 = tpu.memref_slice %arg16[%dma_wait3A_103, %dma_wait3A_104] : memref<10240x128xbf16, #tpu.memory_space<vmem_shared>> -> memref<10240x128xbf16, #tpu.memory_space<vmem_shared>>
    tpu.wait_indirect_dma semaphore(%arg27 : memref<!tpu.dma_semaphore, #tpu.memory_space<semaphore_mem>>) src(%arg10 : memref<125x128xbf16, #tpu.memory_space<vmem>>) dst(%dma_wait3A_105 : memref<10240x128xbf16, #tpu.memory_space<vmem_shared>>)
    %dma_wait3A_106 = arith.constant 75 : i32
    %dma_wait3A_107 = arith.constant 0 : i32
    %dma_wait3A_108 = tpu.memref_slice %arg7[%dma_wait3A_106, %dma_wait3A_107] : memref<80x125xi32, #tpu.memory_space<vmem>> -> memref<1x125xi32, #tpu.memory_space<vmem>>
    %dma_wait3A_109 = tpu.memref_squeeze %dma_wait3A_108 : memref<1x125xi32, #tpu.memory_space<vmem>> -> memref<125xi32, #tpu.memory_space<vmem>>
    %dma_wait3A_110 = arith.constant 0 : i32
    %dma_wait3A_111 = arith.constant 0 : i32
    %dma_wait3A_112 = tpu.memref_slice %arg16[%dma_wait3A_110, %dma_wait3A_111] : memref<10240x128xbf16, #tpu.memory_space<vmem_shared>> -> memref<10240x128xbf16, #tpu.memory_space<vmem_shared>>
    tpu.wait_indirect_dma semaphore(%arg28 : memref<!tpu.dma_semaphore, #tpu.memory_space<semaphore_mem>>) src(%arg11 : memref<125x128xbf16, #tpu.memory_space<vmem>>) dst(%dma_wait3A_112 : memref<10240x128xbf16, #tpu.memory_space<vmem_shared>>)
    %dma_wait3A_113 = arith.constant 76 : i32
    %dma_wait3A_114 = arith.constant 0 : i32
    %dma_wait3A_115 = tpu.memref_slice %arg7[%dma_wait3A_113, %dma_wait3A_114] : memref<80x125xi32, #tpu.memory_space<vmem>> -> memref<1x125xi32, #tpu.memory_space<vmem>>
    %dma_wait3A_116 = tpu.memref_squeeze %dma_wait3A_115 : memref<1x125xi32, #tpu.memory_space<vmem>> -> memref<125xi32, #tpu.memory_space<vmem>>
    %dma_wait3A_117 = arith.constant 0 : i32
    %dma_wait3A_118 = arith.constant 0 : i32
    %dma_wait3A_119 = tpu.memref_slice %arg16[%dma_wait3A_117, %dma_wait3A_118] : memref<10240x128xbf16, #tpu.memory_space<vmem_shared>> -> memref<10240x128xbf16, #tpu.memory_space<vmem_shared>>
    tpu.wait_indirect_dma semaphore(%arg29 : memref<!tpu.dma_semaphore, #tpu.memory_space<semaphore_mem>>) src(%arg12 : memref<125x128xbf16, #tpu.memory_space<vmem>>) dst(%dma_wait3A_119 : memref<10240x128xbf16, #tpu.memory_space<vmem_shared>>)
    %dma_wait3A_120 = arith.constant 77 : i32
    %dma_wait3A_121 = arith.constant 0 : i32
    %dma_wait3A_122 = tpu.memref_slice %arg7[%dma_wait3A_120, %dma_wait3A_121] : memref<80x125xi32, #tpu.memory_space<vmem>> -> memref<1x125xi32, #tpu.memory_space<vmem>>
    %dma_wait3A_123 = tpu.memref_squeeze %dma_wait3A_122 : memref<1x125xi32, #tpu.memory_space<vmem>> -> memref<125xi32, #tpu.memory_space<vmem>>
    %dma_wait3A_124 = arith.constant 0 : i32
    %dma_wait3A_125 = arith.constant 0 : i32
    %dma_wait3A_126 = tpu.memref_slice %arg16[%dma_wait3A_124, %dma_wait3A_125] : memref<10240x128xbf16, #tpu.memory_space<vmem_shared>> -> memref<10240x128xbf16, #tpu.memory_space<vmem_shared>>
    tpu.wait_indirect_dma semaphore(%arg30 : memref<!tpu.dma_semaphore, #tpu.memory_space<semaphore_mem>>) src(%arg13 : memref<125x128xbf16, #tpu.memory_space<vmem>>) dst(%dma_wait3A_126 : memref<10240x128xbf16, #tpu.memory_space<vmem_shared>>)
    %dma_wait3A_127 = arith.constant 78 : i32
    %dma_wait3A_128 = arith.constant 0 : i32
    %dma_wait3A_129 = tpu.memref_slice %arg7[%dma_wait3A_127, %dma_wait3A_128] : memref<80x125xi32, #tpu.memory_space<vmem>> -> memref<1x125xi32, #tpu.memory_space<vmem>>
    %dma_wait3A_130 = tpu.memref_squeeze %dma_wait3A_129 : memref<1x125xi32, #tpu.memory_space<vmem>> -> memref<125xi32, #tpu.memory_space<vmem>>
    %dma_wait3A_131 = arith.constant 0 : i32
    %dma_wait3A_132 = arith.constant 0 : i32
    %dma_wait3A_133 = tpu.memref_slice %arg16[%dma_wait3A_131, %dma_wait3A_132] : memref<10240x128xbf16, #tpu.memory_space<vmem_shared>> -> memref<10240x128xbf16, #tpu.memory_space<vmem_shared>>
    tpu.wait_indirect_dma semaphore(%arg31 : memref<!tpu.dma_semaphore, #tpu.memory_space<semaphore_mem>>) src(%arg14 : memref<125x128xbf16, #tpu.memory_space<vmem>>) dst(%dma_wait3A_133 : memref<10240x128xbf16, #tpu.memory_space<vmem_shared>>)
    %dma_wait3A_134 = arith.constant 79 : i32
    %dma_wait3A_135 = arith.constant 0 : i32
    %dma_wait3A_136 = tpu.memref_slice %arg7[%dma_wait3A_134, %dma_wait3A_135] : memref<80x125xi32, #tpu.memory_space<vmem>> -> memref<1x125xi32, #tpu.memory_space<vmem>>
    %dma_wait3A_137 = tpu.memref_squeeze %dma_wait3A_136 : memref<1x125xi32, #tpu.memory_space<vmem>> -> memref<125xi32, #tpu.memory_space<vmem>>
    %dma_wait3A_138 = arith.constant 0 : i32
    %dma_wait3A_139 = arith.constant 0 : i32
    %dma_wait3A_140 = tpu.memref_slice %arg16[%dma_wait3A_138, %dma_wait3A_139] : memref<10240x128xbf16, #tpu.memory_space<vmem_shared>> -> memref<10240x128xbf16, #tpu.memory_space<vmem_shared>>
    tpu.wait_indirect_dma semaphore(%arg32 : memref<!tpu.dma_semaphore, #tpu.memory_space<semaphore_mem>>) src(%arg15 : memref<125x128xbf16, #tpu.memory_space<vmem>>) dst(%dma_wait3A_140 : memref<10240x128xbf16, #tpu.memory_space<vmem_shared>>)
    %barrier3A_141 = arith.constant 0 : index
    tpu.barrier barrier_id(%barrier3A_141)
    "tpu.region"() ({
      %run_scoped3A = tpu.sem_alloc : memref<!tpu.dma_semaphore, #tpu.memory_space<semaphore_mem>>
      %dma_start3A_142 = arith.constant 0 : i32
      %dma_start3A_143 = tpu.memref_slice %arg5[%arg0, %multiple_of3A, %dma_start3A_142] : memref<2x10240x128xbf16, #tpu.memory_space<hbm>> -> memref<1x640x128xbf16, #tpu.memory_space<hbm>>
      %dma_start3A_144 = tpu.memref_squeeze %dma_start3A_143 : memref<1x640x128xbf16, #tpu.memory_space<hbm>> -> memref<640x128xbf16, #tpu.memory_space<hbm>>
      %dma_start3A_145 = arith.constant 0 : i32
      %dma_start3A_146 = tpu.memref_slice %arg16[%multiple_of3A, %dma_start3A_145] : memref<10240x128xbf16, #tpu.memory_space<vmem_shared>> -> memref<640x128xbf16, #tpu.memory_space<vmem_shared>>
      tpu.enqueue_dma source(%dma_start3A_146 : memref<640x128xbf16, #tpu.memory_space<vmem_shared>>) target(%dma_start3A_144 : memref<640x128xbf16, #tpu.memory_space<hbm>>) target_semaphore(%run_scoped3A : memref<!tpu.dma_semaphore, #tpu.memory_space<semaphore_mem>>)
      %dma_wait3A_147 = arith.constant 0 : i32
      %dma_wait3A_148 = tpu.memref_slice %arg5[%arg0, %multiple_of3A, %dma_wait3A_147] : memref<2x10240x128xbf16, #tpu.memory_space<hbm>> -> memref<1x640x128xbf16, #tpu.memory_space<hbm>>
      %dma_wait3A_149 = tpu.memref_squeeze %dma_wait3A_148 : memref<1x640x128xbf16, #tpu.memory_space<hbm>> -> memref<640x128xbf16, #tpu.memory_space<hbm>>
      %dma_wait3A_150 = arith.constant 0 : i32
      %dma_wait3A_151 = tpu.memref_slice %arg16[%multiple_of3A, %dma_wait3A_150] : memref<10240x128xbf16, #tpu.memory_space<vmem_shared>> -> memref<640x128xbf16, #tpu.memory_space<vmem_shared>>
      tpu.wait_dma2 semaphore(%run_scoped3A : memref<!tpu.dma_semaphore, #tpu.memory_space<semaphore_mem>>) src(%dma_wait3A_151 : memref<640x128xbf16, #tpu.memory_space<vmem_shared>>) dst(%dma_wait3A_149 : memref<640x128xbf16, #tpu.memory_space<hbm>>)
      tpu.yield
    }) : () -> ()
    return
  }
}

#map = affine_map<(d0, d1) -> (0, 0)>
#map1 = affine_map<(d0, d1) -> (0, 0, 0)>
module attributes {stable_mosaic.version = 14 : i64} {
  func.func @_phase_body(%arg0: i32, %arg1: i32, %arg2: memref<10000x128xbf16, #tpu.memory_space<hbm>>, %arg3: memref<32x80x125xi32, #tpu.memory_space<hbm>>, %arg4: memref<32x80x125xi32, #tpu.memory_space<hbm>>, %arg5: memref<2x10240x128xbf16, #tpu.memory_space<hbm>>, %arg6: memref<80x125xi32, #tpu.memory_space<vmem>>, %arg7: memref<80x125xi32, #tpu.memory_space<vmem>>, %arg8: memref<125x128xbf16, #tpu.memory_space<vmem>>, %arg9: memref<125x128xbf16, #tpu.memory_space<vmem>>, %arg10: memref<125x128xbf16, #tpu.memory_space<vmem>>, %arg11: memref<125x128xbf16, #tpu.memory_space<vmem>>, %arg12: memref<125x128xbf16, #tpu.memory_space<vmem>>, %arg13: memref<125x128xbf16, #tpu.memory_space<vmem>>, %arg14: memref<125x128xbf16, #tpu.memory_space<vmem>>, %arg15: memref<125x128xbf16, #tpu.memory_space<vmem>>, %arg16: memref<10240x128xbf16, #tpu.memory_space<vmem_shared>>, %arg17: memref<!tpu.dma_semaphore, #tpu.memory_space<semaphore_mem>>, %arg18: memref<!tpu.dma_semaphore, #tpu.memory_space<semaphore_mem>>, %arg19: memref<!tpu.dma_semaphore, #tpu.memory_space<semaphore_mem>>, %arg20: memref<!tpu.dma_semaphore, #tpu.memory_space<semaphore_mem>>, %arg21: memref<!tpu.dma_semaphore, #tpu.memory_space<semaphore_mem>>, %arg22: memref<!tpu.dma_semaphore, #tpu.memory_space<semaphore_mem>>, %arg23: memref<!tpu.dma_semaphore, #tpu.memory_space<semaphore_mem>>, %arg24: memref<!tpu.dma_semaphore, #tpu.memory_space<semaphore_mem>>, %arg25: memref<!tpu.dma_semaphore, #tpu.memory_space<semaphore_mem>>, %arg26: memref<!tpu.dma_semaphore, #tpu.memory_space<semaphore_mem>>, %arg27: memref<!tpu.dma_semaphore, #tpu.memory_space<semaphore_mem>>, %arg28: memref<!tpu.dma_semaphore, #tpu.memory_space<semaphore_mem>>, %arg29: memref<!tpu.dma_semaphore, #tpu.memory_space<semaphore_mem>>, %arg30: memref<!tpu.dma_semaphore, #tpu.memory_space<semaphore_mem>>, %arg31: memref<!tpu.dma_semaphore, #tpu.memory_space<semaphore_mem>>, %arg32: memref<!tpu.dma_semaphore, #tpu.memory_space<semaphore_mem>>) attributes {dimension_semantics = [#tpu.dimension_semantics<core_parallel>, #tpu.dimension_semantics<subcore_parallel>], iteration_bounds = array<i64: 2, 16>, scalar_prefetch = 0 : i64, scratch_operands = 27 : i64, tpu.core_type = #tpu.core_type<sc_vector_subcore>, window_params = [{transform_indices = #map}, {transform_indices = #map1}, {transform_indices = #map1}, {transform_indices = #map1}]} {
    %mul3A = arith.constant 2 : i32
    %mul3A_0 = arith.muli %arg1, %mul3A : i32
    %add3A = arith.addi %mul3A_0, %arg0 : i32
    "tpu.region"() ({
      %run_scoped3A = tpu.sem_alloc : memref<!tpu.dma_semaphore, #tpu.memory_space<semaphore_mem>>
      %dma_start3A_142 = arith.constant 0 : i32
      %dma_start3A_143 = arith.constant 0 : i32
      %dma_start3A_144 = tpu.memref_slice %arg3[%add3A, %dma_start3A_142, %dma_start3A_143] : memref<32x80x125xi32, #tpu.memory_space<hbm>> -> memref<1x80x125xi32, #tpu.memory_space<hbm>>
      %dma_start3A_145 = tpu.memref_squeeze %dma_start3A_144 : memref<1x80x125xi32, #tpu.memory_space<hbm>> -> memref<80x125xi32, #tpu.memory_space<hbm>>
      %dma_start3A_146 = arith.constant 0 : i32
      %dma_start3A_147 = arith.constant 0 : i32
      %dma_start3A_148 = tpu.memref_slice %arg3[%add3A, %dma_start3A_146, %dma_start3A_147] : memref<32x80x125xi32, #tpu.memory_space<hbm>> -> memref<1x80x125xi32, #tpu.memory_space<hbm>>
      %dma_start3A_149 = tpu.memref_squeeze %dma_start3A_148 : memref<1x80x125xi32, #tpu.memory_space<hbm>> -> memref<80x125xi32, #tpu.memory_space<hbm>>
      tpu.enqueue_dma source(%dma_start3A_149 : memref<80x125xi32, #tpu.memory_space<hbm>>) target(%arg6 : memref<80x125xi32, #tpu.memory_space<vmem>>) target_semaphore(%run_scoped3A : memref<!tpu.dma_semaphore, #tpu.memory_space<semaphore_mem>>)
      %dma_wait3A_150 = arith.constant 0 : i32
      %dma_wait3A_151 = arith.constant 0 : i32
      %dma_wait3A_152 = tpu.memref_slice %arg3[%add3A, %dma_wait3A_150, %dma_wait3A_151] : memref<32x80x125xi32, #tpu.memory_space<hbm>> -> memref<1x80x125xi32, #tpu.memory_space<hbm>>
      %dma_wait3A_153 = tpu.memref_squeeze %dma_wait3A_152 : memref<1x80x125xi32, #tpu.memory_space<hbm>> -> memref<80x125xi32, #tpu.memory_space<hbm>>
      %dma_wait3A_154 = arith.constant 0 : i32
      %dma_wait3A_155 = arith.constant 0 : i32
      %dma_wait3A_156 = tpu.memref_slice %arg3[%add3A, %dma_wait3A_154, %dma_wait3A_155] : memref<32x80x125xi32, #tpu.memory_space<hbm>> -> memref<1x80x125xi32, #tpu.memory_space<hbm>>
      %dma_wait3A_157 = tpu.memref_squeeze %dma_wait3A_156 : memref<1x80x125xi32, #tpu.memory_space<hbm>> -> memref<80x125xi32, #tpu.memory_space<hbm>>
      tpu.wait_dma2 semaphore(%run_scoped3A : memref<!tpu.dma_semaphore, #tpu.memory_space<semaphore_mem>>) src(%dma_wait3A_157 : memref<80x125xi32, #tpu.memory_space<hbm>>) dst(%arg6 : memref<80x125xi32, #tpu.memory_space<vmem>>)
      tpu.yield
    }) : () -> ()
    "tpu.region"() ({
      %run_scoped3A = tpu.sem_alloc : memref<!tpu.dma_semaphore, #tpu.memory_space<semaphore_mem>>
      %dma_start3A_142 = arith.constant 0 : i32
      %dma_start3A_143 = arith.constant 0 : i32
      %dma_start3A_144 = tpu.memref_slice %arg4[%add3A, %dma_start3A_142, %dma_start3A_143] : memref<32x80x125xi32, #tpu.memory_space<hbm>> -> memref<1x80x125xi32, #tpu.memory_space<hbm>>
      %dma_start3A_145 = tpu.memref_squeeze %dma_start3A_144 : memref<1x80x125xi32, #tpu.memory_space<hbm>> -> memref<80x125xi32, #tpu.memory_space<hbm>>
      %dma_start3A_146 = arith.constant 0 : i32
      %dma_start3A_147 = arith.constant 0 : i32
      %dma_start3A_148 = tpu.memref_slice %arg4[%add3A, %dma_start3A_146, %dma_start3A_147] : memref<32x80x125xi32, #tpu.memory_space<hbm>> -> memref<1x80x125xi32, #tpu.memory_space<hbm>>
      %dma_start3A_149 = tpu.memref_squeeze %dma_start3A_148 : memref<1x80x125xi32, #tpu.memory_space<hbm>> -> memref<80x125xi32, #tpu.memory_space<hbm>>
      tpu.enqueue_dma source(%dma_start3A_149 : memref<80x125xi32, #tpu.memory_space<hbm>>) target(%arg7 : memref<80x125xi32, #tpu.memory_space<vmem>>) target_semaphore(%run_scoped3A : memref<!tpu.dma_semaphore, #tpu.memory_space<semaphore_mem>>)
      %dma_wait3A_150 = arith.constant 0 : i32
      %dma_wait3A_151 = arith.constant 0 : i32
      %dma_wait3A_152 = tpu.memref_slice %arg4[%add3A, %dma_wait3A_150, %dma_wait3A_151] : memref<32x80x125xi32, #tpu.memory_space<hbm>> -> memref<1x80x125xi32, #tpu.memory_space<hbm>>
      %dma_wait3A_153 = tpu.memref_squeeze %dma_wait3A_152 : memref<1x80x125xi32, #tpu.memory_space<hbm>> -> memref<80x125xi32, #tpu.memory_space<hbm>>
      %dma_wait3A_154 = arith.constant 0 : i32
      %dma_wait3A_155 = arith.constant 0 : i32
      %dma_wait3A_156 = tpu.memref_slice %arg4[%add3A, %dma_wait3A_154, %dma_wait3A_155] : memref<32x80x125xi32, #tpu.memory_space<hbm>> -> memref<1x80x125xi32, #tpu.memory_space<hbm>>
      %dma_wait3A_157 = tpu.memref_squeeze %dma_wait3A_156 : memref<1x80x125xi32, #tpu.memory_space<hbm>> -> memref<80x125xi32, #tpu.memory_space<hbm>>
      tpu.wait_dma2 semaphore(%run_scoped3A : memref<!tpu.dma_semaphore, #tpu.memory_space<semaphore_mem>>) src(%dma_wait3A_157 : memref<80x125xi32, #tpu.memory_space<hbm>>) dst(%arg7 : memref<80x125xi32, #tpu.memory_space<vmem>>)
      tpu.yield
    }) : () -> ()
    %broadcast_in_dim3A = arith.constant 0.000000e+00 : bf16
    %broadcast_in_dim3A_1 = vector.broadcast %broadcast_in_dim3A : bf16 to vector<32xbf16>
    %scan3A = arith.constant 0 : i32
    %scan3A_2 = arith.constant 0 : i32
    %scan3A_3 = arith.constant 500 : i32
    %scan3A_4 = arith.addi %scan3A_2, %scan3A_3 : i32
    %scan3A_5 = arith.constant 1 : i32
    scf.for %scan3A_142 = %scan3A_2 to %scan3A_4 step %scan3A_5  : i32 {
      %jit3A = arith.constant 4 : i32
      %div3A = arith.divsi %scan3A_142, %jit3A : i32
      %sign3A = arith.constant 0 : i32
      %sign3A_143 = arith.cmpi sgt, %scan3A_142, %sign3A : i32
      %sign3A_144 = arith.extui %sign3A_143 : i1 to i32
      %sign3A_145 = arith.constant 0 : i32
      %sign3A_146 = arith.cmpi slt, %scan3A_142, %sign3A_145 : i32
      %sign3A_147 = arith.extui %sign3A_146 : i1 to i32
      %sign3A_148 = arith.subi %sign3A_144, %sign3A_147 : i32
      %sign3A_149 = arith.constant 0 : i32
      %sign3A_150 = arith.cmpi sgt, %jit3A, %sign3A_149 : i32
      %sign3A_151 = arith.extui %sign3A_150 : i1 to i32
      %sign3A_152 = arith.constant 0 : i32
      %sign3A_153 = arith.cmpi slt, %jit3A, %sign3A_152 : i32
      %sign3A_154 = arith.extui %sign3A_153 : i1 to i32
      %sign3A_155 = arith.subi %sign3A_151, %sign3A_154 : i32
      %ne3A = arith.cmpi ne, %sign3A_148, %sign3A_155 : i32
      %rem3A = arith.remsi %scan3A_142, %jit3A : i32
      %ne3A_156 = arith.constant 0 : i32
      %ne3A_157 = arith.cmpi ne, %rem3A, %ne3A_156 : i32
      %and3A = arith.andi %ne3A, %ne3A_157 : i1
      %sub3A = arith.constant 1 : i32
      %sub3A_158 = arith.subi %div3A, %sub3A : i32
      %select_n3A = arith.select %and3A, %sub3A_158, %div3A : i32
      %jit3A_159 = arith.constant 4 : i32
      %eq3A = arith.constant 0 : i32
      %eq3A_160 = arith.cmpi eq, %jit3A_159, %eq3A : i32
      %jit3A_161 = arith.constant 1 : i32
      %select_n3A_162 = arith.select %eq3A_160, %jit3A_161, %jit3A_159 : i32
      %rem3A_163 = arith.remsi %scan3A_142, %select_n3A_162 : i32
      %ne3A_164 = arith.constant 0 : i32
      %ne3A_165 = arith.cmpi ne, %rem3A_163, %ne3A_164 : i32
      %lt3A = arith.constant 0 : i32
      %lt3A_166 = arith.cmpi slt, %rem3A_163, %lt3A : i32
      %lt3A_167 = arith.constant 0 : i32
      %lt3A_168 = arith.cmpi slt, %select_n3A_162, %lt3A_167 : i32
      %ne3A_169 = arith.xori %lt3A_166, %lt3A_168 : i1
      %and3A_170 = arith.andi %ne3A_169, %ne3A_165 : i1
      %add3A_171 = arith.addi %rem3A_163, %select_n3A_162 : i32
      %select_n3A_172 = arith.select %and3A_170, %add3A_171, %rem3A_163 : i32
      %mul3A_173 = arith.constant 32 : i32
      %mul3A_174 = arith.muli %select_n3A_172, %mul3A_173 : i32
      %swap3A = arith.index_cast %select_n3A : i32 to index
      %swap3A_175 = arith.index_cast %mul3A_174 : i32 to index
      %swap3A_176 = tpu.vector_load %arg8[%swap3A, %swap3A_175] {strides = array<i32>} : memref<125x128xbf16, #tpu.memory_space<vmem>>, vector<32xbf16>,
      tpu.vector_store %arg8[%swap3A, %swap3A_175], %broadcast_in_dim3A_1 {strides = array<i32>} : memref<125x128xbf16, #tpu.memory_space<vmem>>, vector<32xbf16>,
    }
    %scan3A_6 = arith.constant 500 : i32
    %mul3A_7 = arith.constant 640 : i32
    %mul3A_8 = arith.muli %arg1, %mul3A_7 : i32
    %multiple_of3A = tpu.assume_multiple %mul3A_8, 8 : i32
    %add3A_9 = arith.constant 0 : i32
    %add3A_10 = arith.addi %multiple_of3A, %add3A_9 : i32
    "tpu.region"() ({
      %run_scoped3A = tpu.sem_alloc : memref<!tpu.dma_semaphore, #tpu.memory_space<semaphore_mem>>
      %dma_start3A_142 = arith.constant 0 : i32
      %dma_start3A_143 = arith.constant 0 : i32
      %dma_start3A_144 = tpu.memref_slice %arg8[%dma_start3A_142, %dma_start3A_143] : memref<125x128xbf16, #tpu.memory_space<vmem>> -> memref<80x128xbf16, #tpu.memory_space<vmem>>
      %dma_start3A_145 = arith.constant 0 : i32
      %dma_start3A_146 = tpu.memref_slice %arg16[%add3A_10, %dma_start3A_145] : memref<10240x128xbf16, #tpu.memory_space<vmem_shared>> -> memref<80x128xbf16, #tpu.memory_space<vmem_shared>>
      %dma_start3A_147 = arith.constant 0 : i32
      %dma_start3A_148 = tpu.memref_slice %arg16[%add3A_10, %dma_start3A_147] : memref<10240x128xbf16, #tpu.memory_space<vmem_shared>> -> memref<80x128xbf16, #tpu.memory_space<vmem_shared>>
      %dma_start3A_149 = arith.constant 0 : i32
      %dma_start3A_150 = arith.constant 0 : i32
      %dma_start3A_151 = tpu.memref_slice %arg8[%dma_start3A_149, %dma_start3A_150] : memref<125x128xbf16, #tpu.memory_space<vmem>> -> memref<80x128xbf16, #tpu.memory_space<vmem>>
      tpu.enqueue_dma source(%dma_start3A_151 : memref<80x128xbf16, #tpu.memory_space<vmem>>) target(%dma_start3A_148 : memref<80x128xbf16, #tpu.memory_space<vmem_shared>>) target_semaphore(%run_scoped3A : memref<!tpu.dma_semaphore, #tpu.memory_space<semaphore_mem>>)
      %dma_wait3A_152 = arith.constant 0 : i32
      %dma_wait3A_153 = arith.constant 0 : i32
      %dma_wait3A_154 = tpu.memref_slice %arg8[%dma_wait3A_152, %dma_wait3A_153] : memref<125x128xbf16, #tpu.memory_space<vmem>> -> memref<80x128xbf16, #tpu.memory_space<vmem>>
      %dma_wait3A_155 = arith.constant 0 : i32
      %dma_wait3A_156 = tpu.memref_slice %arg16[%add3A_10, %dma_wait3A_155] : memref<10240x128xbf16, #tpu.memory_space<vmem_shared>> -> memref<80x128xbf16, #tpu.memory_space<vmem_shared>>
      %dma_wait3A_157 = arith.constant 0 : i32
      %dma_wait3A_158 = tpu.memref_slice %arg16[%add3A_10, %dma_wait3A_157] : memref<10240x128xbf16, #tpu.memory_space<vmem_shared>> -> memref<80x128xbf16, #tpu.memory_space<vmem_shared>>
      %dma_wait3A_159 = arith.constant 0 : i32
      %dma_wait3A_160 = arith.constant 0 : i32
      %dma_wait3A_161 = tpu.memref_slice %arg8[%dma_wait3A_159, %dma_wait3A_160] : memref<125x128xbf16, #tpu.memory_space<vmem>> -> memref<80x128xbf16, #tpu.memory_space<vmem>>
      tpu.wait_dma2 semaphore(%run_scoped3A : memref<!tpu.dma_semaphore, #tpu.memory_space<semaphore_mem>>) src(%dma_wait3A_161 : memref<80x128xbf16, #tpu.memory_space<vmem>>) dst(%dma_wait3A_158 : memref<80x128xbf16, #tpu.memory_space<vmem_shared>>)
      tpu.yield
    }) : () -> ()
    %add3A_11 = arith.constant 80 : i32
    %add3A_12 = arith.addi %multiple_of3A, %add3A_11 : i32
    "tpu.region"() ({
      %run_scoped3A = tpu.sem_alloc : memref<!tpu.dma_semaphore, #tpu.memory_space<semaphore_mem>>
      %dma_start3A_142 = arith.constant 0 : i32
      %dma_start3A_143 = arith.constant 0 : i32
      %dma_start3A_144 = tpu.memref_slice %arg8[%dma_start3A_142, %dma_start3A_143] : memref<125x128xbf16, #tpu.memory_space<vmem>> -> memref<80x128xbf16, #tpu.memory_space<vmem>>
      %dma_start3A_145 = arith.constant 0 : i32
      %dma_start3A_146 = tpu.memref_slice %arg16[%add3A_12, %dma_start3A_145] : memref<10240x128xbf16, #tpu.memory_space<vmem_shared>> -> memref<80x128xbf16, #tpu.memory_space<vmem_shared>>
      %dma_start3A_147 = arith.constant 0 : i32
      %dma_start3A_148 = tpu.memref_slice %arg16[%add3A_12, %dma_start3A_147] : memref<10240x128xbf16, #tpu.memory_space<vmem_shared>> -> memref<80x128xbf16, #tpu.memory_space<vmem_shared>>
      %dma_start3A_149 = arith.constant 0 : i32
      %dma_start3A_150 = arith.constant 0 : i32
      %dma_start3A_151 = tpu.memref_slice %arg8[%dma_start3A_149, %dma_start3A_150] : memref<125x128xbf16, #tpu.memory_space<vmem>> -> memref<80x128xbf16, #tpu.memory_space<vmem>>
      tpu.enqueue_dma source(%dma_start3A_151 : memref<80x128xbf16, #tpu.memory_space<vmem>>) target(%dma_start3A_148 : memref<80x128xbf16, #tpu.memory_space<vmem_shared>>) target_semaphore(%run_scoped3A : memref<!tpu.dma_semaphore, #tpu.memory_space<semaphore_mem>>)
      %dma_wait3A_152 = arith.constant 0 : i32
      %dma_wait3A_153 = arith.constant 0 : i32
      %dma_wait3A_154 = tpu.memref_slice %arg8[%dma_wait3A_152, %dma_wait3A_153] : memref<125x128xbf16, #tpu.memory_space<vmem>> -> memref<80x128xbf16, #tpu.memory_space<vmem>>
      %dma_wait3A_155 = arith.constant 0 : i32
      %dma_wait3A_156 = tpu.memref_slice %arg16[%add3A_12, %dma_wait3A_155] : memref<10240x128xbf16, #tpu.memory_space<vmem_shared>> -> memref<80x128xbf16, #tpu.memory_space<vmem_shared>>
      %dma_wait3A_157 = arith.constant 0 : i32
      %dma_wait3A_158 = tpu.memref_slice %arg16[%add3A_12, %dma_wait3A_157] : memref<10240x128xbf16, #tpu.memory_space<vmem_shared>> -> memref<80x128xbf16, #tpu.memory_space<vmem_shared>>
      %dma_wait3A_159 = arith.constant 0 : i32
      %dma_wait3A_160 = arith.constant 0 : i32
      %dma_wait3A_161 = tpu.memref_slice %arg8[%dma_wait3A_159, %dma_wait3A_160] : memref<125x128xbf16, #tpu.memory_space<vmem>> -> memref<80x128xbf16, #tpu.memory_space<vmem>>
      tpu.wait_dma2 semaphore(%run_scoped3A : memref<!tpu.dma_semaphore, #tpu.memory_space<semaphore_mem>>) src(%dma_wait3A_161 : memref<80x128xbf16, #tpu.memory_space<vmem>>) dst(%dma_wait3A_158 : memref<80x128xbf16, #tpu.memory_space<vmem_shared>>)
      tpu.yield
    }) : () -> ()
    %add3A_13 = arith.constant 160 : i32
    %add3A_14 = arith.addi %multiple_of3A, %add3A_13 : i32
    "tpu.region"() ({
      %run_scoped3A = tpu.sem_alloc : memref<!tpu.dma_semaphore, #tpu.memory_space<semaphore_mem>>
      %dma_start3A_142 = arith.constant 0 : i32
      %dma_start3A_143 = arith.constant 0 : i32
      %dma_start3A_144 = tpu.memref_slice %arg8[%dma_start3A_142, %dma_start3A_143] : memref<125x128xbf16, #tpu.memory_space<vmem>> -> memref<80x128xbf16, #tpu.memory_space<vmem>>
      %dma_start3A_145 = arith.constant 0 : i32
      %dma_start3A_146 = tpu.memref_slice %arg16[%add3A_14, %dma_start3A_145] : memref<10240x128xbf16, #tpu.memory_space<vmem_shared>> -> memref<80x128xbf16, #tpu.memory_space<vmem_shared>>
      %dma_start3A_147 = arith.constant 0 : i32
      %dma_start3A_148 = tpu.memref_slice %arg16[%add3A_14, %dma_start3A_147] : memref<10240x128xbf16, #tpu.memory_space<vmem_shared>> -> memref<80x128xbf16, #tpu.memory_space<vmem_shared>>
      %dma_start3A_149 = arith.constant 0 : i32
      %dma_start3A_150 = arith.constant 0 : i32
      %dma_start3A_151 = tpu.memref_slice %arg8[%dma_start3A_149, %dma_start3A_150] : memref<125x128xbf16, #tpu.memory_space<vmem>> -> memref<80x128xbf16, #tpu.memory_space<vmem>>
      tpu.enqueue_dma source(%dma_start3A_151 : memref<80x128xbf16, #tpu.memory_space<vmem>>) target(%dma_start3A_148 : memref<80x128xbf16, #tpu.memory_space<vmem_shared>>) target_semaphore(%run_scoped3A : memref<!tpu.dma_semaphore, #tpu.memory_space<semaphore_mem>>)
      %dma_wait3A_152 = arith.constant 0 : i32
      %dma_wait3A_153 = arith.constant 0 : i32
      %dma_wait3A_154 = tpu.memref_slice %arg8[%dma_wait3A_152, %dma_wait3A_153] : memref<125x128xbf16, #tpu.memory_space<vmem>> -> memref<80x128xbf16, #tpu.memory_space<vmem>>
      %dma_wait3A_155 = arith.constant 0 : i32
      %dma_wait3A_156 = tpu.memref_slice %arg16[%add3A_14, %dma_wait3A_155] : memref<10240x128xbf16, #tpu.memory_space<vmem_shared>> -> memref<80x128xbf16, #tpu.memory_space<vmem_shared>>
      %dma_wait3A_157 = arith.constant 0 : i32
      %dma_wait3A_158 = tpu.memref_slice %arg16[%add3A_14, %dma_wait3A_157] : memref<10240x128xbf16, #tpu.memory_space<vmem_shared>> -> memref<80x128xbf16, #tpu.memory_space<vmem_shared>>
      %dma_wait3A_159 = arith.constant 0 : i32
      %dma_wait3A_160 = arith.constant 0 : i32
      %dma_wait3A_161 = tpu.memref_slice %arg8[%dma_wait3A_159, %dma_wait3A_160] : memref<125x128xbf16, #tpu.memory_space<vmem>> -> memref<80x128xbf16, #tpu.memory_space<vmem>>
      tpu.wait_dma2 semaphore(%run_scoped3A : memref<!tpu.dma_semaphore, #tpu.memory_space<semaphore_mem>>) src(%dma_wait3A_161 : memref<80x128xbf16, #tpu.memory_space<vmem>>) dst(%dma_wait3A_158 : memref<80x128xbf16, #tpu.memory_space<vmem_shared>>)
      tpu.yield
    }) : () -> ()
    %add3A_15 = arith.constant 240 : i32
    %add3A_16 = arith.addi %multiple_of3A, %add3A_15 : i32
    "tpu.region"() ({
      %run_scoped3A = tpu.sem_alloc : memref<!tpu.dma_semaphore, #tpu.memory_space<semaphore_mem>>
      %dma_start3A_142 = arith.constant 0 : i32
      %dma_start3A_143 = arith.constant 0 : i32
      %dma_start3A_144 = tpu.memref_slice %arg8[%dma_start3A_142, %dma_start3A_143] : memref<125x128xbf16, #tpu.memory_space<vmem>> -> memref<80x128xbf16, #tpu.memory_space<vmem>>
      %dma_start3A_145 = arith.constant 0 : i32
      %dma_start3A_146 = tpu.memref_slice %arg16[%add3A_16, %dma_start3A_145] : memref<10240x128xbf16, #tpu.memory_space<vmem_shared>> -> memref<80x128xbf16, #tpu.memory_space<vmem_shared>>
      %dma_start3A_147 = arith.constant 0 : i32
      %dma_start3A_148 = tpu.memref_slice %arg16[%add3A_16, %dma_start3A_147] : memref<10240x128xbf16, #tpu.memory_space<vmem_shared>> -> memref<80x128xbf16, #tpu.memory_space<vmem_shared>>
      %dma_start3A_149 = arith.constant 0 : i32
      %dma_start3A_150 = arith.constant 0 : i32
      %dma_start3A_151 = tpu.memref_slice %arg8[%dma_start3A_149, %dma_start3A_150] : memref<125x128xbf16, #tpu.memory_space<vmem>> -> memref<80x128xbf16, #tpu.memory_space<vmem>>
      tpu.enqueue_dma source(%dma_start3A_151 : memref<80x128xbf16, #tpu.memory_space<vmem>>) target(%dma_start3A_148 : memref<80x128xbf16, #tpu.memory_space<vmem_shared>>) target_semaphore(%run_scoped3A : memref<!tpu.dma_semaphore, #tpu.memory_space<semaphore_mem>>)
      %dma_wait3A_152 = arith.constant 0 : i32
      %dma_wait3A_153 = arith.constant 0 : i32
      %dma_wait3A_154 = tpu.memref_slice %arg8[%dma_wait3A_152, %dma_wait3A_153] : memref<125x128xbf16, #tpu.memory_space<vmem>> -> memref<80x128xbf16, #tpu.memory_space<vmem>>
      %dma_wait3A_155 = arith.constant 0 : i32
      %dma_wait3A_156 = tpu.memref_slice %arg16[%add3A_16, %dma_wait3A_155] : memref<10240x128xbf16, #tpu.memory_space<vmem_shared>> -> memref<80x128xbf16, #tpu.memory_space<vmem_shared>>
      %dma_wait3A_157 = arith.constant 0 : i32
      %dma_wait3A_158 = tpu.memref_slice %arg16[%add3A_16, %dma_wait3A_157] : memref<10240x128xbf16, #tpu.memory_space<vmem_shared>> -> memref<80x128xbf16, #tpu.memory_space<vmem_shared>>
      %dma_wait3A_159 = arith.constant 0 : i32
      %dma_wait3A_160 = arith.constant 0 : i32
      %dma_wait3A_161 = tpu.memref_slice %arg8[%dma_wait3A_159, %dma_wait3A_160] : memref<125x128xbf16, #tpu.memory_space<vmem>> -> memref<80x128xbf16, #tpu.memory_space<vmem>>
      tpu.wait_dma2 semaphore(%run_scoped3A : memref<!tpu.dma_semaphore, #tpu.memory_space<semaphore_mem>>) src(%dma_wait3A_161 : memref<80x128xbf16, #tpu.memory_space<vmem>>) dst(%dma_wait3A_158 : memref<80x128xbf16, #tpu.memory_space<vmem_shared>>)
      tpu.yield
    }) : () -> ()
    %add3A_17 = arith.constant 320 : i32
    %add3A_18 = arith.addi %multiple_of3A, %add3A_17 : i32
    "tpu.region"() ({
      %run_scoped3A = tpu.sem_alloc : memref<!tpu.dma_semaphore, #tpu.memory_space<semaphore_mem>>
      %dma_start3A_142 = arith.constant 0 : i32
      %dma_start3A_143 = arith.constant 0 : i32
      %dma_start3A_144 = tpu.memref_slice %arg8[%dma_start3A_142, %dma_start3A_143] : memref<125x128xbf16, #tpu.memory_space<vmem>> -> memref<80x128xbf16, #tpu.memory_space<vmem>>
      %dma_start3A_145 = arith.constant 0 : i32
      %dma_start3A_146 = tpu.memref_slice %arg16[%add3A_18, %dma_start3A_145] : memref<10240x128xbf16, #tpu.memory_space<vmem_shared>> -> memref<80x128xbf16, #tpu.memory_space<vmem_shared>>
      %dma_start3A_147 = arith.constant 0 : i32
      %dma_start3A_148 = tpu.memref_slice %arg16[%add3A_18, %dma_start3A_147] : memref<10240x128xbf16, #tpu.memory_space<vmem_shared>> -> memref<80x128xbf16, #tpu.memory_space<vmem_shared>>
      %dma_start3A_149 = arith.constant 0 : i32
      %dma_start3A_150 = arith.constant 0 : i32
      %dma_start3A_151 = tpu.memref_slice %arg8[%dma_start3A_149, %dma_start3A_150] : memref<125x128xbf16, #tpu.memory_space<vmem>> -> memref<80x128xbf16, #tpu.memory_space<vmem>>
      tpu.enqueue_dma source(%dma_start3A_151 : memref<80x128xbf16, #tpu.memory_space<vmem>>) target(%dma_start3A_148 : memref<80x128xbf16, #tpu.memory_space<vmem_shared>>) target_semaphore(%run_scoped3A : memref<!tpu.dma_semaphore, #tpu.memory_space<semaphore_mem>>)
      %dma_wait3A_152 = arith.constant 0 : i32
      %dma_wait3A_153 = arith.constant 0 : i32
      %dma_wait3A_154 = tpu.memref_slice %arg8[%dma_wait3A_152, %dma_wait3A_153] : memref<125x128xbf16, #tpu.memory_space<vmem>> -> memref<80x128xbf16, #tpu.memory_space<vmem>>
      %dma_wait3A_155 = arith.constant 0 : i32
      %dma_wait3A_156 = tpu.memref_slice %arg16[%add3A_18, %dma_wait3A_155] : memref<10240x128xbf16, #tpu.memory_space<vmem_shared>> -> memref<80x128xbf16, #tpu.memory_space<vmem_shared>>
      %dma_wait3A_157 = arith.constant 0 : i32
      %dma_wait3A_158 = tpu.memref_slice %arg16[%add3A_18, %dma_wait3A_157] : memref<10240x128xbf16, #tpu.memory_space<vmem_shared>> -> memref<80x128xbf16, #tpu.memory_space<vmem_shared>>
      %dma_wait3A_159 = arith.constant 0 : i32
      %dma_wait3A_160 = arith.constant 0 : i32
      %dma_wait3A_161 = tpu.memref_slice %arg8[%dma_wait3A_159, %dma_wait3A_160] : memref<125x128xbf16, #tpu.memory_space<vmem>> -> memref<80x128xbf16, #tpu.memory_space<vmem>>
      tpu.wait_dma2 semaphore(%run_scoped3A : memref<!tpu.dma_semaphore, #tpu.memory_space<semaphore_mem>>) src(%dma_wait3A_161 : memref<80x128xbf16, #tpu.memory_space<vmem>>) dst(%dma_wait3A_158 : memref<80x128xbf16, #tpu.memory_space<vmem_shared>>)
      tpu.yield
    }) : () -> ()
    %add3A_19 = arith.constant 400 : i32
    %add3A_20 = arith.addi %multiple_of3A, %add3A_19 : i32
    "tpu.region"() ({
      %run_scoped3A = tpu.sem_alloc : memref<!tpu.dma_semaphore, #tpu.memory_space<semaphore_mem>>
      %dma_start3A_142 = arith.constant 0 : i32
      %dma_start3A_143 = arith.constant 0 : i32
      %dma_start3A_144 = tpu.memref_slice %arg8[%dma_start3A_142, %dma_start3A_143] : memref<125x128xbf16, #tpu.memory_space<vmem>> -> memref<80x128xbf16, #tpu.memory_space<vmem>>
      %dma_start3A_145 = arith.constant 0 : i32
      %dma_start3A_146 = tpu.memref_slice %arg16[%add3A_20, %dma_start3A_145] : memref<10240x128xbf16, #tpu.memory_space<vmem_shared>> -> memref<80x128xbf16, #tpu.memory_space<vmem_shared>>
      %dma_start3A_147 = arith.constant 0 : i32
      %dma_start3A_148 = tpu.memref_slice %arg16[%add3A_20, %dma_start3A_147] : memref<10240x128xbf16, #tpu.memory_space<vmem_shared>> -> memref<80x128xbf16, #tpu.memory_space<vmem_shared>>
      %dma_start3A_149 = arith.constant 0 : i32
      %dma_start3A_150 = arith.constant 0 : i32
      %dma_start3A_151 = tpu.memref_slice %arg8[%dma_start3A_149, %dma_start3A_150] : memref<125x128xbf16, #tpu.memory_space<vmem>> -> memref<80x128xbf16, #tpu.memory_space<vmem>>
      tpu.enqueue_dma source(%dma_start3A_151 : memref<80x128xbf16, #tpu.memory_space<vmem>>) target(%dma_start3A_148 : memref<80x128xbf16, #tpu.memory_space<vmem_shared>>) target_semaphore(%run_scoped3A : memref<!tpu.dma_semaphore, #tpu.memory_space<semaphore_mem>>)
      %dma_wait3A_152 = arith.constant 0 : i32
      %dma_wait3A_153 = arith.constant 0 : i32
      %dma_wait3A_154 = tpu.memref_slice %arg8[%dma_wait3A_152, %dma_wait3A_153] : memref<125x128xbf16, #tpu.memory_space<vmem>> -> memref<80x128xbf16, #tpu.memory_space<vmem>>
      %dma_wait3A_155 = arith.constant 0 : i32
      %dma_wait3A_156 = tpu.memref_slice %arg16[%add3A_20, %dma_wait3A_155] : memref<10240x128xbf16, #tpu.memory_space<vmem_shared>> -> memref<80x128xbf16, #tpu.memory_space<vmem_shared>>
      %dma_wait3A_157 = arith.constant 0 : i32
      %dma_wait3A_158 = tpu.memref_slice %arg16[%add3A_20, %dma_wait3A_157] : memref<10240x128xbf16, #tpu.memory_space<vmem_shared>> -> memref<80x128xbf16, #tpu.memory_space<vmem_shared>>
      %dma_wait3A_159 = arith.constant 0 : i32
      %dma_wait3A_160 = arith.constant 0 : i32
      %dma_wait3A_161 = tpu.memref_slice %arg8[%dma_wait3A_159, %dma_wait3A_160] : memref<125x128xbf16, #tpu.memory_space<vmem>> -> memref<80x128xbf16, #tpu.memory_space<vmem>>
      tpu.wait_dma2 semaphore(%run_scoped3A : memref<!tpu.dma_semaphore, #tpu.memory_space<semaphore_mem>>) src(%dma_wait3A_161 : memref<80x128xbf16, #tpu.memory_space<vmem>>) dst(%dma_wait3A_158 : memref<80x128xbf16, #tpu.memory_space<vmem_shared>>)
      tpu.yield
    }) : () -> ()
    %add3A_21 = arith.constant 480 : i32
    %add3A_22 = arith.addi %multiple_of3A, %add3A_21 : i32
    "tpu.region"() ({
      %run_scoped3A = tpu.sem_alloc : memref<!tpu.dma_semaphore, #tpu.memory_space<semaphore_mem>>
      %dma_start3A_142 = arith.constant 0 : i32
      %dma_start3A_143 = arith.constant 0 : i32
      %dma_start3A_144 = tpu.memref_slice %arg8[%dma_start3A_142, %dma_start3A_143] : memref<125x128xbf16, #tpu.memory_space<vmem>> -> memref<80x128xbf16, #tpu.memory_space<vmem>>
      %dma_start3A_145 = arith.constant 0 : i32
      %dma_start3A_146 = tpu.memref_slice %arg16[%add3A_22, %dma_start3A_145] : memref<10240x128xbf16, #tpu.memory_space<vmem_shared>> -> memref<80x128xbf16, #tpu.memory_space<vmem_shared>>
      %dma_start3A_147 = arith.constant 0 : i32
      %dma_start3A_148 = tpu.memref_slice %arg16[%add3A_22, %dma_start3A_147] : memref<10240x128xbf16, #tpu.memory_space<vmem_shared>> -> memref<80x128xbf16, #tpu.memory_space<vmem_shared>>
      %dma_start3A_149 = arith.constant 0 : i32
      %dma_start3A_150 = arith.constant 0 : i32
      %dma_start3A_151 = tpu.memref_slice %arg8[%dma_start3A_149, %dma_start3A_150] : memref<125x128xbf16, #tpu.memory_space<vmem>> -> memref<80x128xbf16, #tpu.memory_space<vmem>>
      tpu.enqueue_dma source(%dma_start3A_151 : memref<80x128xbf16, #tpu.memory_space<vmem>>) target(%dma_start3A_148 : memref<80x128xbf16, #tpu.memory_space<vmem_shared>>) target_semaphore(%run_scoped3A : memref<!tpu.dma_semaphore, #tpu.memory_space<semaphore_mem>>)
      %dma_wait3A_152 = arith.constant 0 : i32
      %dma_wait3A_153 = arith.constant 0 : i32
      %dma_wait3A_154 = tpu.memref_slice %arg8[%dma_wait3A_152, %dma_wait3A_153] : memref<125x128xbf16, #tpu.memory_space<vmem>> -> memref<80x128xbf16, #tpu.memory_space<vmem>>
      %dma_wait3A_155 = arith.constant 0 : i32
      %dma_wait3A_156 = tpu.memref_slice %arg16[%add3A_22, %dma_wait3A_155] : memref<10240x128xbf16, #tpu.memory_space<vmem_shared>> -> memref<80x128xbf16, #tpu.memory_space<vmem_shared>>
      %dma_wait3A_157 = arith.constant 0 : i32
      %dma_wait3A_158 = tpu.memref_slice %arg16[%add3A_22, %dma_wait3A_157] : memref<10240x128xbf16, #tpu.memory_space<vmem_shared>> -> memref<80x128xbf16, #tpu.memory_space<vmem_shared>>
      %dma_wait3A_159 = arith.constant 0 : i32
      %dma_wait3A_160 = arith.constant 0 : i32
      %dma_wait3A_161 = tpu.memref_slice %arg8[%dma_wait3A_159, %dma_wait3A_160] : memref<125x128xbf16, #tpu.memory_space<vmem>> -> memref<80x128xbf16, #tpu.memory_space<vmem>>
      tpu.wait_dma2 semaphore(%run_scoped3A : memref<!tpu.dma_semaphore, #tpu.memory_space<semaphore_mem>>) src(%dma_wait3A_161 : memref<80x128xbf16, #tpu.memory_space<vmem>>) dst(%dma_wait3A_158 : memref<80x128xbf16, #tpu.memory_space<vmem_shared>>)
      tpu.yield
    }) : () -> ()
    %add3A_23 = arith.constant 560 : i32
    %add3A_24 = arith.addi %multiple_of3A, %add3A_23 : i32
    "tpu.region"() ({
      %run_scoped3A = tpu.sem_alloc : memref<!tpu.dma_semaphore, #tpu.memory_space<semaphore_mem>>
      %dma_start3A_142 = arith.constant 0 : i32
      %dma_start3A_143 = arith.constant 0 : i32
      %dma_start3A_144 = tpu.memref_slice %arg8[%dma_start3A_142, %dma_start3A_143] : memref<125x128xbf16, #tpu.memory_space<vmem>> -> memref<80x128xbf16, #tpu.memory_space<vmem>>
      %dma_start3A_145 = arith.constant 0 : i32
      %dma_start3A_146 = tpu.memref_slice %arg16[%add3A_24, %dma_start3A_145] : memref<10240x128xbf16, #tpu.memory_space<vmem_shared>> -> memref<80x128xbf16, #tpu.memory_space<vmem_shared>>
      %dma_start3A_147 = arith.constant 0 : i32
      %dma_start3A_148 = tpu.memref_slice %arg16[%add3A_24, %dma_start3A_147] : memref<10240x128xbf16, #tpu.memory_space<vmem_shared>> -> memref<80x128xbf16, #tpu.memory_space<vmem_shared>>
      %dma_start3A_149 = arith.constant 0 : i32
      %dma_start3A_150 = arith.constant 0 : i32
      %dma_start3A_151 = tpu.memref_slice %arg8[%dma_start3A_149, %dma_start3A_150] : memref<125x128xbf16, #tpu.memory_space<vmem>> -> memref<80x128xbf16, #tpu.memory_space<vmem>>
      tpu.enqueue_dma source(%dma_start3A_151 : memref<80x128xbf16, #tpu.memory_space<vmem>>) target(%dma_start3A_148 : memref<80x128xbf16, #tpu.memory_space<vmem_shared>>) target_semaphore(%run_scoped3A : memref<!tpu.dma_semaphore, #tpu.memory_space<semaphore_mem>>)
      %dma_wait3A_152 = arith.constant 0 : i32
      %dma_wait3A_153 = arith.constant 0 : i32
      %dma_wait3A_154 = tpu.memref_slice %arg8[%dma_wait3A_152, %dma_wait3A_153] : memref<125x128xbf16, #tpu.memory_space<vmem>> -> memref<80x128xbf16, #tpu.memory_space<vmem>>
      %dma_wait3A_155 = arith.constant 0 : i32
      %dma_wait3A_156 = tpu.memref_slice %arg16[%add3A_24, %dma_wait3A_155] : memref<10240x128xbf16, #tpu.memory_space<vmem_shared>> -> memref<80x128xbf16, #tpu.memory_space<vmem_shared>>
      %dma_wait3A_157 = arith.constant 0 : i32
      %dma_wait3A_158 = tpu.memref_slice %arg16[%add3A_24, %dma_wait3A_157] : memref<10240x128xbf16, #tpu.memory_space<vmem_shared>> -> memref<80x128xbf16, #tpu.memory_space<vmem_shared>>
      %dma_wait3A_159 = arith.constant 0 : i32
      %dma_wait3A_160 = arith.constant 0 : i32
      %dma_wait3A_161 = tpu.memref_slice %arg8[%dma_wait3A_159, %dma_wait3A_160] : memref<125x128xbf16, #tpu.memory_space<vmem>> -> memref<80x128xbf16, #tpu.memory_space<vmem>>
      tpu.wait_dma2 semaphore(%run_scoped3A : memref<!tpu.dma_semaphore, #tpu.memory_space<semaphore_mem>>) src(%dma_wait3A_161 : memref<80x128xbf16, #tpu.memory_space<vmem>>) dst(%dma_wait3A_158 : memref<80x128xbf16, #tpu.memory_space<vmem_shared>>)
      tpu.yield
    }) : () -> ()
    %barrier3A = arith.constant 0 : index
    tpu.barrier barrier_id(%barrier3A)
    %dma_start3A = arith.constant 0 : i32
    %dma_start3A_25 = arith.constant 0 : i32
    %dma_start3A_26 = tpu.memref_slice %arg6[%dma_start3A, %dma_start3A_25] : memref<80x125xi32, #tpu.memory_space<vmem>> -> memref<1x125xi32, #tpu.memory_space<vmem>>
    %dma_start3A_27 = tpu.memref_squeeze %dma_start3A_26 : memref<1x125xi32, #tpu.memory_space<vmem>> -> memref<125xi32, #tpu.memory_space<vmem>>
    %dma_start3A_28 = arith.constant 0 : i32
    %dma_start3A_29 = arith.constant 0 : i32
    %dma_start3A_30 = tpu.memref_slice %arg2[%dma_start3A_28, %dma_start3A_29] : memref<10000x128xbf16, #tpu.memory_space<hbm>> -> memref<10000x128xbf16, #tpu.memory_space<hbm>>
    tpu.enqueue_indirect_dma source(%dma_start3A_30 : memref<10000x128xbf16, #tpu.memory_space<hbm>>) target(%arg8 : memref<125x128xbf16, #tpu.memory_space<vmem>>) offsets(%dma_start3A_27 : memref<125xi32, #tpu.memory_space<vmem>>) semaphore(%arg17 : memref<!tpu.dma_semaphore, #tpu.memory_space<semaphore_mem>>)
    %dma_start3A_31 = arith.constant 1 : i32
    %dma_start3A_32 = arith.constant 0 : i32
    %dma_start3A_33 = tpu.memref_slice %arg6[%dma_start3A_31, %dma_start3A_32] : memref<80x125xi32, #tpu.memory_space<vmem>> -> memref<1x125xi32, #tpu.memory_space<vmem>>
    %dma_start3A_34 = tpu.memref_squeeze %dma_start3A_33 : memref<1x125xi32, #tpu.memory_space<vmem>> -> memref<125xi32, #tpu.memory_space<vmem>>
    %dma_start3A_35 = arith.constant 0 : i32
    %dma_start3A_36 = arith.constant 0 : i32
    %dma_start3A_37 = tpu.memref_slice %arg2[%dma_start3A_35, %dma_start3A_36] : memref<10000x128xbf16, #tpu.memory_space<hbm>> -> memref<10000x128xbf16, #tpu.memory_space<hbm>>
    tpu.enqueue_indirect_dma source(%dma_start3A_37 : memref<10000x128xbf16, #tpu.memory_space<hbm>>) target(%arg9 : memref<125x128xbf16, #tpu.memory_space<vmem>>) offsets(%dma_start3A_34 : memref<125xi32, #tpu.memory_space<vmem>>) semaphore(%arg18 : memref<!tpu.dma_semaphore, #tpu.memory_space<semaphore_mem>>)
    %dma_start3A_38 = arith.constant 2 : i32
    %dma_start3A_39 = arith.constant 0 : i32
    %dma_start3A_40 = tpu.memref_slice %arg6[%dma_start3A_38, %dma_start3A_39] : memref<80x125xi32, #tpu.memory_space<vmem>> -> memref<1x125xi32, #tpu.memory_space<vmem>>
    %dma_start3A_41 = tpu.memref_squeeze %dma_start3A_40 : memref<1x125xi32, #tpu.memory_space<vmem>> -> memref<125xi32, #tpu.memory_space<vmem>>
    %dma_start3A_42 = arith.constant 0 : i32
    %dma_start3A_43 = arith.constant 0 : i32
    %dma_start3A_44 = tpu.memref_slice %arg2[%dma_start3A_42, %dma_start3A_43] : memref<10000x128xbf16, #tpu.memory_space<hbm>> -> memref<10000x128xbf16, #tpu.memory_space<hbm>>
    tpu.enqueue_indirect_dma source(%dma_start3A_44 : memref<10000x128xbf16, #tpu.memory_space<hbm>>) target(%arg10 : memref<125x128xbf16, #tpu.memory_space<vmem>>) offsets(%dma_start3A_41 : memref<125xi32, #tpu.memory_space<vmem>>) semaphore(%arg19 : memref<!tpu.dma_semaphore, #tpu.memory_space<semaphore_mem>>)
    %dma_start3A_45 = arith.constant 3 : i32
    %dma_start3A_46 = arith.constant 0 : i32
    %dma_start3A_47 = tpu.memref_slice %arg6[%dma_start3A_45, %dma_start3A_46] : memref<80x125xi32, #tpu.memory_space<vmem>> -> memref<1x125xi32, #tpu.memory_space<vmem>>
    %dma_start3A_48 = tpu.memref_squeeze %dma_start3A_47 : memref<1x125xi32, #tpu.memory_space<vmem>> -> memref<125xi32, #tpu.memory_space<vmem>>
    %dma_start3A_49 = arith.constant 0 : i32
    %dma_start3A_50 = arith.constant 0 : i32
    %dma_start3A_51 = tpu.memref_slice %arg2[%dma_start3A_49, %dma_start3A_50] : memref<10000x128xbf16, #tpu.memory_space<hbm>> -> memref<10000x128xbf16, #tpu.memory_space<hbm>>
    tpu.enqueue_indirect_dma source(%dma_start3A_51 : memref<10000x128xbf16, #tpu.memory_space<hbm>>) target(%arg11 : memref<125x128xbf16, #tpu.memory_space<vmem>>) offsets(%dma_start3A_48 : memref<125xi32, #tpu.memory_space<vmem>>) semaphore(%arg20 : memref<!tpu.dma_semaphore, #tpu.memory_space<semaphore_mem>>)
    %dma_start3A_52 = arith.constant 4 : i32
    %dma_start3A_53 = arith.constant 0 : i32
    %dma_start3A_54 = tpu.memref_slice %arg6[%dma_start3A_52, %dma_start3A_53] : memref<80x125xi32, #tpu.memory_space<vmem>> -> memref<1x125xi32, #tpu.memory_space<vmem>>
    %dma_start3A_55 = tpu.memref_squeeze %dma_start3A_54 : memref<1x125xi32, #tpu.memory_space<vmem>> -> memref<125xi32, #tpu.memory_space<vmem>>
    %dma_start3A_56 = arith.constant 0 : i32
    %dma_start3A_57 = arith.constant 0 : i32
    %dma_start3A_58 = tpu.memref_slice %arg2[%dma_start3A_56, %dma_start3A_57] : memref<10000x128xbf16, #tpu.memory_space<hbm>> -> memref<10000x128xbf16, #tpu.memory_space<hbm>>
    tpu.enqueue_indirect_dma source(%dma_start3A_58 : memref<10000x128xbf16, #tpu.memory_space<hbm>>) target(%arg12 : memref<125x128xbf16, #tpu.memory_space<vmem>>) offsets(%dma_start3A_55 : memref<125xi32, #tpu.memory_space<vmem>>) semaphore(%arg21 : memref<!tpu.dma_semaphore, #tpu.memory_space<semaphore_mem>>)
    %dma_start3A_59 = arith.constant 5 : i32
    %dma_start3A_60 = arith.constant 0 : i32
    %dma_start3A_61 = tpu.memref_slice %arg6[%dma_start3A_59, %dma_start3A_60] : memref<80x125xi32, #tpu.memory_space<vmem>> -> memref<1x125xi32, #tpu.memory_space<vmem>>
    %dma_start3A_62 = tpu.memref_squeeze %dma_start3A_61 : memref<1x125xi32, #tpu.memory_space<vmem>> -> memref<125xi32, #tpu.memory_space<vmem>>
    %dma_start3A_63 = arith.constant 0 : i32
    %dma_start3A_64 = arith.constant 0 : i32
    %dma_start3A_65 = tpu.memref_slice %arg2[%dma_start3A_63, %dma_start3A_64] : memref<10000x128xbf16, #tpu.memory_space<hbm>> -> memref<10000x128xbf16, #tpu.memory_space<hbm>>
    tpu.enqueue_indirect_dma source(%dma_start3A_65 : memref<10000x128xbf16, #tpu.memory_space<hbm>>) target(%arg13 : memref<125x128xbf16, #tpu.memory_space<vmem>>) offsets(%dma_start3A_62 : memref<125xi32, #tpu.memory_space<vmem>>) semaphore(%arg22 : memref<!tpu.dma_semaphore, #tpu.memory_space<semaphore_mem>>)
    %dma_start3A_66 = arith.constant 6 : i32
    %dma_start3A_67 = arith.constant 0 : i32
    %dma_start3A_68 = tpu.memref_slice %arg6[%dma_start3A_66, %dma_start3A_67] : memref<80x125xi32, #tpu.memory_space<vmem>> -> memref<1x125xi32, #tpu.memory_space<vmem>>
    %dma_start3A_69 = tpu.memref_squeeze %dma_start3A_68 : memref<1x125xi32, #tpu.memory_space<vmem>> -> memref<125xi32, #tpu.memory_space<vmem>>
    %dma_start3A_70 = arith.constant 0 : i32
    %dma_start3A_71 = arith.constant 0 : i32
    %dma_start3A_72 = tpu.memref_slice %arg2[%dma_start3A_70, %dma_start3A_71] : memref<10000x128xbf16, #tpu.memory_space<hbm>> -> memref<10000x128xbf16, #tpu.memory_space<hbm>>
    tpu.enqueue_indirect_dma source(%dma_start3A_72 : memref<10000x128xbf16, #tpu.memory_space<hbm>>) target(%arg14 : memref<125x128xbf16, #tpu.memory_space<vmem>>) offsets(%dma_start3A_69 : memref<125xi32, #tpu.memory_space<vmem>>) semaphore(%arg23 : memref<!tpu.dma_semaphore, #tpu.memory_space<semaphore_mem>>)
    %dma_start3A_73 = arith.constant 7 : i32
    %dma_start3A_74 = arith.constant 0 : i32
    %dma_start3A_75 = tpu.memref_slice %arg6[%dma_start3A_73, %dma_start3A_74] : memref<80x125xi32, #tpu.memory_space<vmem>> -> memref<1x125xi32, #tpu.memory_space<vmem>>
    %dma_start3A_76 = tpu.memref_squeeze %dma_start3A_75 : memref<1x125xi32, #tpu.memory_space<vmem>> -> memref<125xi32, #tpu.memory_space<vmem>>
    %dma_start3A_77 = arith.constant 0 : i32
    %dma_start3A_78 = arith.constant 0 : i32
    %dma_start3A_79 = tpu.memref_slice %arg2[%dma_start3A_77, %dma_start3A_78] : memref<10000x128xbf16, #tpu.memory_space<hbm>> -> memref<10000x128xbf16, #tpu.memory_space<hbm>>
    tpu.enqueue_indirect_dma source(%dma_start3A_79 : memref<10000x128xbf16, #tpu.memory_space<hbm>>) target(%arg15 : memref<125x128xbf16, #tpu.memory_space<vmem>>) offsets(%dma_start3A_76 : memref<125xi32, #tpu.memory_space<vmem>>) semaphore(%arg24 : memref<!tpu.dma_semaphore, #tpu.memory_space<semaphore_mem>>)
    %scan3A_80 = arith.constant 0 : i32
    %scan3A_81 = arith.constant 0 : i32
    %scan3A_82 = arith.constant 10 : i32
    %scan3A_83 = arith.addi %scan3A_81, %scan3A_82 : i32
    %scan3A_84 = arith.constant 1 : i32
    scf.for %scan3A_142 = %scan3A_81 to %scan3A_83 step %scan3A_84  : i32 {
      %mul3A_143 = arith.constant 8 : i32
      %mul3A_144 = arith.muli %scan3A_142, %mul3A_143 : i32
      %add3A_145 = arith.constant 0 : i32
      %add3A_146 = arith.addi %mul3A_144, %add3A_145 : i32
      %dma_wait3A_147 = arith.constant 0 : i32
      %dma_wait3A_148 = tpu.memref_slice %arg6[%add3A_146, %dma_wait3A_147] : memref<80x125xi32, #tpu.memory_space<vmem>> -> memref<1x125xi32, #tpu.memory_space<vmem>>
      %dma_wait3A_149 = tpu.memref_squeeze %dma_wait3A_148 : memref<1x125xi32, #tpu.memory_space<vmem>> -> memref<125xi32, #tpu.memory_space<vmem>>
      %dma_wait3A_150 = arith.constant 0 : i32
      %dma_wait3A_151 = arith.constant 0 : i32
      %dma_wait3A_152 = tpu.memref_slice %arg2[%dma_wait3A_150, %dma_wait3A_151] : memref<10000x128xbf16, #tpu.memory_space<hbm>> -> memref<10000x128xbf16, #tpu.memory_space<hbm>>
      tpu.wait_indirect_dma semaphore(%arg17 : memref<!tpu.dma_semaphore, #tpu.memory_space<semaphore_mem>>) src(%dma_wait3A_152 : memref<10000x128xbf16, #tpu.memory_space<hbm>>) dst(%arg8 : memref<125x128xbf16, #tpu.memory_space<vmem>>)
      %add3A_153 = arith.constant 0 : i32
      %add3A_154 = arith.addi %mul3A_144, %add3A_153 : i32
      %dma_start3A_155 = arith.constant 0 : i32
      %dma_start3A_156 = tpu.memref_slice %arg7[%add3A_154, %dma_start3A_155] : memref<80x125xi32, #tpu.memory_space<vmem>> -> memref<1x125xi32, #tpu.memory_space<vmem>>
      %dma_start3A_157 = tpu.memref_squeeze %dma_start3A_156 : memref<1x125xi32, #tpu.memory_space<vmem>> -> memref<125xi32, #tpu.memory_space<vmem>>
      %dma_start3A_158 = arith.constant 0 : i32
      %dma_start3A_159 = arith.constant 0 : i32
      %dma_start3A_160 = tpu.memref_slice %arg16[%dma_start3A_158, %dma_start3A_159] : memref<10240x128xbf16, #tpu.memory_space<vmem_shared>> -> memref<10240x128xbf16, #tpu.memory_space<vmem_shared>>
      tpu.enqueue_indirect_dma source(%arg8 : memref<125x128xbf16, #tpu.memory_space<vmem>>) target(%dma_start3A_160 : memref<10240x128xbf16, #tpu.memory_space<vmem_shared>>) offsets(%dma_start3A_157 : memref<125xi32, #tpu.memory_space<vmem>>) semaphore(%arg25 : memref<!tpu.dma_semaphore, #tpu.memory_space<semaphore_mem>>) {add = true}
      %add3A_161 = arith.constant 1 : i32
      %add3A_162 = arith.addi %mul3A_144, %add3A_161 : i32
      %dma_wait3A_163 = arith.constant 0 : i32
      %dma_wait3A_164 = tpu.memref_slice %arg6[%add3A_162, %dma_wait3A_163] : memref<80x125xi32, #tpu.memory_space<vmem>> -> memref<1x125xi32, #tpu.memory_space<vmem>>
      %dma_wait3A_165 = tpu.memref_squeeze %dma_wait3A_164 : memref<1x125xi32, #tpu.memory_space<vmem>> -> memref<125xi32, #tpu.memory_space<vmem>>
      %dma_wait3A_166 = arith.constant 0 : i32
      %dma_wait3A_167 = arith.constant 0 : i32
      %dma_wait3A_168 = tpu.memref_slice %arg2[%dma_wait3A_166, %dma_wait3A_167] : memref<10000x128xbf16, #tpu.memory_space<hbm>> -> memref<10000x128xbf16, #tpu.memory_space<hbm>>
      tpu.wait_indirect_dma semaphore(%arg18 : memref<!tpu.dma_semaphore, #tpu.memory_space<semaphore_mem>>) src(%dma_wait3A_168 : memref<10000x128xbf16, #tpu.memory_space<hbm>>) dst(%arg9 : memref<125x128xbf16, #tpu.memory_space<vmem>>)
      %add3A_169 = arith.constant 1 : i32
      %add3A_170 = arith.addi %mul3A_144, %add3A_169 : i32
      %dma_start3A_171 = arith.constant 0 : i32
      %dma_start3A_172 = tpu.memref_slice %arg7[%add3A_170, %dma_start3A_171] : memref<80x125xi32, #tpu.memory_space<vmem>> -> memref<1x125xi32, #tpu.memory_space<vmem>>
      %dma_start3A_173 = tpu.memref_squeeze %dma_start3A_172 : memref<1x125xi32, #tpu.memory_space<vmem>> -> memref<125xi32, #tpu.memory_space<vmem>>
      %dma_start3A_174 = arith.constant 0 : i32
      %dma_start3A_175 = arith.constant 0 : i32
      %dma_start3A_176 = tpu.memref_slice %arg16[%dma_start3A_174, %dma_start3A_175] : memref<10240x128xbf16, #tpu.memory_space<vmem_shared>> -> memref<10240x128xbf16, #tpu.memory_space<vmem_shared>>
      tpu.enqueue_indirect_dma source(%arg9 : memref<125x128xbf16, #tpu.memory_space<vmem>>) target(%dma_start3A_176 : memref<10240x128xbf16, #tpu.memory_space<vmem_shared>>) offsets(%dma_start3A_173 : memref<125xi32, #tpu.memory_space<vmem>>) semaphore(%arg26 : memref<!tpu.dma_semaphore, #tpu.memory_space<semaphore_mem>>) {add = true}
      %add3A_177 = arith.constant 2 : i32
      %add3A_178 = arith.addi %mul3A_144, %add3A_177 : i32
      %dma_wait3A_179 = arith.constant 0 : i32
      %dma_wait3A_180 = tpu.memref_slice %arg6[%add3A_178, %dma_wait3A_179] : memref<80x125xi32, #tpu.memory_space<vmem>> -> memref<1x125xi32, #tpu.memory_space<vmem>>
      %dma_wait3A_181 = tpu.memref_squeeze %dma_wait3A_180 : memref<1x125xi32, #tpu.memory_space<vmem>> -> memref<125xi32, #tpu.memory_space<vmem>>
      %dma_wait3A_182 = arith.constant 0 : i32
      %dma_wait3A_183 = arith.constant 0 : i32
      %dma_wait3A_184 = tpu.memref_slice %arg2[%dma_wait3A_182, %dma_wait3A_183] : memref<10000x128xbf16, #tpu.memory_space<hbm>> -> memref<10000x128xbf16, #tpu.memory_space<hbm>>
      tpu.wait_indirect_dma semaphore(%arg19 : memref<!tpu.dma_semaphore, #tpu.memory_space<semaphore_mem>>) src(%dma_wait3A_184 : memref<10000x128xbf16, #tpu.memory_space<hbm>>) dst(%arg10 : memref<125x128xbf16, #tpu.memory_space<vmem>>)
      %add3A_185 = arith.constant 2 : i32
      %add3A_186 = arith.addi %mul3A_144, %add3A_185 : i32
      %dma_start3A_187 = arith.constant 0 : i32
      %dma_start3A_188 = tpu.memref_slice %arg7[%add3A_186, %dma_start3A_187] : memref<80x125xi32, #tpu.memory_space<vmem>> -> memref<1x125xi32, #tpu.memory_space<vmem>>
      %dma_start3A_189 = tpu.memref_squeeze %dma_start3A_188 : memref<1x125xi32, #tpu.memory_space<vmem>> -> memref<125xi32, #tpu.memory_space<vmem>>
      %dma_start3A_190 = arith.constant 0 : i32
      %dma_start3A_191 = arith.constant 0 : i32
      %dma_start3A_192 = tpu.memref_slice %arg16[%dma_start3A_190, %dma_start3A_191] : memref<10240x128xbf16, #tpu.memory_space<vmem_shared>> -> memref<10240x128xbf16, #tpu.memory_space<vmem_shared>>
      tpu.enqueue_indirect_dma source(%arg10 : memref<125x128xbf16, #tpu.memory_space<vmem>>) target(%dma_start3A_192 : memref<10240x128xbf16, #tpu.memory_space<vmem_shared>>) offsets(%dma_start3A_189 : memref<125xi32, #tpu.memory_space<vmem>>) semaphore(%arg27 : memref<!tpu.dma_semaphore, #tpu.memory_space<semaphore_mem>>) {add = true}
      %add3A_193 = arith.constant 3 : i32
      %add3A_194 = arith.addi %mul3A_144, %add3A_193 : i32
      %dma_wait3A_195 = arith.constant 0 : i32
      %dma_wait3A_196 = tpu.memref_slice %arg6[%add3A_194, %dma_wait3A_195] : memref<80x125xi32, #tpu.memory_space<vmem>> -> memref<1x125xi32, #tpu.memory_space<vmem>>
      %dma_wait3A_197 = tpu.memref_squeeze %dma_wait3A_196 : memref<1x125xi32, #tpu.memory_space<vmem>> -> memref<125xi32, #tpu.memory_space<vmem>>
      %dma_wait3A_198 = arith.constant 0 : i32
      %dma_wait3A_199 = arith.constant 0 : i32
      %dma_wait3A_200 = tpu.memref_slice %arg2[%dma_wait3A_198, %dma_wait3A_199] : memref<10000x128xbf16, #tpu.memory_space<hbm>> -> memref<10000x128xbf16, #tpu.memory_space<hbm>>
      tpu.wait_indirect_dma semaphore(%arg20 : memref<!tpu.dma_semaphore, #tpu.memory_space<semaphore_mem>>) src(%dma_wait3A_200 : memref<10000x128xbf16, #tpu.memory_space<hbm>>) dst(%arg11 : memref<125x128xbf16, #tpu.memory_space<vmem>>)
      %add3A_201 = arith.constant 3 : i32
      %add3A_202 = arith.addi %mul3A_144, %add3A_201 : i32
      %dma_start3A_203 = arith.constant 0 : i32
      %dma_start3A_204 = tpu.memref_slice %arg7[%add3A_202, %dma_start3A_203] : memref<80x125xi32, #tpu.memory_space<vmem>> -> memref<1x125xi32, #tpu.memory_space<vmem>>
      %dma_start3A_205 = tpu.memref_squeeze %dma_start3A_204 : memref<1x125xi32, #tpu.memory_space<vmem>> -> memref<125xi32, #tpu.memory_space<vmem>>
      %dma_start3A_206 = arith.constant 0 : i32
      %dma_start3A_207 = arith.constant 0 : i32
      %dma_start3A_208 = tpu.memref_slice %arg16[%dma_start3A_206, %dma_start3A_207] : memref<10240x128xbf16, #tpu.memory_space<vmem_shared>> -> memref<10240x128xbf16, #tpu.memory_space<vmem_shared>>
      tpu.enqueue_indirect_dma source(%arg11 : memref<125x128xbf16, #tpu.memory_space<vmem>>) target(%dma_start3A_208 : memref<10240x128xbf16, #tpu.memory_space<vmem_shared>>) offsets(%dma_start3A_205 : memref<125xi32, #tpu.memory_space<vmem>>) semaphore(%arg28 : memref<!tpu.dma_semaphore, #tpu.memory_space<semaphore_mem>>) {add = true}
      %add3A_209 = arith.constant 4 : i32
      %add3A_210 = arith.addi %mul3A_144, %add3A_209 : i32
      %dma_wait3A_211 = arith.constant 0 : i32
      %dma_wait3A_212 = tpu.memref_slice %arg6[%add3A_210, %dma_wait3A_211] : memref<80x125xi32, #tpu.memory_space<vmem>> -> memref<1x125xi32, #tpu.memory_space<vmem>>
      %dma_wait3A_213 = tpu.memref_squeeze %dma_wait3A_212 : memref<1x125xi32, #tpu.memory_space<vmem>> -> memref<125xi32, #tpu.memory_space<vmem>>
      %dma_wait3A_214 = arith.constant 0 : i32
      %dma_wait3A_215 = arith.constant 0 : i32
      %dma_wait3A_216 = tpu.memref_slice %arg2[%dma_wait3A_214, %dma_wait3A_215] : memref<10000x128xbf16, #tpu.memory_space<hbm>> -> memref<10000x128xbf16, #tpu.memory_space<hbm>>
      tpu.wait_indirect_dma semaphore(%arg21 : memref<!tpu.dma_semaphore, #tpu.memory_space<semaphore_mem>>) src(%dma_wait3A_216 : memref<10000x128xbf16, #tpu.memory_space<hbm>>) dst(%arg12 : memref<125x128xbf16, #tpu.memory_space<vmem>>)
      %add3A_217 = arith.constant 4 : i32
      %add3A_218 = arith.addi %mul3A_144, %add3A_217 : i32
      %dma_start3A_219 = arith.constant 0 : i32
      %dma_start3A_220 = tpu.memref_slice %arg7[%add3A_218, %dma_start3A_219] : memref<80x125xi32, #tpu.memory_space<vmem>> -> memref<1x125xi32, #tpu.memory_space<vmem>>
      %dma_start3A_221 = tpu.memref_squeeze %dma_start3A_220 : memref<1x125xi32, #tpu.memory_space<vmem>> -> memref<125xi32, #tpu.memory_space<vmem>>
      %dma_start3A_222 = arith.constant 0 : i32
      %dma_start3A_223 = arith.constant 0 : i32
      %dma_start3A_224 = tpu.memref_slice %arg16[%dma_start3A_222, %dma_start3A_223] : memref<10240x128xbf16, #tpu.memory_space<vmem_shared>> -> memref<10240x128xbf16, #tpu.memory_space<vmem_shared>>
      tpu.enqueue_indirect_dma source(%arg12 : memref<125x128xbf16, #tpu.memory_space<vmem>>) target(%dma_start3A_224 : memref<10240x128xbf16, #tpu.memory_space<vmem_shared>>) offsets(%dma_start3A_221 : memref<125xi32, #tpu.memory_space<vmem>>) semaphore(%arg29 : memref<!tpu.dma_semaphore, #tpu.memory_space<semaphore_mem>>) {add = true}
      %add3A_225 = arith.constant 5 : i32
      %add3A_226 = arith.addi %mul3A_144, %add3A_225 : i32
      %dma_wait3A_227 = arith.constant 0 : i32
      %dma_wait3A_228 = tpu.memref_slice %arg6[%add3A_226, %dma_wait3A_227] : memref<80x125xi32, #tpu.memory_space<vmem>> -> memref<1x125xi32, #tpu.memory_space<vmem>>
      %dma_wait3A_229 = tpu.memref_squeeze %dma_wait3A_228 : memref<1x125xi32, #tpu.memory_space<vmem>> -> memref<125xi32, #tpu.memory_space<vmem>>
      %dma_wait3A_230 = arith.constant 0 : i32
      %dma_wait3A_231 = arith.constant 0 : i32
      %dma_wait3A_232 = tpu.memref_slice %arg2[%dma_wait3A_230, %dma_wait3A_231] : memref<10000x128xbf16, #tpu.memory_space<hbm>> -> memref<10000x128xbf16, #tpu.memory_space<hbm>>
      tpu.wait_indirect_dma semaphore(%arg22 : memref<!tpu.dma_semaphore, #tpu.memory_space<semaphore_mem>>) src(%dma_wait3A_232 : memref<10000x128xbf16, #tpu.memory_space<hbm>>) dst(%arg13 : memref<125x128xbf16, #tpu.memory_space<vmem>>)
      %add3A_233 = arith.constant 5 : i32
      %add3A_234 = arith.addi %mul3A_144, %add3A_233 : i32
      %dma_start3A_235 = arith.constant 0 : i32
      %dma_start3A_236 = tpu.memref_slice %arg7[%add3A_234, %dma_start3A_235] : memref<80x125xi32, #tpu.memory_space<vmem>> -> memref<1x125xi32, #tpu.memory_space<vmem>>
      %dma_start3A_237 = tpu.memref_squeeze %dma_start3A_236 : memref<1x125xi32, #tpu.memory_space<vmem>> -> memref<125xi32, #tpu.memory_space<vmem>>
      %dma_start3A_238 = arith.constant 0 : i32
      %dma_start3A_239 = arith.constant 0 : i32
      %dma_start3A_240 = tpu.memref_slice %arg16[%dma_start3A_238, %dma_start3A_239] : memref<10240x128xbf16, #tpu.memory_space<vmem_shared>> -> memref<10240x128xbf16, #tpu.memory_space<vmem_shared>>
      tpu.enqueue_indirect_dma source(%arg13 : memref<125x128xbf16, #tpu.memory_space<vmem>>) target(%dma_start3A_240 : memref<10240x128xbf16, #tpu.memory_space<vmem_shared>>) offsets(%dma_start3A_237 : memref<125xi32, #tpu.memory_space<vmem>>) semaphore(%arg30 : memref<!tpu.dma_semaphore, #tpu.memory_space<semaphore_mem>>) {add = true}
      %add3A_241 = arith.constant 6 : i32
      %add3A_242 = arith.addi %mul3A_144, %add3A_241 : i32
      %dma_wait3A_243 = arith.constant 0 : i32
      %dma_wait3A_244 = tpu.memref_slice %arg6[%add3A_242, %dma_wait3A_243] : memref<80x125xi32, #tpu.memory_space<vmem>> -> memref<1x125xi32, #tpu.memory_space<vmem>>
      %dma_wait3A_245 = tpu.memref_squeeze %dma_wait3A_244 : memref<1x125xi32, #tpu.memory_space<vmem>> -> memref<125xi32, #tpu.memory_space<vmem>>
      %dma_wait3A_246 = arith.constant 0 : i32
      %dma_wait3A_247 = arith.constant 0 : i32
      %dma_wait3A_248 = tpu.memref_slice %arg2[%dma_wait3A_246, %dma_wait3A_247] : memref<10000x128xbf16, #tpu.memory_space<hbm>> -> memref<10000x128xbf16, #tpu.memory_space<hbm>>
      tpu.wait_indirect_dma semaphore(%arg23 : memref<!tpu.dma_semaphore, #tpu.memory_space<semaphore_mem>>) src(%dma_wait3A_248 : memref<10000x128xbf16, #tpu.memory_space<hbm>>) dst(%arg14 : memref<125x128xbf16, #tpu.memory_space<vmem>>)
      %add3A_249 = arith.constant 6 : i32
      %add3A_250 = arith.addi %mul3A_144, %add3A_249 : i32
      %dma_start3A_251 = arith.constant 0 : i32
      %dma_start3A_252 = tpu.memref_slice %arg7[%add3A_250, %dma_start3A_251] : memref<80x125xi32, #tpu.memory_space<vmem>> -> memref<1x125xi32, #tpu.memory_space<vmem>>
      %dma_start3A_253 = tpu.memref_squeeze %dma_start3A_252 : memref<1x125xi32, #tpu.memory_space<vmem>> -> memref<125xi32, #tpu.memory_space<vmem>>
      %dma_start3A_254 = arith.constant 0 : i32
      %dma_start3A_255 = arith.constant 0 : i32
      %dma_start3A_256 = tpu.memref_slice %arg16[%dma_start3A_254, %dma_start3A_255] : memref<10240x128xbf16, #tpu.memory_space<vmem_shared>> -> memref<10240x128xbf16, #tpu.memory_space<vmem_shared>>
      tpu.enqueue_indirect_dma source(%arg14 : memref<125x128xbf16, #tpu.memory_space<vmem>>) target(%dma_start3A_256 : memref<10240x128xbf16, #tpu.memory_space<vmem_shared>>) offsets(%dma_start3A_253 : memref<125xi32, #tpu.memory_space<vmem>>) semaphore(%arg31 : memref<!tpu.dma_semaphore, #tpu.memory_space<semaphore_mem>>) {add = true}
      %add3A_257 = arith.constant 7 : i32
      %add3A_258 = arith.addi %mul3A_144, %add3A_257 : i32
      %dma_wait3A_259 = arith.constant 0 : i32
      %dma_wait3A_260 = tpu.memref_slice %arg6[%add3A_258, %dma_wait3A_259] : memref<80x125xi32, #tpu.memory_space<vmem>> -> memref<1x125xi32, #tpu.memory_space<vmem>>
      %dma_wait3A_261 = tpu.memref_squeeze %dma_wait3A_260 : memref<1x125xi32, #tpu.memory_space<vmem>> -> memref<125xi32, #tpu.memory_space<vmem>>
      %dma_wait3A_262 = arith.constant 0 : i32
      %dma_wait3A_263 = arith.constant 0 : i32
      %dma_wait3A_264 = tpu.memref_slice %arg2[%dma_wait3A_262, %dma_wait3A_263] : memref<10000x128xbf16, #tpu.memory_space<hbm>> -> memref<10000x128xbf16, #tpu.memory_space<hbm>>
      tpu.wait_indirect_dma semaphore(%arg24 : memref<!tpu.dma_semaphore, #tpu.memory_space<semaphore_mem>>) src(%dma_wait3A_264 : memref<10000x128xbf16, #tpu.memory_space<hbm>>) dst(%arg15 : memref<125x128xbf16, #tpu.memory_space<vmem>>)
      %add3A_265 = arith.constant 7 : i32
      %add3A_266 = arith.addi %mul3A_144, %add3A_265 : i32
      %dma_start3A_267 = arith.constant 0 : i32
      %dma_start3A_268 = tpu.memref_slice %arg7[%add3A_266, %dma_start3A_267] : memref<80x125xi32, #tpu.memory_space<vmem>> -> memref<1x125xi32, #tpu.memory_space<vmem>>
      %dma_start3A_269 = tpu.memref_squeeze %dma_start3A_268 : memref<1x125xi32, #tpu.memory_space<vmem>> -> memref<125xi32, #tpu.memory_space<vmem>>
      %dma_start3A_270 = arith.constant 0 : i32
      %dma_start3A_271 = arith.constant 0 : i32
      %dma_start3A_272 = tpu.memref_slice %arg16[%dma_start3A_270, %dma_start3A_271] : memref<10240x128xbf16, #tpu.memory_space<vmem_shared>> -> memref<10240x128xbf16, #tpu.memory_space<vmem_shared>>
      tpu.enqueue_indirect_dma source(%arg15 : memref<125x128xbf16, #tpu.memory_space<vmem>>) target(%dma_start3A_272 : memref<10240x128xbf16, #tpu.memory_space<vmem_shared>>) offsets(%dma_start3A_269 : memref<125xi32, #tpu.memory_space<vmem>>) semaphore(%arg32 : memref<!tpu.dma_semaphore, #tpu.memory_space<semaphore_mem>>) {add = true}
      %add3A_273 = arith.constant 8 : i32
      %add3A_274 = arith.addi %mul3A_144, %add3A_273 : i32
      %add3A_275 = arith.constant 0 : i32
      %add3A_276 = arith.addi %add3A_274, %add3A_275 : i32
      %lt3A = arith.constant 80 : i32
      %lt3A_277 = arith.cmpi slt, %add3A_276, %lt3A : i32
      %convert_element_type3A = arith.extui %lt3A_277 : i1 to i32
      %cond3A = arith.constant 0 : i32
      %cond3A_278 = arith.cmpi ne, %convert_element_type3A, %cond3A : i32
      scf.if %cond3A_278 {
        %add3A_342 = arith.constant 0 : i32
        %add3A_343 = arith.addi %mul3A_144, %add3A_342 : i32
        %dma_wait3A_344 = arith.constant 0 : i32
        %dma_wait3A_345 = tpu.memref_slice %arg7[%add3A_343, %dma_wait3A_344] : memref<80x125xi32, #tpu.memory_space<vmem>> -> memref<1x125xi32, #tpu.memory_space<vmem>>
        %dma_wait3A_346 = tpu.memref_squeeze %dma_wait3A_345 : memref<1x125xi32, #tpu.memory_space<vmem>> -> memref<125xi32, #tpu.memory_space<vmem>>
        %dma_wait3A_347 = arith.constant 0 : i32
        %dma_wait3A_348 = arith.constant 0 : i32
        %dma_wait3A_349 = tpu.memref_slice %arg16[%dma_wait3A_347, %dma_wait3A_348] : memref<10240x128xbf16, #tpu.memory_space<vmem_shared>> -> memref<10240x128xbf16, #tpu.memory_space<vmem_shared>>
        tpu.wait_indirect_dma semaphore(%arg25 : memref<!tpu.dma_semaphore, #tpu.memory_space<semaphore_mem>>) src(%arg8 : memref<125x128xbf16, #tpu.memory_space<vmem>>) dst(%dma_wait3A_349 : memref<10240x128xbf16, #tpu.memory_space<vmem_shared>>)
        %dma_start3A_350 = arith.constant 0 : i32
        %dma_start3A_351 = tpu.memref_slice %arg6[%add3A_276, %dma_start3A_350] : memref<80x125xi32, #tpu.memory_space<vmem>> -> memref<1x125xi32, #tpu.memory_space<vmem>>
        %dma_start3A_352 = tpu.memref_squeeze %dma_start3A_351 : memref<1x125xi32, #tpu.memory_space<vmem>> -> memref<125xi32, #tpu.memory_space<vmem>>
        %dma_start3A_353 = arith.constant 0 : i32
        %dma_start3A_354 = arith.constant 0 : i32
        %dma_start3A_355 = tpu.memref_slice %arg2[%dma_start3A_353, %dma_start3A_354] : memref<10000x128xbf16, #tpu.memory_space<hbm>> -> memref<10000x128xbf16, #tpu.memory_space<hbm>>
        tpu.enqueue_indirect_dma source(%dma_start3A_355 : memref<10000x128xbf16, #tpu.memory_space<hbm>>) target(%arg8 : memref<125x128xbf16, #tpu.memory_space<vmem>>) offsets(%dma_start3A_352 : memref<125xi32, #tpu.memory_space<vmem>>) semaphore(%arg17 : memref<!tpu.dma_semaphore, #tpu.memory_space<semaphore_mem>>)
      } else {
      }
      %add3A_279 = arith.constant 8 : i32
      %add3A_280 = arith.addi %mul3A_144, %add3A_279 : i32
      %add3A_281 = arith.constant 1 : i32
      %add3A_282 = arith.addi %add3A_280, %add3A_281 : i32
      %lt3A_283 = arith.constant 80 : i32
      %lt3A_284 = arith.cmpi slt, %add3A_282, %lt3A_283 : i32
      %convert_element_type3A_285 = arith.extui %lt3A_284 : i1 to i32
      %cond3A_286 = arith.constant 0 : i32
      %cond3A_287 = arith.cmpi ne, %convert_element_type3A_285, %cond3A_286 : i32
      scf.if %cond3A_287 {
        %add3A_342 = arith.constant 1 : i32
        %add3A_343 = arith.addi %mul3A_144, %add3A_342 : i32
        %dma_wait3A_344 = arith.constant 0 : i32
        %dma_wait3A_345 = tpu.memref_slice %arg7[%add3A_343, %dma_wait3A_344] : memref<80x125xi32, #tpu.memory_space<vmem>> -> memref<1x125xi32, #tpu.memory_space<vmem>>
        %dma_wait3A_346 = tpu.memref_squeeze %dma_wait3A_345 : memref<1x125xi32, #tpu.memory_space<vmem>> -> memref<125xi32, #tpu.memory_space<vmem>>
        %dma_wait3A_347 = arith.constant 0 : i32
        %dma_wait3A_348 = arith.constant 0 : i32
        %dma_wait3A_349 = tpu.memref_slice %arg16[%dma_wait3A_347, %dma_wait3A_348] : memref<10240x128xbf16, #tpu.memory_space<vmem_shared>> -> memref<10240x128xbf16, #tpu.memory_space<vmem_shared>>
        tpu.wait_indirect_dma semaphore(%arg26 : memref<!tpu.dma_semaphore, #tpu.memory_space<semaphore_mem>>) src(%arg9 : memref<125x128xbf16, #tpu.memory_space<vmem>>) dst(%dma_wait3A_349 : memref<10240x128xbf16, #tpu.memory_space<vmem_shared>>)
        %dma_start3A_350 = arith.constant 0 : i32
        %dma_start3A_351 = tpu.memref_slice %arg6[%add3A_282, %dma_start3A_350] : memref<80x125xi32, #tpu.memory_space<vmem>> -> memref<1x125xi32, #tpu.memory_space<vmem>>
        %dma_start3A_352 = tpu.memref_squeeze %dma_start3A_351 : memref<1x125xi32, #tpu.memory_space<vmem>> -> memref<125xi32, #tpu.memory_space<vmem>>
        %dma_start3A_353 = arith.constant 0 : i32
        %dma_start3A_354 = arith.constant 0 : i32
        %dma_start3A_355 = tpu.memref_slice %arg2[%dma_start3A_353, %dma_start3A_354] : memref<10000x128xbf16, #tpu.memory_space<hbm>> -> memref<10000x128xbf16, #tpu.memory_space<hbm>>
        tpu.enqueue_indirect_dma source(%dma_start3A_355 : memref<10000x128xbf16, #tpu.memory_space<hbm>>) target(%arg9 : memref<125x128xbf16, #tpu.memory_space<vmem>>) offsets(%dma_start3A_352 : memref<125xi32, #tpu.memory_space<vmem>>) semaphore(%arg18 : memref<!tpu.dma_semaphore, #tpu.memory_space<semaphore_mem>>)
      } else {
      }
      %add3A_288 = arith.constant 8 : i32
      %add3A_289 = arith.addi %mul3A_144, %add3A_288 : i32
      %add3A_290 = arith.constant 2 : i32
      %add3A_291 = arith.addi %add3A_289, %add3A_290 : i32
      %lt3A_292 = arith.constant 80 : i32
      %lt3A_293 = arith.cmpi slt, %add3A_291, %lt3A_292 : i32
      %convert_element_type3A_294 = arith.extui %lt3A_293 : i1 to i32
      %cond3A_295 = arith.constant 0 : i32
      %cond3A_296 = arith.cmpi ne, %convert_element_type3A_294, %cond3A_295 : i32
      scf.if %cond3A_296 {
        %add3A_342 = arith.constant 2 : i32
        %add3A_343 = arith.addi %mul3A_144, %add3A_342 : i32
        %dma_wait3A_344 = arith.constant 0 : i32
        %dma_wait3A_345 = tpu.memref_slice %arg7[%add3A_343, %dma_wait3A_344] : memref<80x125xi32, #tpu.memory_space<vmem>> -> memref<1x125xi32, #tpu.memory_space<vmem>>
        %dma_wait3A_346 = tpu.memref_squeeze %dma_wait3A_345 : memref<1x125xi32, #tpu.memory_space<vmem>> -> memref<125xi32, #tpu.memory_space<vmem>>
        %dma_wait3A_347 = arith.constant 0 : i32
        %dma_wait3A_348 = arith.constant 0 : i32
        %dma_wait3A_349 = tpu.memref_slice %arg16[%dma_wait3A_347, %dma_wait3A_348] : memref<10240x128xbf16, #tpu.memory_space<vmem_shared>> -> memref<10240x128xbf16, #tpu.memory_space<vmem_shared>>
        tpu.wait_indirect_dma semaphore(%arg27 : memref<!tpu.dma_semaphore, #tpu.memory_space<semaphore_mem>>) src(%arg10 : memref<125x128xbf16, #tpu.memory_space<vmem>>) dst(%dma_wait3A_349 : memref<10240x128xbf16, #tpu.memory_space<vmem_shared>>)
        %dma_start3A_350 = arith.constant 0 : i32
        %dma_start3A_351 = tpu.memref_slice %arg6[%add3A_291, %dma_start3A_350] : memref<80x125xi32, #tpu.memory_space<vmem>> -> memref<1x125xi32, #tpu.memory_space<vmem>>
        %dma_start3A_352 = tpu.memref_squeeze %dma_start3A_351 : memref<1x125xi32, #tpu.memory_space<vmem>> -> memref<125xi32, #tpu.memory_space<vmem>>
        %dma_start3A_353 = arith.constant 0 : i32
        %dma_start3A_354 = arith.constant 0 : i32
        %dma_start3A_355 = tpu.memref_slice %arg2[%dma_start3A_353, %dma_start3A_354] : memref<10000x128xbf16, #tpu.memory_space<hbm>> -> memref<10000x128xbf16, #tpu.memory_space<hbm>>
        tpu.enqueue_indirect_dma source(%dma_start3A_355 : memref<10000x128xbf16, #tpu.memory_space<hbm>>) target(%arg10 : memref<125x128xbf16, #tpu.memory_space<vmem>>) offsets(%dma_start3A_352 : memref<125xi32, #tpu.memory_space<vmem>>) semaphore(%arg19 : memref<!tpu.dma_semaphore, #tpu.memory_space<semaphore_mem>>)
      } else {
      }
      %add3A_297 = arith.constant 8 : i32
      %add3A_298 = arith.addi %mul3A_144, %add3A_297 : i32
      %add3A_299 = arith.constant 3 : i32
      %add3A_300 = arith.addi %add3A_298, %add3A_299 : i32
      %lt3A_301 = arith.constant 80 : i32
      %lt3A_302 = arith.cmpi slt, %add3A_300, %lt3A_301 : i32
      %convert_element_type3A_303 = arith.extui %lt3A_302 : i1 to i32
      %cond3A_304 = arith.constant 0 : i32
      %cond3A_305 = arith.cmpi ne, %convert_element_type3A_303, %cond3A_304 : i32
      scf.if %cond3A_305 {
        %add3A_342 = arith.constant 3 : i32
        %add3A_343 = arith.addi %mul3A_144, %add3A_342 : i32
        %dma_wait3A_344 = arith.constant 0 : i32
        %dma_wait3A_345 = tpu.memref_slice %arg7[%add3A_343, %dma_wait3A_344] : memref<80x125xi32, #tpu.memory_space<vmem>> -> memref<1x125xi32, #tpu.memory_space<vmem>>
        %dma_wait3A_346 = tpu.memref_squeeze %dma_wait3A_345 : memref<1x125xi32, #tpu.memory_space<vmem>> -> memref<125xi32, #tpu.memory_space<vmem>>
        %dma_wait3A_347 = arith.constant 0 : i32
        %dma_wait3A_348 = arith.constant 0 : i32
        %dma_wait3A_349 = tpu.memref_slice %arg16[%dma_wait3A_347, %dma_wait3A_348] : memref<10240x128xbf16, #tpu.memory_space<vmem_shared>> -> memref<10240x128xbf16, #tpu.memory_space<vmem_shared>>
        tpu.wait_indirect_dma semaphore(%arg28 : memref<!tpu.dma_semaphore, #tpu.memory_space<semaphore_mem>>) src(%arg11 : memref<125x128xbf16, #tpu.memory_space<vmem>>) dst(%dma_wait3A_349 : memref<10240x128xbf16, #tpu.memory_space<vmem_shared>>)
        %dma_start3A_350 = arith.constant 0 : i32
        %dma_start3A_351 = tpu.memref_slice %arg6[%add3A_300, %dma_start3A_350] : memref<80x125xi32, #tpu.memory_space<vmem>> -> memref<1x125xi32, #tpu.memory_space<vmem>>
        %dma_start3A_352 = tpu.memref_squeeze %dma_start3A_351 : memref<1x125xi32, #tpu.memory_space<vmem>> -> memref<125xi32, #tpu.memory_space<vmem>>
        %dma_start3A_353 = arith.constant 0 : i32
        %dma_start3A_354 = arith.constant 0 : i32
        %dma_start3A_355 = tpu.memref_slice %arg2[%dma_start3A_353, %dma_start3A_354] : memref<10000x128xbf16, #tpu.memory_space<hbm>> -> memref<10000x128xbf16, #tpu.memory_space<hbm>>
        tpu.enqueue_indirect_dma source(%dma_start3A_355 : memref<10000x128xbf16, #tpu.memory_space<hbm>>) target(%arg11 : memref<125x128xbf16, #tpu.memory_space<vmem>>) offsets(%dma_start3A_352 : memref<125xi32, #tpu.memory_space<vmem>>) semaphore(%arg20 : memref<!tpu.dma_semaphore, #tpu.memory_space<semaphore_mem>>)
      } else {
      }
      %add3A_306 = arith.constant 8 : i32
      %add3A_307 = arith.addi %mul3A_144, %add3A_306 : i32
      %add3A_308 = arith.constant 4 : i32
      %add3A_309 = arith.addi %add3A_307, %add3A_308 : i32
      %lt3A_310 = arith.constant 80 : i32
      %lt3A_311 = arith.cmpi slt, %add3A_309, %lt3A_310 : i32
      %convert_element_type3A_312 = arith.extui %lt3A_311 : i1 to i32
      %cond3A_313 = arith.constant 0 : i32
      %cond3A_314 = arith.cmpi ne, %convert_element_type3A_312, %cond3A_313 : i32
      scf.if %cond3A_314 {
        %add3A_342 = arith.constant 4 : i32
        %add3A_343 = arith.addi %mul3A_144, %add3A_342 : i32
        %dma_wait3A_344 = arith.constant 0 : i32
        %dma_wait3A_345 = tpu.memref_slice %arg7[%add3A_343, %dma_wait3A_344] : memref<80x125xi32, #tpu.memory_space<vmem>> -> memref<1x125xi32, #tpu.memory_space<vmem>>
        %dma_wait3A_346 = tpu.memref_squeeze %dma_wait3A_345 : memref<1x125xi32, #tpu.memory_space<vmem>> -> memref<125xi32, #tpu.memory_space<vmem>>
        %dma_wait3A_347 = arith.constant 0 : i32
        %dma_wait3A_348 = arith.constant 0 : i32
        %dma_wait3A_349 = tpu.memref_slice %arg16[%dma_wait3A_347, %dma_wait3A_348] : memref<10240x128xbf16, #tpu.memory_space<vmem_shared>> -> memref<10240x128xbf16, #tpu.memory_space<vmem_shared>>
        tpu.wait_indirect_dma semaphore(%arg29 : memref<!tpu.dma_semaphore, #tpu.memory_space<semaphore_mem>>) src(%arg12 : memref<125x128xbf16, #tpu.memory_space<vmem>>) dst(%dma_wait3A_349 : memref<10240x128xbf16, #tpu.memory_space<vmem_shared>>)
        %dma_start3A_350 = arith.constant 0 : i32
        %dma_start3A_351 = tpu.memref_slice %arg6[%add3A_309, %dma_start3A_350] : memref<80x125xi32, #tpu.memory_space<vmem>> -> memref<1x125xi32, #tpu.memory_space<vmem>>
        %dma_start3A_352 = tpu.memref_squeeze %dma_start3A_351 : memref<1x125xi32, #tpu.memory_space<vmem>> -> memref<125xi32, #tpu.memory_space<vmem>>
        %dma_start3A_353 = arith.constant 0 : i32
        %dma_start3A_354 = arith.constant 0 : i32
        %dma_start3A_355 = tpu.memref_slice %arg2[%dma_start3A_353, %dma_start3A_354] : memref<10000x128xbf16, #tpu.memory_space<hbm>> -> memref<10000x128xbf16, #tpu.memory_space<hbm>>
        tpu.enqueue_indirect_dma source(%dma_start3A_355 : memref<10000x128xbf16, #tpu.memory_space<hbm>>) target(%arg12 : memref<125x128xbf16, #tpu.memory_space<vmem>>) offsets(%dma_start3A_352 : memref<125xi32, #tpu.memory_space<vmem>>) semaphore(%arg21 : memref<!tpu.dma_semaphore, #tpu.memory_space<semaphore_mem>>)
      } else {
      }
      %add3A_315 = arith.constant 8 : i32
      %add3A_316 = arith.addi %mul3A_144, %add3A_315 : i32
      %add3A_317 = arith.constant 5 : i32
      %add3A_318 = arith.addi %add3A_316, %add3A_317 : i32
      %lt3A_319 = arith.constant 80 : i32
      %lt3A_320 = arith.cmpi slt, %add3A_318, %lt3A_319 : i32
      %convert_element_type3A_321 = arith.extui %lt3A_320 : i1 to i32
      %cond3A_322 = arith.constant 0 : i32
      %cond3A_323 = arith.cmpi ne, %convert_element_type3A_321, %cond3A_322 : i32
      scf.if %cond3A_323 {
        %add3A_342 = arith.constant 5 : i32
        %add3A_343 = arith.addi %mul3A_144, %add3A_342 : i32
        %dma_wait3A_344 = arith.constant 0 : i32
        %dma_wait3A_345 = tpu.memref_slice %arg7[%add3A_343, %dma_wait3A_344] : memref<80x125xi32, #tpu.memory_space<vmem>> -> memref<1x125xi32, #tpu.memory_space<vmem>>
        %dma_wait3A_346 = tpu.memref_squeeze %dma_wait3A_345 : memref<1x125xi32, #tpu.memory_space<vmem>> -> memref<125xi32, #tpu.memory_space<vmem>>
        %dma_wait3A_347 = arith.constant 0 : i32
        %dma_wait3A_348 = arith.constant 0 : i32
        %dma_wait3A_349 = tpu.memref_slice %arg16[%dma_wait3A_347, %dma_wait3A_348] : memref<10240x128xbf16, #tpu.memory_space<vmem_shared>> -> memref<10240x128xbf16, #tpu.memory_space<vmem_shared>>
        tpu.wait_indirect_dma semaphore(%arg30 : memref<!tpu.dma_semaphore, #tpu.memory_space<semaphore_mem>>) src(%arg13 : memref<125x128xbf16, #tpu.memory_space<vmem>>) dst(%dma_wait3A_349 : memref<10240x128xbf16, #tpu.memory_space<vmem_shared>>)
        %dma_start3A_350 = arith.constant 0 : i32
        %dma_start3A_351 = tpu.memref_slice %arg6[%add3A_318, %dma_start3A_350] : memref<80x125xi32, #tpu.memory_space<vmem>> -> memref<1x125xi32, #tpu.memory_space<vmem>>
        %dma_start3A_352 = tpu.memref_squeeze %dma_start3A_351 : memref<1x125xi32, #tpu.memory_space<vmem>> -> memref<125xi32, #tpu.memory_space<vmem>>
        %dma_start3A_353 = arith.constant 0 : i32
        %dma_start3A_354 = arith.constant 0 : i32
        %dma_start3A_355 = tpu.memref_slice %arg2[%dma_start3A_353, %dma_start3A_354] : memref<10000x128xbf16, #tpu.memory_space<hbm>> -> memref<10000x128xbf16, #tpu.memory_space<hbm>>
        tpu.enqueue_indirect_dma source(%dma_start3A_355 : memref<10000x128xbf16, #tpu.memory_space<hbm>>) target(%arg13 : memref<125x128xbf16, #tpu.memory_space<vmem>>) offsets(%dma_start3A_352 : memref<125xi32, #tpu.memory_space<vmem>>) semaphore(%arg22 : memref<!tpu.dma_semaphore, #tpu.memory_space<semaphore_mem>>)
      } else {
      }
      %add3A_324 = arith.constant 8 : i32
      %add3A_325 = arith.addi %mul3A_144, %add3A_324 : i32
      %add3A_326 = arith.constant 6 : i32
      %add3A_327 = arith.addi %add3A_325, %add3A_326 : i32
      %lt3A_328 = arith.constant 80 : i32
      %lt3A_329 = arith.cmpi slt, %add3A_327, %lt3A_328 : i32
      %convert_element_type3A_330 = arith.extui %lt3A_329 : i1 to i32
      %cond3A_331 = arith.constant 0 : i32
      %cond3A_332 = arith.cmpi ne, %convert_element_type3A_330, %cond3A_331 : i32
      scf.if %cond3A_332 {
        %add3A_342 = arith.constant 6 : i32
        %add3A_343 = arith.addi %mul3A_144, %add3A_342 : i32
        %dma_wait3A_344 = arith.constant 0 : i32
        %dma_wait3A_345 = tpu.memref_slice %arg7[%add3A_343, %dma_wait3A_344] : memref<80x125xi32, #tpu.memory_space<vmem>> -> memref<1x125xi32, #tpu.memory_space<vmem>>
        %dma_wait3A_346 = tpu.memref_squeeze %dma_wait3A_345 : memref<1x125xi32, #tpu.memory_space<vmem>> -> memref<125xi32, #tpu.memory_space<vmem>>
        %dma_wait3A_347 = arith.constant 0 : i32
        %dma_wait3A_348 = arith.constant 0 : i32
        %dma_wait3A_349 = tpu.memref_slice %arg16[%dma_wait3A_347, %dma_wait3A_348] : memref<10240x128xbf16, #tpu.memory_space<vmem_shared>> -> memref<10240x128xbf16, #tpu.memory_space<vmem_shared>>
        tpu.wait_indirect_dma semaphore(%arg31 : memref<!tpu.dma_semaphore, #tpu.memory_space<semaphore_mem>>) src(%arg14 : memref<125x128xbf16, #tpu.memory_space<vmem>>) dst(%dma_wait3A_349 : memref<10240x128xbf16, #tpu.memory_space<vmem_shared>>)
        %dma_start3A_350 = arith.constant 0 : i32
        %dma_start3A_351 = tpu.memref_slice %arg6[%add3A_327, %dma_start3A_350] : memref<80x125xi32, #tpu.memory_space<vmem>> -> memref<1x125xi32, #tpu.memory_space<vmem>>
        %dma_start3A_352 = tpu.memref_squeeze %dma_start3A_351 : memref<1x125xi32, #tpu.memory_space<vmem>> -> memref<125xi32, #tpu.memory_space<vmem>>
        %dma_start3A_353 = arith.constant 0 : i32
        %dma_start3A_354 = arith.constant 0 : i32
        %dma_start3A_355 = tpu.memref_slice %arg2[%dma_start3A_353, %dma_start3A_354] : memref<10000x128xbf16, #tpu.memory_space<hbm>> -> memref<10000x128xbf16, #tpu.memory_space<hbm>>
        tpu.enqueue_indirect_dma source(%dma_start3A_355 : memref<10000x128xbf16, #tpu.memory_space<hbm>>) target(%arg14 : memref<125x128xbf16, #tpu.memory_space<vmem>>) offsets(%dma_start3A_352 : memref<125xi32, #tpu.memory_space<vmem>>) semaphore(%arg23 : memref<!tpu.dma_semaphore, #tpu.memory_space<semaphore_mem>>)
      } else {
      }
      %add3A_333 = arith.constant 8 : i32
      %add3A_334 = arith.addi %mul3A_144, %add3A_333 : i32
      %add3A_335 = arith.constant 7 : i32
      %add3A_336 = arith.addi %add3A_334, %add3A_335 : i32
      %lt3A_337 = arith.constant 80 : i32
      %lt3A_338 = arith.cmpi slt, %add3A_336, %lt3A_337 : i32
      %convert_element_type3A_339 = arith.extui %lt3A_338 : i1 to i32
      %cond3A_340 = arith.constant 0 : i32
      %cond3A_341 = arith.cmpi ne, %convert_element_type3A_339, %cond3A_340 : i32
      scf.if %cond3A_341 {
        %add3A_342 = arith.constant 7 : i32
        %add3A_343 = arith.addi %mul3A_144, %add3A_342 : i32
        %dma_wait3A_344 = arith.constant 0 : i32
        %dma_wait3A_345 = tpu.memref_slice %arg7[%add3A_343, %dma_wait3A_344] : memref<80x125xi32, #tpu.memory_space<vmem>> -> memref<1x125xi32, #tpu.memory_space<vmem>>
        %dma_wait3A_346 = tpu.memref_squeeze %dma_wait3A_345 : memref<1x125xi32, #tpu.memory_space<vmem>> -> memref<125xi32, #tpu.memory_space<vmem>>
        %dma_wait3A_347 = arith.constant 0 : i32
        %dma_wait3A_348 = arith.constant 0 : i32
        %dma_wait3A_349 = tpu.memref_slice %arg16[%dma_wait3A_347, %dma_wait3A_348] : memref<10240x128xbf16, #tpu.memory_space<vmem_shared>> -> memref<10240x128xbf16, #tpu.memory_space<vmem_shared>>
        tpu.wait_indirect_dma semaphore(%arg32 : memref<!tpu.dma_semaphore, #tpu.memory_space<semaphore_mem>>) src(%arg15 : memref<125x128xbf16, #tpu.memory_space<vmem>>) dst(%dma_wait3A_349 : memref<10240x128xbf16, #tpu.memory_space<vmem_shared>>)
        %dma_start3A_350 = arith.constant 0 : i32
        %dma_start3A_351 = tpu.memref_slice %arg6[%add3A_336, %dma_start3A_350] : memref<80x125xi32, #tpu.memory_space<vmem>> -> memref<1x125xi32, #tpu.memory_space<vmem>>
        %dma_start3A_352 = tpu.memref_squeeze %dma_start3A_351 : memref<1x125xi32, #tpu.memory_space<vmem>> -> memref<125xi32, #tpu.memory_space<vmem>>
        %dma_start3A_353 = arith.constant 0 : i32
        %dma_start3A_354 = arith.constant 0 : i32
        %dma_start3A_355 = tpu.memref_slice %arg2[%dma_start3A_353, %dma_start3A_354] : memref<10000x128xbf16, #tpu.memory_space<hbm>> -> memref<10000x128xbf16, #tpu.memory_space<hbm>>
        tpu.enqueue_indirect_dma source(%dma_start3A_355 : memref<10000x128xbf16, #tpu.memory_space<hbm>>) target(%arg15 : memref<125x128xbf16, #tpu.memory_space<vmem>>) offsets(%dma_start3A_352 : memref<125xi32, #tpu.memory_space<vmem>>) semaphore(%arg24 : memref<!tpu.dma_semaphore, #tpu.memory_space<semaphore_mem>>)
      } else {
      }
    }
    %scan3A_85 = arith.constant 10 : i32
    %dma_wait3A = arith.constant 72 : i32
    %dma_wait3A_86 = arith.constant 0 : i32
    %dma_wait3A_87 = tpu.memref_slice %arg7[%dma_wait3A, %dma_wait3A_86] : memref<80x125xi32, #tpu.memory_space<vmem>> -> memref<1x125xi32, #tpu.memory_space<vmem>>
    %dma_wait3A_88 = tpu.memref_squeeze %dma_wait3A_87 : memref<1x125xi32, #tpu.memory_space<vmem>> -> memref<125xi32, #tpu.memory_space<vmem>>
    %dma_wait3A_89 = arith.constant 0 : i32
    %dma_wait3A_90 = arith.constant 0 : i32
    %dma_wait3A_91 = tpu.memref_slice %arg16[%dma_wait3A_89, %dma_wait3A_90] : memref<10240x128xbf16, #tpu.memory_space<vmem_shared>> -> memref<10240x128xbf16, #tpu.memory_space<vmem_shared>>
    tpu.wait_indirect_dma semaphore(%arg25 : memref<!tpu.dma_semaphore, #tpu.memory_space<semaphore_mem>>) src(%arg8 : memref<125x128xbf16, #tpu.memory_space<vmem>>) dst(%dma_wait3A_91 : memref<10240x128xbf16, #tpu.memory_space<vmem_shared>>)
    %dma_wait3A_92 = arith.constant 73 : i32
    %dma_wait3A_93 = arith.constant 0 : i32
    %dma_wait3A_94 = tpu.memref_slice %arg7[%dma_wait3A_92, %dma_wait3A_93] : memref<80x125xi32, #tpu.memory_space<vmem>> -> memref<1x125xi32, #tpu.memory_space<vmem>>
    %dma_wait3A_95 = tpu.memref_squeeze %dma_wait3A_94 : memref<1x125xi32, #tpu.memory_space<vmem>> -> memref<125xi32, #tpu.memory_space<vmem>>
    %dma_wait3A_96 = arith.constant 0 : i32
    %dma_wait3A_97 = arith.constant 0 : i32
    %dma_wait3A_98 = tpu.memref_slice %arg16[%dma_wait3A_96, %dma_wait3A_97] : memref<10240x128xbf16, #tpu.memory_space<vmem_shared>> -> memref<10240x128xbf16, #tpu.memory_space<vmem_shared>>
    tpu.wait_indirect_dma semaphore(%arg26 : memref<!tpu.dma_semaphore, #tpu.memory_space<semaphore_mem>>) src(%arg9 : memref<125x128xbf16, #tpu.memory_space<vmem>>) dst(%dma_wait3A_98 : memref<10240x128xbf16, #tpu.memory_space<vmem_shared>>)
    %dma_wait3A_99 = arith.constant 74 : i32
    %dma_wait3A_100 = arith.constant 0 : i32
    %dma_wait3A_101 = tpu.memref_slice %arg7[%dma_wait3A_99, %dma_wait3A_100] : memref<80x125xi32, #tpu.memory_space<vmem>> -> memref<1x125xi32, #tpu.memory_space<vmem>>
    %dma_wait3A_102 = tpu.memref_squeeze %dma_wait3A_101 : memref<1x125xi32, #tpu.memory_space<vmem>> -> memref<125xi32, #tpu.memory_space<vmem>>
    %dma_wait3A_103 = arith.constant 0 : i32
    %dma_wait3A_104 = arith.constant 0 : i32
    %dma_wait3A_105 = tpu.memref_slice %arg16[%dma_wait3A_103, %dma_wait3A_104] : memref<10240x128xbf16, #tpu.memory_space<vmem_shared>> -> memref<10240x128xbf16, #tpu.memory_space<vmem_shared>>
    tpu.wait_indirect_dma semaphore(%arg27 : memref<!tpu.dma_semaphore, #tpu.memory_space<semaphore_mem>>) src(%arg10 : memref<125x128xbf16, #tpu.memory_space<vmem>>) dst(%dma_wait3A_105 : memref<10240x128xbf16, #tpu.memory_space<vmem_shared>>)
    %dma_wait3A_106 = arith.constant 75 : i32
    %dma_wait3A_107 = arith.constant 0 : i32
    %dma_wait3A_108 = tpu.memref_slice %arg7[%dma_wait3A_106, %dma_wait3A_107] : memref<80x125xi32, #tpu.memory_space<vmem>> -> memref<1x125xi32, #tpu.memory_space<vmem>>
    %dma_wait3A_109 = tpu.memref_squeeze %dma_wait3A_108 : memref<1x125xi32, #tpu.memory_space<vmem>> -> memref<125xi32, #tpu.memory_space<vmem>>
    %dma_wait3A_110 = arith.constant 0 : i32
    %dma_wait3A_111 = arith.constant 0 : i32
    %dma_wait3A_112 = tpu.memref_slice %arg16[%dma_wait3A_110, %dma_wait3A_111] : memref<10240x128xbf16, #tpu.memory_space<vmem_shared>> -> memref<10240x128xbf16, #tpu.memory_space<vmem_shared>>
    tpu.wait_indirect_dma semaphore(%arg28 : memref<!tpu.dma_semaphore, #tpu.memory_space<semaphore_mem>>) src(%arg11 : memref<125x128xbf16, #tpu.memory_space<vmem>>) dst(%dma_wait3A_112 : memref<10240x128xbf16, #tpu.memory_space<vmem_shared>>)
    %dma_wait3A_113 = arith.constant 76 : i32
    %dma_wait3A_114 = arith.constant 0 : i32
    %dma_wait3A_115 = tpu.memref_slice %arg7[%dma_wait3A_113, %dma_wait3A_114] : memref<80x125xi32, #tpu.memory_space<vmem>> -> memref<1x125xi32, #tpu.memory_space<vmem>>
    %dma_wait3A_116 = tpu.memref_squeeze %dma_wait3A_115 : memref<1x125xi32, #tpu.memory_space<vmem>> -> memref<125xi32, #tpu.memory_space<vmem>>
    %dma_wait3A_117 = arith.constant 0 : i32
    %dma_wait3A_118 = arith.constant 0 : i32
    %dma_wait3A_119 = tpu.memref_slice %arg16[%dma_wait3A_117, %dma_wait3A_118] : memref<10240x128xbf16, #tpu.memory_space<vmem_shared>> -> memref<10240x128xbf16, #tpu.memory_space<vmem_shared>>
    tpu.wait_indirect_dma semaphore(%arg29 : memref<!tpu.dma_semaphore, #tpu.memory_space<semaphore_mem>>) src(%arg12 : memref<125x128xbf16, #tpu.memory_space<vmem>>) dst(%dma_wait3A_119 : memref<10240x128xbf16, #tpu.memory_space<vmem_shared>>)
    %dma_wait3A_120 = arith.constant 77 : i32
    %dma_wait3A_121 = arith.constant 0 : i32
    %dma_wait3A_122 = tpu.memref_slice %arg7[%dma_wait3A_120, %dma_wait3A_121] : memref<80x125xi32, #tpu.memory_space<vmem>> -> memref<1x125xi32, #tpu.memory_space<vmem>>
    %dma_wait3A_123 = tpu.memref_squeeze %dma_wait3A_122 : memref<1x125xi32, #tpu.memory_space<vmem>> -> memref<125xi32, #tpu.memory_space<vmem>>
    %dma_wait3A_124 = arith.constant 0 : i32
    %dma_wait3A_125 = arith.constant 0 : i32
    %dma_wait3A_126 = tpu.memref_slice %arg16[%dma_wait3A_124, %dma_wait3A_125] : memref<10240x128xbf16, #tpu.memory_space<vmem_shared>> -> memref<10240x128xbf16, #tpu.memory_space<vmem_shared>>
    tpu.wait_indirect_dma semaphore(%arg30 : memref<!tpu.dma_semaphore, #tpu.memory_space<semaphore_mem>>) src(%arg13 : memref<125x128xbf16, #tpu.memory_space<vmem>>) dst(%dma_wait3A_126 : memref<10240x128xbf16, #tpu.memory_space<vmem_shared>>)
    %dma_wait3A_127 = arith.constant 78 : i32
    %dma_wait3A_128 = arith.constant 0 : i32
    %dma_wait3A_129 = tpu.memref_slice %arg7[%dma_wait3A_127, %dma_wait3A_128] : memref<80x125xi32, #tpu.memory_space<vmem>> -> memref<1x125xi32, #tpu.memory_space<vmem>>
    %dma_wait3A_130 = tpu.memref_squeeze %dma_wait3A_129 : memref<1x125xi32, #tpu.memory_space<vmem>> -> memref<125xi32, #tpu.memory_space<vmem>>
    %dma_wait3A_131 = arith.constant 0 : i32
    %dma_wait3A_132 = arith.constant 0 : i32
    %dma_wait3A_133 = tpu.memref_slice %arg16[%dma_wait3A_131, %dma_wait3A_132] : memref<10240x128xbf16, #tpu.memory_space<vmem_shared>> -> memref<10240x128xbf16, #tpu.memory_space<vmem_shared>>
    tpu.wait_indirect_dma semaphore(%arg31 : memref<!tpu.dma_semaphore, #tpu.memory_space<semaphore_mem>>) src(%arg14 : memref<125x128xbf16, #tpu.memory_space<vmem>>) dst(%dma_wait3A_133 : memref<10240x128xbf16, #tpu.memory_space<vmem_shared>>)
    %dma_wait3A_134 = arith.constant 79 : i32
    %dma_wait3A_135 = arith.constant 0 : i32
    %dma_wait3A_136 = tpu.memref_slice %arg7[%dma_wait3A_134, %dma_wait3A_135] : memref<80x125xi32, #tpu.memory_space<vmem>> -> memref<1x125xi32, #tpu.memory_space<vmem>>
    %dma_wait3A_137 = tpu.memref_squeeze %dma_wait3A_136 : memref<1x125xi32, #tpu.memory_space<vmem>> -> memref<125xi32, #tpu.memory_space<vmem>>
    %dma_wait3A_138 = arith.constant 0 : i32
    %dma_wait3A_139 = arith.constant 0 : i32
    %dma_wait3A_140 = tpu.memref_slice %arg16[%dma_wait3A_138, %dma_wait3A_139] : memref<10240x128xbf16, #tpu.memory_space<vmem_shared>> -> memref<10240x128xbf16, #tpu.memory_space<vmem_shared>>
    tpu.wait_indirect_dma semaphore(%arg32 : memref<!tpu.dma_semaphore, #tpu.memory_space<semaphore_mem>>) src(%arg15 : memref<125x128xbf16, #tpu.memory_space<vmem>>) dst(%dma_wait3A_140 : memref<10240x128xbf16, #tpu.memory_space<vmem_shared>>)
    %barrier3A_141 = arith.constant 0 : index
    tpu.barrier barrier_id(%barrier3A_141)
    "tpu.region"() ({
      %run_scoped3A = tpu.sem_alloc : memref<!tpu.dma_semaphore, #tpu.memory_space<semaphore_mem>>
      %dma_start3A_142 = arith.constant 0 : i32
      %dma_start3A_143 = tpu.memref_slice %arg5[%arg0, %multiple_of3A, %dma_start3A_142] : memref<2x10240x128xbf16, #tpu.memory_space<hbm>> -> memref<1x640x128xbf16, #tpu.memory_space<hbm>>
      %dma_start3A_144 = tpu.memref_squeeze %dma_start3A_143 : memref<1x640x128xbf16, #tpu.memory_space<hbm>> -> memref<640x128xbf16, #tpu.memory_space<hbm>>
      %dma_start3A_145 = arith.constant 0 : i32
      %dma_start3A_146 = tpu.memref_slice %arg16[%multiple_of3A, %dma_start3A_145] : memref<10240x128xbf16, #tpu.memory_space<vmem_shared>> -> memref<640x128xbf16, #tpu.memory_space<vmem_shared>>
      tpu.enqueue_dma source(%dma_start3A_146 : memref<640x128xbf16, #tpu.memory_space<vmem_shared>>) target(%dma_start3A_144 : memref<640x128xbf16, #tpu.memory_space<hbm>>) target_semaphore(%run_scoped3A : memref<!tpu.dma_semaphore, #tpu.memory_space<semaphore_mem>>)
      %dma_wait3A_147 = arith.constant 0 : i32
      %dma_wait3A_148 = tpu.memref_slice %arg5[%arg0, %multiple_of3A, %dma_wait3A_147] : memref<2x10240x128xbf16, #tpu.memory_space<hbm>> -> memref<1x640x128xbf16, #tpu.memory_space<hbm>>
      %dma_wait3A_149 = tpu.memref_squeeze %dma_wait3A_148 : memref<1x640x128xbf16, #tpu.memory_space<hbm>> -> memref<640x128xbf16, #tpu.memory_space<hbm>>
      %dma_wait3A_150 = arith.constant 0 : i32
      %dma_wait3A_151 = tpu.memref_slice %arg16[%multiple_of3A, %dma_wait3A_150] : memref<10240x128xbf16, #tpu.memory_space<vmem_shared>> -> memref<640x128xbf16, #tpu.memory_space<vmem_shared>>
      tpu.wait_dma2 semaphore(%run_scoped3A : memref<!tpu.dma_semaphore, #tpu.memory_space<semaphore_mem>>) src(%dma_wait3A_151 : memref<640x128xbf16, #tpu.memory_space<vmem_shared>>) dst(%dma_wait3A_149 : memref<640x128xbf16, #tpu.memory_space<hbm>>)
      tpu.yield
    }) : () -> ()
    return
  }
}

#map = affine_map<(d0, d1) -> (0, 0, 0)>
#map1 = affine_map<(d0, d1) -> (0)>
module attributes {stable_mosaic.version = 14 : i64} {
  func.func @_degree_body(%arg0: i32, %arg1: i32, %arg2: memref<32x125x80xi32, #tpu.memory_space<hbm>>, %arg3: memref<32x125x80xi32, #tpu.memory_space<hbm>>, %arg4: memref<10000xf32, #tpu.memory_space<hbm>>, %arg5: memref<320000xf32, #tpu.memory_space<hbm>>, %arg6: memref<320000xf32, #tpu.memory_space<hbm>>, %arg7: memref<125x80xi32, #tpu.memory_space<vmem>>, %arg8: memref<125x80xi32, #tpu.memory_space<vmem>>, %arg9: memref<10000xf32, #tpu.memory_space<vmem>>, %arg10: memref<10000xf32, #tpu.memory_space<vmem>>, %arg11: memref<10000xf32, #tpu.memory_space<vmem>>) attributes {dimension_semantics = [#tpu.dimension_semantics<core_parallel>, #tpu.dimension_semantics<subcore_parallel>], iteration_bounds = array<i64: 2, 16>, scalar_prefetch = 0 : i64, scratch_operands = 5 : i64, tpu.core_type = #tpu.core_type<sc_vector_subcore>, window_params = [{transform_indices = #map}, {transform_indices = #map}, {transform_indices = #map1}, {transform_indices = #map1}, {transform_indices = #map1}]} {
    %mul3A = arith.constant 2 : i32
    %mul3A_0 = arith.muli %arg1, %mul3A : i32
    %add3A = arith.addi %mul3A_0, %arg0 : i32
    "tpu.region"() ({
      %run_scoped3A = tpu.sem_alloc : memref<!tpu.dma_semaphore, #tpu.memory_space<semaphore_mem>>
      %dma_start3A = arith.constant 0 : i32
      %dma_start3A_17 = arith.constant 0 : i32
      %dma_start3A_18 = tpu.memref_slice %arg2[%add3A, %dma_start3A, %dma_start3A_17] : memref<32x125x80xi32, #tpu.memory_space<hbm>> -> memref<1x125x80xi32, #tpu.memory_space<hbm>>
      %dma_start3A_19 = tpu.memref_squeeze %dma_start3A_18 : memref<1x125x80xi32, #tpu.memory_space<hbm>> -> memref<125x80xi32, #tpu.memory_space<hbm>>
      %dma_start3A_20 = arith.constant 0 : i32
      %dma_start3A_21 = arith.constant 0 : i32
      %dma_start3A_22 = tpu.memref_slice %arg2[%add3A, %dma_start3A_20, %dma_start3A_21] : memref<32x125x80xi32, #tpu.memory_space<hbm>> -> memref<1x125x80xi32, #tpu.memory_space<hbm>>
      %dma_start3A_23 = tpu.memref_squeeze %dma_start3A_22 : memref<1x125x80xi32, #tpu.memory_space<hbm>> -> memref<125x80xi32, #tpu.memory_space<hbm>>
      tpu.enqueue_dma source(%dma_start3A_23 : memref<125x80xi32, #tpu.memory_space<hbm>>) target(%arg7 : memref<125x80xi32, #tpu.memory_space<vmem>>) target_semaphore(%run_scoped3A : memref<!tpu.dma_semaphore, #tpu.memory_space<semaphore_mem>>)
      %dma_wait3A = arith.constant 0 : i32
      %dma_wait3A_24 = arith.constant 0 : i32
      %dma_wait3A_25 = tpu.memref_slice %arg2[%add3A, %dma_wait3A, %dma_wait3A_24] : memref<32x125x80xi32, #tpu.memory_space<hbm>> -> memref<1x125x80xi32, #tpu.memory_space<hbm>>
      %dma_wait3A_26 = tpu.memref_squeeze %dma_wait3A_25 : memref<1x125x80xi32, #tpu.memory_space<hbm>> -> memref<125x80xi32, #tpu.memory_space<hbm>>
      %dma_wait3A_27 = arith.constant 0 : i32
      %dma_wait3A_28 = arith.constant 0 : i32
      %dma_wait3A_29 = tpu.memref_slice %arg2[%add3A, %dma_wait3A_27, %dma_wait3A_28] : memref<32x125x80xi32, #tpu.memory_space<hbm>> -> memref<1x125x80xi32, #tpu.memory_space<hbm>>
      %dma_wait3A_30 = tpu.memref_squeeze %dma_wait3A_29 : memref<1x125x80xi32, #tpu.memory_space<hbm>> -> memref<125x80xi32, #tpu.memory_space<hbm>>
      tpu.wait_dma2 semaphore(%run_scoped3A : memref<!tpu.dma_semaphore, #tpu.memory_space<semaphore_mem>>) src(%dma_wait3A_30 : memref<125x80xi32, #tpu.memory_space<hbm>>) dst(%arg7 : memref<125x80xi32, #tpu.memory_space<vmem>>)
      tpu.yield
    }) : () -> ()
    "tpu.region"() ({
      %run_scoped3A = tpu.sem_alloc : memref<!tpu.dma_semaphore, #tpu.memory_space<semaphore_mem>>
      %dma_start3A = arith.constant 0 : i32
      %dma_start3A_17 = arith.constant 0 : i32
      %dma_start3A_18 = tpu.memref_slice %arg3[%add3A, %dma_start3A, %dma_start3A_17] : memref<32x125x80xi32, #tpu.memory_space<hbm>> -> memref<1x125x80xi32, #tpu.memory_space<hbm>>
      %dma_start3A_19 = tpu.memref_squeeze %dma_start3A_18 : memref<1x125x80xi32, #tpu.memory_space<hbm>> -> memref<125x80xi32, #tpu.memory_space<hbm>>
      %dma_start3A_20 = arith.constant 0 : i32
      %dma_start3A_21 = arith.constant 0 : i32
      %dma_start3A_22 = tpu.memref_slice %arg3[%add3A, %dma_start3A_20, %dma_start3A_21] : memref<32x125x80xi32, #tpu.memory_space<hbm>> -> memref<1x125x80xi32, #tpu.memory_space<hbm>>
      %dma_start3A_23 = tpu.memref_squeeze %dma_start3A_22 : memref<1x125x80xi32, #tpu.memory_space<hbm>> -> memref<125x80xi32, #tpu.memory_space<hbm>>
      tpu.enqueue_dma source(%dma_start3A_23 : memref<125x80xi32, #tpu.memory_space<hbm>>) target(%arg8 : memref<125x80xi32, #tpu.memory_space<vmem>>) target_semaphore(%run_scoped3A : memref<!tpu.dma_semaphore, #tpu.memory_space<semaphore_mem>>)
      %dma_wait3A = arith.constant 0 : i32
      %dma_wait3A_24 = arith.constant 0 : i32
      %dma_wait3A_25 = tpu.memref_slice %arg3[%add3A, %dma_wait3A, %dma_wait3A_24] : memref<32x125x80xi32, #tpu.memory_space<hbm>> -> memref<1x125x80xi32, #tpu.memory_space<hbm>>
      %dma_wait3A_26 = tpu.memref_squeeze %dma_wait3A_25 : memref<1x125x80xi32, #tpu.memory_space<hbm>> -> memref<125x80xi32, #tpu.memory_space<hbm>>
      %dma_wait3A_27 = arith.constant 0 : i32
      %dma_wait3A_28 = arith.constant 0 : i32
      %dma_wait3A_29 = tpu.memref_slice %arg3[%add3A, %dma_wait3A_27, %dma_wait3A_28] : memref<32x125x80xi32, #tpu.memory_space<hbm>> -> memref<1x125x80xi32, #tpu.memory_space<hbm>>
      %dma_wait3A_30 = tpu.memref_squeeze %dma_wait3A_29 : memref<1x125x80xi32, #tpu.memory_space<hbm>> -> memref<125x80xi32, #tpu.memory_space<hbm>>
      tpu.wait_dma2 semaphore(%run_scoped3A : memref<!tpu.dma_semaphore, #tpu.memory_space<semaphore_mem>>) src(%dma_wait3A_30 : memref<125x80xi32, #tpu.memory_space<hbm>>) dst(%arg8 : memref<125x80xi32, #tpu.memory_space<vmem>>)
      tpu.yield
    }) : () -> ()
    "tpu.region"() ({
      %run_scoped3A = tpu.sem_alloc : memref<!tpu.dma_semaphore, #tpu.memory_space<semaphore_mem>>
      tpu.enqueue_dma source(%arg4 : memref<10000xf32, #tpu.memory_space<hbm>>) target(%arg9 : memref<10000xf32, #tpu.memory_space<vmem>>) target_semaphore(%run_scoped3A : memref<!tpu.dma_semaphore, #tpu.memory_space<semaphore_mem>>)
      tpu.wait_dma2 semaphore(%run_scoped3A : memref<!tpu.dma_semaphore, #tpu.memory_space<semaphore_mem>>) src(%arg4 : memref<10000xf32, #tpu.memory_space<hbm>>) dst(%arg9 : memref<10000xf32, #tpu.memory_space<vmem>>)
      tpu.yield
    }) : () -> ()
    %broadcast_in_dim3A = arith.constant 0.000000e+00 : f32
    %broadcast_in_dim3A_1 = vector.broadcast %broadcast_in_dim3A : f32 to vector<16xf32>
    %scan3A = arith.constant 0 : i32
    %scan3A_2 = arith.constant 0 : i32
    %scan3A_3 = arith.constant 625 : i32
    %scan3A_4 = arith.addi %scan3A_2, %scan3A_3 : i32
    %scan3A_5 = arith.constant 1 : i32
    scf.for %scan3A_17 = %scan3A_2 to %scan3A_4 step %scan3A_5  : i32 {
      %mul3A_18 = arith.constant 16 : i32
      %mul3A_19 = arith.muli %scan3A_17, %mul3A_18 : i32
      %swap3A = arith.index_cast %mul3A_19 : i32 to index
      %swap3A_20 = tpu.vector_load %arg10[%swap3A] {strides = array<i32>} : memref<10000xf32, #tpu.memory_space<vmem>>, vector<16xf32>,
      tpu.vector_store %arg10[%swap3A], %broadcast_in_dim3A_1 {strides = array<i32>} : memref<10000xf32, #tpu.memory_space<vmem>>, vector<16xf32>,
      %mul3A_21 = arith.constant 16 : i32
      %mul3A_22 = arith.muli %scan3A_17, %mul3A_21 : i32
      %swap3A_23 = arith.index_cast %mul3A_22 : i32 to index
      %swap3A_24 = tpu.vector_load %arg11[%swap3A_23] {strides = array<i32>} : memref<10000xf32, #tpu.memory_space<vmem>>, vector<16xf32>,
      tpu.vector_store %arg11[%swap3A_23], %broadcast_in_dim3A_1 {strides = array<i32>} : memref<10000xf32, #tpu.memory_space<vmem>>, vector<16xf32>,
    }
    %scan3A_6 = arith.constant 625 : i32
    %broadcast_in_dim3A_7 = arith.constant 1.000000e+00 : f32
    %broadcast_in_dim3A_8 = vector.broadcast %broadcast_in_dim3A_7 : f32 to vector<16xf32>
    %scan3A_9 = arith.constant 0 : i32
    %scan3A_10 = arith.constant 0 : i32
    %scan3A_11 = arith.constant 125 : i32
    %scan3A_12 = arith.addi %scan3A_10, %scan3A_11 : i32
    %scan3A_13 = arith.constant 1 : i32
    scf.for %scan3A_17 = %scan3A_10 to %scan3A_12 step %scan3A_13  : i32 {
      %get3A = arith.index_cast %scan3A_17 : i32 to index
      %get3A_18 = arith.constant 0 : index
      %get3A_19 = tpu.vector_load %arg7[%get3A, %get3A_18] {strides = array<i32>} : memref<125x80xi32, #tpu.memory_space<vmem>>, vector<16xi32>,
      %get3A_20 = arith.index_cast %scan3A_17 : i32 to index
      %get3A_21 = arith.constant 0 : index
      %get3A_22 = tpu.vector_load %arg8[%get3A_20, %get3A_21] {strides = array<i32>} : memref<125x80xi32, #tpu.memory_space<vmem>>, vector<16xi32>,
      %gather3A = tpu.vector_load_idx %arg9[%get3A_22] : memref<10000xf32, #tpu.memory_space<vmem>>[vector<16xi32>], vector<16xf32>,
      tpu.vector_store_idx %arg10[%get3A_19], %gather3A {add = true} : memref<10000xf32, #tpu.memory_space<vmem>>[vector<16xi32>], vector<16xf32>,
      tpu.vector_store_idx %arg11[%get3A_22], %broadcast_in_dim3A_8 {add = true} : memref<10000xf32, #tpu.memory_space<vmem>>[vector<16xi32>], vector<16xf32>,
      %get3A_23 = arith.index_cast %scan3A_17 : i32 to index
      %get3A_24 = arith.constant 16 : index
      %get3A_25 = tpu.vector_load %arg7[%get3A_23, %get3A_24] {strides = array<i32>} : memref<125x80xi32, #tpu.memory_space<vmem>>, vector<16xi32>,
      %get3A_26 = arith.index_cast %scan3A_17 : i32 to index
      %get3A_27 = arith.constant 16 : index
      %get3A_28 = tpu.vector_load %arg8[%get3A_26, %get3A_27] {strides = array<i32>} : memref<125x80xi32, #tpu.memory_space<vmem>>, vector<16xi32>,
      %gather3A_29 = tpu.vector_load_idx %arg9[%get3A_28] : memref<10000xf32, #tpu.memory_space<vmem>>[vector<16xi32>], vector<16xf32>,
      tpu.vector_store_idx %arg10[%get3A_25], %gather3A_29 {add = true} : memref<10000xf32, #tpu.memory_space<vmem>>[vector<16xi32>], vector<16xf32>,
      tpu.vector_store_idx %arg11[%get3A_28], %broadcast_in_dim3A_8 {add = true} : memref<10000xf32, #tpu.memory_space<vmem>>[vector<16xi32>], vector<16xf32>,
      %get3A_30 = arith.index_cast %scan3A_17 : i32 to index
      %get3A_31 = arith.constant 32 : index
      %get3A_32 = tpu.vector_load %arg7[%get3A_30, %get3A_31] {strides = array<i32>} : memref<125x80xi32, #tpu.memory_space<vmem>>, vector<16xi32>,
      %get3A_33 = arith.index_cast %scan3A_17 : i32 to index
      %get3A_34 = arith.constant 32 : index
      %get3A_35 = tpu.vector_load %arg8[%get3A_33, %get3A_34] {strides = array<i32>} : memref<125x80xi32, #tpu.memory_space<vmem>>, vector<16xi32>,
      %gather3A_36 = tpu.vector_load_idx %arg9[%get3A_35] : memref<10000xf32, #tpu.memory_space<vmem>>[vector<16xi32>], vector<16xf32>,
      tpu.vector_store_idx %arg10[%get3A_32], %gather3A_36 {add = true} : memref<10000xf32, #tpu.memory_space<vmem>>[vector<16xi32>], vector<16xf32>,
      tpu.vector_store_idx %arg11[%get3A_35], %broadcast_in_dim3A_8 {add = true} : memref<10000xf32, #tpu.memory_space<vmem>>[vector<16xi32>], vector<16xf32>,
      %get3A_37 = arith.index_cast %scan3A_17 : i32 to index
      %get3A_38 = arith.constant 48 : index
      %get3A_39 = tpu.vector_load %arg7[%get3A_37, %get3A_38] {strides = array<i32>} : memref<125x80xi32, #tpu.memory_space<vmem>>, vector<16xi32>,
      %get3A_40 = arith.index_cast %scan3A_17 : i32 to index
      %get3A_41 = arith.constant 48 : index
      %get3A_42 = tpu.vector_load %arg8[%get3A_40, %get3A_41] {strides = array<i32>} : memref<125x80xi32, #tpu.memory_space<vmem>>, vector<16xi32>,
      %gather3A_43 = tpu.vector_load_idx %arg9[%get3A_42] : memref<10000xf32, #tpu.memory_space<vmem>>[vector<16xi32>], vector<16xf32>,
      tpu.vector_store_idx %arg10[%get3A_39], %gather3A_43 {add = true} : memref<10000xf32, #tpu.memory_space<vmem>>[vector<16xi32>], vector<16xf32>,
      tpu.vector_store_idx %arg11[%get3A_42], %broadcast_in_dim3A_8 {add = true} : memref<10000xf32, #tpu.memory_space<vmem>>[vector<16xi32>], vector<16xf32>,
      %get3A_44 = arith.index_cast %scan3A_17 : i32 to index
      %get3A_45 = arith.constant 64 : index
      %get3A_46 = tpu.vector_load %arg7[%get3A_44, %get3A_45] {strides = array<i32>} : memref<125x80xi32, #tpu.memory_space<vmem>>, vector<16xi32>,
      %get3A_47 = arith.index_cast %scan3A_17 : i32 to index
      %get3A_48 = arith.constant 64 : index
      %get3A_49 = tpu.vector_load %arg8[%get3A_47, %get3A_48] {strides = array<i32>} : memref<125x80xi32, #tpu.memory_space<vmem>>, vector<16xi32>,
      %gather3A_50 = tpu.vector_load_idx %arg9[%get3A_49] : memref<10000xf32, #tpu.memory_space<vmem>>[vector<16xi32>], vector<16xf32>,
      tpu.vector_store_idx %arg10[%get3A_46], %gather3A_50 {add = true} : memref<10000xf32, #tpu.memory_space<vmem>>[vector<16xi32>], vector<16xf32>,
      tpu.vector_store_idx %arg11[%get3A_49], %broadcast_in_dim3A_8 {add = true} : memref<10000xf32, #tpu.memory_space<vmem>>[vector<16xi32>], vector<16xf32>,
    }
    %scan3A_14 = arith.constant 125 : i32
    %mul3A_15 = arith.constant 10000 : i32
    %mul3A_16 = arith.muli %add3A, %mul3A_15 : i32
    %multiple_of3A = tpu.assume_multiple %mul3A_16, 8 : i32
    "tpu.region"() ({
      %run_scoped3A = tpu.sem_alloc : memref<!tpu.dma_semaphore, #tpu.memory_space<semaphore_mem>>
      %dma_start3A = tpu.memref_slice %arg5[%multiple_of3A] : memref<320000xf32, #tpu.memory_space<hbm>> -> memref<10000xf32, #tpu.memory_space<hbm>>
      %dma_start3A_17 = tpu.memref_slice %arg5[%multiple_of3A] : memref<320000xf32, #tpu.memory_space<hbm>> -> memref<10000xf32, #tpu.memory_space<hbm>>
      tpu.enqueue_dma source(%arg10 : memref<10000xf32, #tpu.memory_space<vmem>>) target(%dma_start3A_17 : memref<10000xf32, #tpu.memory_space<hbm>>) target_semaphore(%run_scoped3A : memref<!tpu.dma_semaphore, #tpu.memory_space<semaphore_mem>>)
      %dma_wait3A = tpu.memref_slice %arg5[%multiple_of3A] : memref<320000xf32, #tpu.memory_space<hbm>> -> memref<10000xf32, #tpu.memory_space<hbm>>
      %dma_wait3A_18 = tpu.memref_slice %arg5[%multiple_of3A] : memref<320000xf32, #tpu.memory_space<hbm>> -> memref<10000xf32, #tpu.memory_space<hbm>>
      tpu.wait_dma2 semaphore(%run_scoped3A : memref<!tpu.dma_semaphore, #tpu.memory_space<semaphore_mem>>) src(%arg10 : memref<10000xf32, #tpu.memory_space<vmem>>) dst(%dma_wait3A_18 : memref<10000xf32, #tpu.memory_space<hbm>>)
      tpu.yield
    }) : () -> ()
    "tpu.region"() ({
      %run_scoped3A = tpu.sem_alloc : memref<!tpu.dma_semaphore, #tpu.memory_space<semaphore_mem>>
      %dma_start3A = tpu.memref_slice %arg6[%multiple_of3A] : memref<320000xf32, #tpu.memory_space<hbm>> -> memref<10000xf32, #tpu.memory_space<hbm>>
      %dma_start3A_17 = tpu.memref_slice %arg6[%multiple_of3A] : memref<320000xf32, #tpu.memory_space<hbm>> -> memref<10000xf32, #tpu.memory_space<hbm>>
      tpu.enqueue_dma source(%arg11 : memref<10000xf32, #tpu.memory_space<vmem>>) target(%dma_start3A_17 : memref<10000xf32, #tpu.memory_space<hbm>>) target_semaphore(%run_scoped3A : memref<!tpu.dma_semaphore, #tpu.memory_space<semaphore_mem>>)
      %dma_wait3A = tpu.memref_slice %arg6[%multiple_of3A] : memref<320000xf32, #tpu.memory_space<hbm>> -> memref<10000xf32, #tpu.memory_space<hbm>>
      %dma_wait3A_18 = tpu.memref_slice %arg6[%multiple_of3A] : memref<320000xf32, #tpu.memory_space<hbm>> -> memref<10000xf32, #tpu.memory_space<hbm>>
      tpu.wait_dma2 semaphore(%run_scoped3A : memref<!tpu.dma_semaphore, #tpu.memory_space<semaphore_mem>>) src(%arg11 : memref<10000xf32, #tpu.memory_space<vmem>>) dst(%dma_wait3A_18 : memref<10000xf32, #tpu.memory_space<hbm>>)
      tpu.yield
    }) : () -> ()
    return
  }
}

module attributes {stable_mosaic.version = 14 : i64} {
  func.func @_combine_edges_body(%arg0: memref<2x10240x128xbf16, #tpu.memory_space<vmem>>, %arg1: memref<32x10000xf32, #tpu.memory_space<vmem>>, %arg2: memref<10000x128xbf16, #tpu.memory_space<vmem>>) attributes {dimension_semantics = [], scalar_prefetch = 0 : i64, scratch_operands = 0 : i64, tpu.core_type = #tpu.core_type<tc>} {
    %get3A = arith.constant 0 : index
    %get3A_0 = arith.constant 0 : index
    %get3A_1 = vector.load %arg1[%get3A, %get3A_0] : memref<32x10000xf32, #tpu.memory_space<vmem>>, vector<32x10000xf32>
    %reduce_sum3A = arith.constant dense<0.000000e+00> : vector<10000xf32>
    %reduce_sum3A_2 = vector.multi_reduction <add>, %get3A_1, %reduce_sum3A [0] : vector<32x10000xf32> to vector<10000xf32>
    %gt3A = arith.constant 0.000000e+00 : f32
    %gt3A_3 = vector.broadcast %gt3A : f32 to vector<10000xf32>
    %gt3A_4 = arith.cmpf ogt, %reduce_sum3A_2, %gt3A_3 : vector<10000xf32>
    %div3A = arith.constant 1.000000e+00 : f32
    %div3A_5 = vector.broadcast %div3A : f32 to vector<10000xf32>
    %div3A_6 = arith.divf %div3A_5, %reduce_sum3A_2 : vector<10000xf32>
    %jit3A = arith.constant 0.000000e+00 : f32
    %broadcast_in_dim3A = vector.broadcast %jit3A : f32 to vector<10000xf32>
    %select_n3A = arith.select %gt3A_4, %div3A_6, %broadcast_in_dim3A : vector<10000xi1>, vector<10000xf32>
    %get3A_7 = arith.constant 0 : index
    %get3A_8 = arith.constant 0 : index
    %get3A_9 = arith.constant 0 : index
    %get3A_10 = vector.load %arg0[%get3A_7, %get3A_8, %get3A_9] : memref<2x10240x128xbf16, #tpu.memory_space<vmem>>, vector<1x10000x128xbf16>
    %get3A_11 = vector.shape_cast %get3A_10 : vector<1x10000x128xbf16> to vector<10000x128xbf16>
    %convert_element_type3A = arith.extf %get3A_11 : vector<10000x128xbf16> to vector<10000x128xf32>
    %get3A_12 = arith.constant 1 : index
    %get3A_13 = arith.constant 0 : index
    %get3A_14 = arith.constant 0 : index
    %get3A_15 = vector.load %arg0[%get3A_12, %get3A_13, %get3A_14] : memref<2x10240x128xbf16, #tpu.memory_space<vmem>>, vector<1x10000x128xbf16>
    %get3A_16 = vector.shape_cast %get3A_15 : vector<1x10000x128xbf16> to vector<10000x128xbf16>
    %convert_element_type3A_17 = arith.extf %get3A_16 : vector<10000x128xbf16> to vector<10000x128xf32>
    %add3A = arith.addf %convert_element_type3A, %convert_element_type3A_17 : vector<10000x128xf32>
    %broadcast_in_dim3A_18 = vector.shape_cast %select_n3A : vector<10000xf32> to vector<10000x1xf32>
    %mul3A = vector.broadcast %broadcast_in_dim3A_18 : vector<10000x1xf32> to vector<10000x128xf32>
    %mul3A_19 = arith.mulf %add3A, %mul3A : vector<10000x128xf32>
    %convert_element_type3A_20 = arith.truncf %mul3A_19 : vector<10000x128xf32> to vector<10000x128xbf16>
    %swap3A = arith.constant 0 : index
    %swap3A_21 = arith.constant 0 : index
    %swap3A_22 = vector.load %arg2[%swap3A, %swap3A_21] : memref<10000x128xbf16, #tpu.memory_space<vmem>>, vector<10000x128xbf16>
    tpu.vector_store %arg2[%swap3A, %swap3A_21], %convert_element_type3A_20 {strides = array<i32>} : memref<10000x128xbf16, #tpu.memory_space<vmem>>, vector<10000x128xbf16>,
    return
  }
}

module attributes {stable_mosaic.version = 14 : i64} {
  func.func @_finish_body(%arg0: memref<2x10240x128xbf16, #tpu.memory_space<vmem>>, %arg1: memref<32x10000xf32, #tpu.memory_space<vmem>>, %arg2: memref<128x128xf32, #tpu.memory_space<vmem>>, %arg3: memref<1x128xf32, #tpu.memory_space<vmem>>, %arg4: memref<10000x128xf32, #tpu.memory_space<vmem>>) attributes {dimension_semantics = [], scalar_prefetch = 0 : i64, scratch_operands = 0 : i64, tpu.core_type = #tpu.core_type<tc>} {
    %get3A = arith.constant 0 : index
    %get3A_0 = arith.constant 0 : index
    %get3A_1 = vector.load %arg1[%get3A, %get3A_0] : memref<32x10000xf32, #tpu.memory_space<vmem>>, vector<32x10000xf32>
    %reduce_sum3A = arith.constant dense<0.000000e+00> : vector<10000xf32>
    %reduce_sum3A_2 = vector.multi_reduction <add>, %get3A_1, %reduce_sum3A [0] : vector<32x10000xf32> to vector<10000xf32>
    %gt3A = arith.constant 0.000000e+00 : f32
    %gt3A_3 = vector.broadcast %gt3A : f32 to vector<10000xf32>
    %gt3A_4 = arith.cmpf ogt, %reduce_sum3A_2, %gt3A_3 : vector<10000xf32>
    %div3A = arith.constant 1.000000e+00 : f32
    %div3A_5 = vector.broadcast %div3A : f32 to vector<10000xf32>
    %div3A_6 = arith.divf %div3A_5, %reduce_sum3A_2 : vector<10000xf32>
    %jit3A = arith.constant 0.000000e+00 : f32
    %broadcast_in_dim3A = vector.broadcast %jit3A : f32 to vector<10000xf32>
    %select_n3A = arith.select %gt3A_4, %div3A_6, %broadcast_in_dim3A : vector<10000xi1>, vector<10000xf32>
    %get3A_7 = arith.constant 0 : index
    %get3A_8 = arith.constant 0 : index
    %get3A_9 = arith.constant 0 : index
    %get3A_10 = vector.load %arg0[%get3A_7, %get3A_8, %get3A_9] : memref<2x10240x128xbf16, #tpu.memory_space<vmem>>, vector<1x10000x128xbf16>
    %get3A_11 = vector.shape_cast %get3A_10 : vector<1x10000x128xbf16> to vector<10000x128xbf16>
    %convert_element_type3A = arith.extf %get3A_11 : vector<10000x128xbf16> to vector<10000x128xf32>
    %get3A_12 = arith.constant 1 : index
    %get3A_13 = arith.constant 0 : index
    %get3A_14 = arith.constant 0 : index
    %get3A_15 = vector.load %arg0[%get3A_12, %get3A_13, %get3A_14] : memref<2x10240x128xbf16, #tpu.memory_space<vmem>>, vector<1x10000x128xbf16>
    %get3A_16 = vector.shape_cast %get3A_15 : vector<1x10000x128xbf16> to vector<10000x128xbf16>
    %convert_element_type3A_17 = arith.extf %get3A_16 : vector<10000x128xbf16> to vector<10000x128xf32>
    %add3A = arith.addf %convert_element_type3A, %convert_element_type3A_17 : vector<10000x128xf32>
    %broadcast_in_dim3A_18 = vector.shape_cast %select_n3A : vector<10000xf32> to vector<10000x1xf32>
    %mul3A = vector.broadcast %broadcast_in_dim3A_18 : vector<10000x1xf32> to vector<10000x128xf32>
    %mul3A_19 = arith.mulf %add3A, %mul3A : vector<10000x128xf32>
    %get3A_20 = arith.constant 0 : index
    %get3A_21 = arith.constant 0 : index
    %get3A_22 = vector.load %arg2[%get3A_20, %get3A_21] : memref<128x128xf32, #tpu.memory_space<vmem>>, vector<128x128xf32>
    %dot_general3A = arith.constant dense<0.000000e+00> : vector<10000x128xf32>
    %dot_general3A_23 = tpu.matmul %mul3A_19, %get3A_22, %dot_general3A {dimension_numbers = #tpu.dot_dimension_numbers<[1], [0], [0], [1], [0, 0, 1, 1], [], []>, transpose_lhs_hint = false} : vector<10000x128xf32>, vector<128x128xf32>, vector<10000x128xf32> -> vector<10000x128xf32>
    %get3A_24 = arith.constant 0 : index
    %get3A_25 = arith.constant 0 : index
    %get3A_26 = vector.load %arg3[%get3A_24, %get3A_25] : memref<1x128xf32, #tpu.memory_space<vmem>>, vector<1x128xf32>
    %add3A_27 = vector.broadcast %get3A_26 : vector<1x128xf32> to vector<10000x128xf32>
    %add3A_28 = arith.addf %dot_general3A_23, %add3A_27 : vector<10000x128xf32>
    %swap3A = arith.constant 0 : index
    %swap3A_29 = arith.constant 0 : index
    %swap3A_30 = vector.load %arg4[%swap3A, %swap3A_29] : memref<10000x128xf32, #tpu.memory_space<vmem>>, vector<10000x128xf32>
    tpu.vector_store %arg4[%swap3A, %swap3A_29], %add3A_28 {strides = array<i32>} : memref<10000x128xf32, #tpu.memory_space<vmem>>, vector<10000x128xf32>,
    return
  }
}

</mosaic_0001>

<sc_bundles>
// kernel: kernel.10.cloned.1.call-start
scs
__scs_entry_jumppad:
0x0: {  	(pc) =	sbr.rel $0x88, $3  }
0x1: {  	(tag) =	ssettag $0x0;
	lr =	simm.s32 $0x1  }
0x2: {  	[smem:$0x3F9C] =	sst lr;
	_ =	strace $0xD0000000  }
0x3: {  	_ = 	snop  }
0x4: {  	_ = 	snop  }
0x5: {  	_ = 	snop  }
0x6: {  	_ = 	snop  }
0x7: {  	_ = 	snop  }
__scs_overlays_trampoline_lowered:
0x8: {  	[smem:$0x3FAB] =	sst s0  }
0x9: {  	[smem:$0x3FAC] =	sst s1  }
0xa: {  	[smem:$0x3FAD] =	sst s2  }
0xb: {  	[smem:$0x3FAE] =	sst s3  }
0xc: {  	[smem:$0x3FAF] =	sst s4  }
0xd: {  	[smem:$0x3FB0] =	sst s5  }
0xe: {  	[smem:$0x3FB1] =	sst s6  }
0xf: {  	[smem:$0x3FB2] =	sst s7  }
0x10: {  	[smem:$0x3FB3] =	sst s8  }
0x11: {  	[smem:$0x3FB4] =	sst s9;
	s0 =	simm.s32 @!p0 $0x0  }
0x12: {  	s1 =	sld [smem:$0x3F9A];
	s0 =	simm.s32 @p0 $0x1  }
0x13: {  	[smem:$0x3FB5] =	sst s0;
	s0 =	simm.s32 @!p1 $0x0  }
0x14: {  	s2 =	sld [smem:$0x3F99];
	s0 =	simm.s32 @p1 $0x1  }
0x15: {  	[smem:$0x3FB6] =	sst s0;
	s0 =	simm.s32 @!p2 $0x0  }
0x16: {  	s3 =	sld [smem:$0x3FDB];
	s0 =	simm.s32 @p2 $0x1  }
0x17: {  	s4 =	simm.s32 $0x1BF5;
	[smem:$0x3FB8] =	sst s0  }
0x18: {  	s0 =	sld [smem:$0x3F9B];
	_ =	swait.ge [sflag:s4], $0x0  }
0x19: {  	s7 =	sld [smem:$0x3F9C]  }
0x1a: {  	s8 =	sadd.s32 $0xFFFFE003, lr  }
0x1b: {  	s9 =	sadd.s32 $0xFFFFFEF7, lr;
	s5 =	simm.s32 $0xFFFFFFFF;
	p2 =	slt.u32 s8, $0xFFFFF086  }
0x1c: {  	p1 =	slt.u32 s9, $0xF7A;
	s5 =	simm.s32 @!p2 $0x0  }
0x1d: {  	s5 =	simm.s32 @p1 $0x1;
	p0 =	seq.s32 s7, s2  }
0x1e: {  	s7 =	smul.u32 @!p0 $0xF7A, s2;
	p2 =	seq.s32 @!p0 s5, $0x0  }
0x1f: {  	s9 =	smul.u32 $0xF7A, s1;
	s8 =	simm.s32 @!p0 $0x1BF5;
	p2 =	por !p2, p0  }
0x20: {  	[sflag:s8] =	ssyncset.s32 @!p0 $0xFFFFF086;
	s6 =	sadd.s32 @!p0 s3, s7;
	s7 =	simm.s32 @!p0 $0x108  }
0x21: {  	s3 =	sadd.s32 s3, s9;
	s6 =	sadd.s32 @!p0 $0x88, s6;
	s7 =	simm.s32 @p2 $0x1082  }
0x22: {  	[simem:s7], [sflag:s8] =	dma.local @!p0 [hbm:s6], $0xF7A  }
0x23: {  	s9 =	sor.u32 $0xD0000000, s2;
	s6 =	simm.s32 $0x108;
	_ =	swait.ge @!p0 [sflag:s8], $0x0  }
0x24: {  	s3 =	sadd.s32 $0x88, s3;
	s6 =	simm.s32 @!p1 $0x1082;
	[sflag:s4] =	ssyncset.s32 $0xFFFFF086  }
0x25: {  	[simem:s6], [sflag:s4] =	dma.local [hbm:s3], $0xF7A  }
0x26: {  	[smem:$0x3F9C] =	sst s1;
	(tag) =	ssettag s2;
	_ =	strace s9  }
0x27: {  	s1 =	sld [smem:$0x3FAC]  }
0x28: {  	s2 =	sld [smem:$0x3FAD]  }
0x29: {  	s4 =	sld [smem:$0x3FAF]  }
0x2a: {  	p0 =	seq.s32 s5, $0x0;
	s5 =	sld [smem:$0x3FB0]  }
0x2b: {  	s6 =	sld [smem:$0x3FB1]  }
0x2c: {  	s7 =	sld [smem:$0x3FB2]  }
0x2d: {  	s3 =	simm.s32 $0x108;
	s8 =	sld [smem:$0x3FB3]  }
0x2e: {  	s3 =	simm.s32 @!p0 $0x1082;
	s9 =	sld [smem:$0x3FB4]  }
0x2f: {  	lr =	sadd.s32 s0, s3;
	s0 =	sld [smem:$0x3FAB]  }
0x30: {  	s3 =	sld [smem:$0x3FAE]  }
0x31: {  	[smem:$0x3FB7] =	sst s10  }
0x32: {  	s10 =	sld [smem:$0x3FB5];
	_ =	sdelay $0x3  }
0x33: {  	p0 =	seq.s32 s10, $0x1;
	s10 =	sld [smem:$0x3FB7];
	_ =	sdelay $0x3  }
0x34: {  	[smem:$0x3FB7] =	sst s10  }
0x35: {  	s10 =	sld [smem:$0x3FB6];
	_ =	sdelay $0x3  }
0x36: {  	p1 =	seq.s32 s10, $0x1;
	s10 =	sld [smem:$0x3FB7];
	_ =	sdelay $0x3  }
0x37: {  	[smem:$0x3FB7] =	sst s10  }
0x38: {  	s10 =	sld [smem:$0x3FB8]  }
0x39: {  	_ = 	snop;
	(pc) =	sbr.ind lr, $3  }
0x3a: {  	_ = 	snop  }
0x3b: {  	_ = 	snop  }
0x3c: {  	p2 =	seq.s32 s10, $0x1;
	s10 =	sld [smem:$0x3FB7]  }
0x3d: {  	_ =	shalt  }
0x3e: {  	_ =	shalt  }
0x3f: {  	_ =	shalt  }
0x40: {  	_ =	shalt  }
0x41: {  	_ =	shalt  }
0x42: {  	_ =	shalt  }
0x43: {  	_ =	shalt  }
0x44: {  	_ =	shalt  }
0x45: {  	_ =	shalt  }
0x46: {  	_ =	shalt  }
0x47: {  	_ =	shalt  }
0x48: {  	_ =	shalt  }
0x49: {  	_ =	shalt  }
0x4a: {  	_ =	shalt  }
0x4b: {  	_ =	shalt  }
0x4c: {  	_ =	shalt  }
0x4d: {  	_ =	shalt  }
0x4e: {  	_ =	shalt  }
0x4f: {  	_ =	shalt  }
0x50: {  	_ =	shalt  }
0x51: {  	_ =	shalt  }
0x52: {  	_ =	shalt  }
0x53: {  	_ =	shalt  }
0x54: {  	_ =	shalt  }
0x55: {  	_ =	shalt  }
0x56: {  	_ =	shalt  }
0x57: {  	_ =	shalt  }
0x58: {  	_ =	shalt  }
0x59: {  	_ =	shalt  }
0x5a: {  	_ =	shalt  }
0x5b: {  	_ =	shalt  }
0x5c: {  	_ =	shalt  }
0x5d: {  	_ =	shalt  }
0x5e: {  	_ =	shalt  }
0x5f: {  	_ =	shalt  }
0x60: {  	_ =	shalt  }
0x61: {  	_ =	shalt  }
0x62: {  	_ =	shalt  }
0x63: {  	_ =	shalt  }
0x64: {  	_ =	shalt  }
0x65: {  	_ =	shalt  }
0x66: {  	_ =	shalt  }
0x67: {  	_ =	shalt  }
0x68: {  	_ =	shalt  }
0x69: {  	_ =	shalt  }
0x6a: {  	_ =	shalt  }
0x6b: {  	_ =	shalt  }
0x6c: {  	_ =	shalt  }
0x6d: {  	_ =	shalt  }
0x6e: {  	_ =	shalt  }
0x6f: {  	_ =	shalt  }
0x70: {  	_ =	shalt  }
0x71: {  	_ =	shalt  }
0x72: {  	_ =	shalt  }
0x73: {  	_ =	shalt  }
0x74: {  	_ =	shalt  }
0x75: {  	_ =	shalt  }
0x76: {  	_ =	shalt  }
0x77: {  	_ =	shalt  }
0x78: {  	_ =	shalt  }
0x79: {  	_ =	shalt  }
0x7a: {  	_ =	shalt  }
0x7b: {  	_ =	shalt  }
0x7c: {  	_ =	shalt  }
0x7d: {  	_ =	shalt  }
0x7e: {  	_ =	shalt  }
0x7f: {  	_ =	shalt  }
0x80: {  	_ =	shalt  }
0x81: {  	_ =	shalt  }
0x82: {  	_ =	shalt  }
0x83: {  	_ =	shalt  }
0x84: {  	_ =	shalt  }
0x85: {  	_ =	shalt  }
0x86: {  	_ =	shalt  }
0x87: {  	_ =	shalt  }
.Lfunc_end0:
.L_simem_size_0:
called_computation.1_lowered:
.L_overlay_start_0:
0x88: {  	s2 =	sld [smem:$0x3FD9]  }
0x89: {  	s3 =	sld [smem:$0x3FFE];
	_ =	sdelay $0x1  }
0x8a: {  	s1 =	srdreg.scid  }
0x8b: {  	s0 =	sand.u32 $0x1, s1  }
0x8c: {  	s17 =	sshll.u32 s0, $0xA;
	s2 =	sadd.s32 s3, s2  }
0x8d: {  	s2 =	sadd.s32 s2, s17  }
0x8e: {  	[smem:$0x3FC3] =	sst s2  }
0x8f: {  	_ = 	snop  }
0x90: {  	s2 =	sld [smem:$0x3FD0];
	(tm) =	ssettm $0x1  }
0x91: {  	s18 =	sld [smem:$0x3FFB];
	_ =	sdelay $0x3  }
0x92: {  	_ =	strace s18  }
0x93: {  	s3 =	sld [smem:$0x3FFC];
	_ =	sdelay $0x3  }
0x94: {  	_ =	strace s3  }
0x95: {  	s3 =	sld [smem:$0x3FFD];
	_ =	sdelay $0x3  }
0x96: {  	_ =	strace s3  }
0x97: {  	_ =	strace $0x8FFFFFFF  }
0x98: {  	s19 =	sld [smem:$0x3FDB];
	_ =	sdelay $0x1  }
0x99: {  	s4 =	simm.s32 $_scs_section_size  }
0x9a: {  	s5 =	simm.s32 $_size__tile_overlayer_lowered;
	s6 =	simm.s32 $_tile_overlayer_lowered  }
0x9b: {  	s22 =	simm.s32 $0x1BFF;
	s21 =	sshll.u32 s6, $0x1;
	s3 =	sadd.s32 s4, s19  }
0x9c: {  	s7 =	simm.s32 $0x0;
	s20 =	sshll.u32 s5, $0x1;
	s5 =	sadd.s32 s21, s3  }
0x9d: {  	[timem:s7], [sflag:s22] =	dma.local [hbm:s5], s20  }
0x9e: {  	_ =	swait.ge [sflag:s22], s20  }
0x9f: {  	s4 =	ssub.s32 $0x0, s20;
	[sflag:s22] =	ssyncset.done $0x0  }
0xa0: {  	[sflag:s22] =	ssyncadd.s32 s4;
	_ =	sdelay $0x1  }
0xa1: {  	s23 =	simm.s32 $0x1B8B  }
0xa2: {  	_ =	swait.ge [sflag:s23], $0x1  }
0xa3: {  	[sflag:s23] =	ssyncset.done $0x0  }
0xa4: {  	s25 =	simm.s32 $0x1B8E;
	s24 =	sld [smem:$0x3FFE];
	[sflag:s23] =	ssyncadd.s32 $0xFFFFFFFF  }
0xa5: {  	s26 =	simm.s32 $execute0_lowered;
	[smem:$0x3FD2] =	sst s25  }
0xa6: {  	s5 =	sshll.u32 s26, $0x1;
	_ =	strace $0x80000046;
	[dreg:$0x1] =	wrdreg $0xFFFFFFFF  }
0xa7: {  	s28 =	simm.s32 $_size_execute0_lowered;
	s3 =	sadd.s32 s3, s5;
	[dreg:$0x0] =	wrdreg $0x0  }
0xa8: {  	s5 =	sshll.u32 s28, $0x1;
	[dreg:$0x2] =	wrdreg s3  }
0xa9: {  	[dreg:$0x3] =	wrdreg s5  }
0xaa: {  	[dreg:$0x4] =	wrdreg $0xC0  }
0xab: {  	_ =	task [dreg:s7], $0x5FFFF  }
0xac: {  	[dreg:$0x1] =	wrdreg $0xFFFFFFFF  }
0xad: {  	[dreg:$0x0] =	wrdreg $0x60  }
0xae: {  	[dreg:$0x2] =	wrdreg s2  }
0xaf: {  	[dreg:$0x3] =	wrdreg s24  }
0xb0: {  	[dreg:$0x4] =	wrdreg $0x14A000  }
0xb1: {  	[dreg:$0x5] =	wrdreg $0xA  }
0xb2: {  	_ =	task.clear_ibuf [dreg:s7], $0x6FFFF;
	_ =	strace $0x90000046  }
0xb3: {  	s29 =	simm.s32 $0xA;
	_ =	strace $0x80000048  }
0xb4: {  	_ =	swait.ge [sflag:s29], $0x1  }
0xb5: {  	[sflag:s29] =	ssyncadd.s32 $0xFFFFFFFF  }
0xb6: {  	_ =	strace $0x90000048  }
0xb7: {  	_ =	sfence  }
0xb8: {  	s30 =	sld [smem:$0x0];
	_ =	sdelay $0x2  }
0xb9: {  	s31 =	sshll.u32 s1, $0xD;
	s1 =	sshrl.u32 s1, $0x2  }
0xba: {  	s3 =	sand.u32 $0x4000, s31;
	s1 =	sadd.s32 s1, s30  }
0xbb: {  	s0 =	sor.u32 s3, s0;
	s1 =	sshll.u32 s1, $0x11  }
0xbc: {  	s0 =	sor.u32 s1, s0  }
0xbd: {  	s0 =	sadd.s32 $0x8F2B, s0  }
0xbe: {  	[sflag:s0] =	ssyncadd.remote.s32 $0x1  }
0xbf: {  	_ =	sfence.sel $0xFFFF  }
0xc0: {  	[dreg:$0x0] =	wrdreg $0xFFFFFFFF;
	(pc) =	sbr.abs _section_cstart, $3  }
0xc1: {  	[dreg:$0x1] =	wrdreg $0xFFFFFFFF  }
0xc2: {  	_ =	task.clear_ibuf [dreg:s7], $0x2FFFF;
	_ =	strace $0x9FFFFFFF  }
0xc3: {  	(tm) =	ssettm $0x7FFFFFFF  }
tec
execute0_lowered:
.L_overlay_start_1:
0x0: {  	(tag) =	ssettag $0x1  }
0x1: {  	s1 =	rddreg [dreg:$0x0]  }
0x2: {  	s0 =	rddreg [dreg:$0x1]  }
0x3: {  	s3 =	rddreg [dreg:$0x2];
	s6 =	simm.s32 $0x0  }
0x4: {  	s2 =	srdreg.scid;
	s7 =	stileid.u32;
	s29 =	simm.s32 $0xCD00  }
0x5: {  	s31 =	simm.s32 $0xEC40;
	s28 =	simm.s32 $0x2;
	s30 =	simm.s32 $0x3  }
0x6: {  	s9 =	simm.s32 $0xA;
	s10 =	simm.s32 $0xB;
	s11 =	simm.s32 $0xC  }
0x7: {  	s12 =	simm.s32 $0xD;
	s13 =	simm.s32 $0xE;
	s14 =	simm.s32 $0xF  }
0x8: {  	s15 =	simm.s32 $0x10;
	s2 =	sand.u32 $0x1, s2;
	s5 =	smul.u32 $0x14000, s7  }
0x9: {  	s4 =	sshll.u32 s7, $0x1;
	[smem:$0x7FF] =	sst s6;
	s7 =	smul.u32 $0x28000, s7  }
0xa: {  	s4 =	sor.u32 s2, s4;
	s16 =	smul.u32 $0x140000, s2;
	s2 =	ssub.s32 $0x2, s2  }
0xb: {  	_ =	strace $0x80000047;
	s4 =	smul.u32 $0x500, s4;
	s8 =	sshrl.u32 s2, $0x1  }
0xc: {  	s17 =	sshrl.u32 s7, $0x2;
	s6 =	sadd.s32 s5, s16;
	s2 =	ssub.s32 s2, s8  }
0xd: {  	s5 =	sshrl.u32 s5, $0x1;
	s4 =	sadd.s32 s4, s0;
	s26 =	smax.u32 s2, $0x1  }
0xe: {  	s6 =	sshrl.u32 s6, $0x4;
	s18 =	sadd.s32 $0x1F600, s4;
	[dreg:$0xf] =	wrdreg s26  }
0xf: {  	s0 =	sadd.s32 s6, s0;
	s4 =	sadd.s32 $0x15600, s4;
	[dreg:$0x4] =	wrdreg s18  }
0x10: {  	s6 =	sadd.s32 s17, s3;
	s17 =	sadd.s32 s5, s3;
	[dreg:$0x5] =	wrdreg s4  }
0x11: {  	s7 =	simm.s32 $0x0;
	s19 =	sadd.s32 $0x1400, s6;
	[dreg:$0x6] =	wrdreg s17  }
0x12: {  	s16 =	simm.s32 $0x11;
	s20 =	sadd.s32 $0x2800, s6;
	[dreg:$0x7] =	wrdreg s19  }
0x13: {  	s8 =	simm.s32 $0x9;
	s21 =	sadd.s32 $0x3C00, s6;
	[dreg:$0x8] =	wrdreg s20  }
0x14: {  	s2 =	simm.s32 $0x6;
	s22 =	sadd.s32 $0x5000, s6;
	[dreg:$0x9] =	wrdreg s21  }
0x15: {  	s26 =	simm.s32 $0xADC0;
	s23 =	sadd.s32 $0x6400, s6;
	[dreg:$0xa] =	wrdreg s22  }
0x16: {  	s5 =	simm.s32 $0x7;
	s24 =	sadd.s32 $0x7800, s6;
	[dreg:$0xb] =	wrdreg s23  }
0x17: {  	s25 =	sadd.s32 $0x8C00, s6;
	s0 =	sadd.s32 $0x29600, s0;
	[dreg:$0xc] =	wrdreg s24  }
0x18: {  	s18 =	simm.s32 $0x10B80;
	s6 =	simm.s32 $0x8;
	[dreg:$0xd] =	wrdreg s25  }
0x19: {  	[dreg:$0xe] =	wrdreg s0;
	s19 =	simm.s32 $0x5000;
	s20 =	simm.s32 $0x7D  }
0x1a: {  	s22 =	simm.s32 $0x6F40;
	s24 =	simm.s32 $0x8E80;
	s23 =	simm.s32 $0x12AC0  }
0x1b: {  	v0 =	vimm.bf16 $0.0e+00;
	s25 =	simm.s32 $0x1;
	s0 =	simm.s32 $0x4;
	s21 =	simm.s32 $0x5  }
.LBB2_1:
0x1c: {  	[dreg:$0x10] =	wrdreg s7  }
0x1d: {  	s7 =	simm.s32 $0x0;
	s4 =	rddreg [dreg:$0x4]  }
0x1e: {  	[tilespmem:s7], [sflag:$0x11] =	stream.linear.gather [hbm4b:s4+s7], $0x2800, $0x38;
	[tilespmem:$0x1EA00] =	vst v63  }
0x1f: {  	_ =	swait.ge [sflag:s16], $0x2800  }
0x20: {  	[sflag:s16] =	ssyncset.done $0x0  }
0x21: {  	s17 =	simm.s32 $0x2800;
	s4 =	rddreg [dreg:$0x5];
	[sflag:s16] =	ssyncadd.s32 $0xFFFFD800  }
0x22: {  	[tilespmem:s17], [sflag:$0x11] =	stream.linear.gather [hbm4b:s4+s7], $0x2800, $0x38;
	[tilespmem:$0x1EA00] =	vst v63  }
0x23: {  	s17 =	sand.u32 $0x7F00, s7;
	s7 =	sand.u32 $0x60, s7;
	_ =	swait.ge [sflag:s16], $0x2800  }
0x24: {  	s4 =	sshrl.u32 s17, $0x2;
	s7 =	sshrl.u32 s7, $0x1;
	[sflag:s16] =	ssyncset.done $0x0  }
0x25: {  	s7 =	sor.u32 s7, s4;
	[sflag:s16] =	ssyncadd.s32 $0xFFFFD800  }
0x26: {  	s4 =	simm.s32 $0x40;
	[tilespmem:s7+$0x5000] =	vst v0;
	s7 =	simm.s32 $0x0  }
.LBB2_2:
0x27: {  	p0 =	sne.s32 s4, $0x7CC0  }
.Ltmp0:
0x28: {  	s16 =	sand.u32 $0x7F00, s4;
	s7 =	sadd.s32 $0x20, s7;
	(pc) =	sbr.rel @p0 .LBB2_2-.Ltmp0, $4  }
0x29: {  	s4 =	sadd.s32 $0x40, s4;
	s17 =	sand.u32 $0x60, s7  }
0x2a: {  	s16 =	sshrl.u32 s16, $0x2;
	s17 =	sshrl.u32 s17, $0x1  }
0x2b: {  	s16 =	sor.u32 s17, s16  }
0x2c: {  	[tilespmem:s16+$0x5000] =	vst v0  }
0x2d: {  	s17 =	rddreg [dreg:$0x6];
	s7 =	simm.s32 $0x11  }
0x2e: {  	[spmem:s17] =	stream.linear.scatter [tilespmem:s19], [sflag:$0x11], $0x1400, $0x38;
	[tilespmem:$0x1EA00] =	vst v63  }
0x2f: {  	_ =	swait.ge [sflag:s7], $0x1400  }
0x30: {  	[sflag:s7] =	ssyncset.done $0x0  }
0x31: {  	s4 =	rddreg [dreg:$0x7];
	[sflag:s7] =	ssyncadd.s32 $0xFFFFEC00  }
0x32: {  	[spmem:s4] =	stream.linear.scatter [tilespmem:s19], [sflag:$0x11], $0x1400, $0x38;
	[tilespmem:$0x1EA00] =	vst v63  }
0x33: {  	_ =	swait.ge [sflag:s7], $0x1400  }
0x34: {  	[sflag:s7] =	ssyncset.done $0x0  }
0x35: {  	s16 =	rddreg [dreg:$0x8];
	[sflag:s7] =	ssyncadd.s32 $0xFFFFEC00  }
0x36: {  	[spmem:s16] =	stream.linear.scatter [tilespmem:s19], [sflag:$0x11], $0x1400, $0x38;
	[tilespmem:$0x1EA00] =	vst v63  }
0x37: {  	_ =	swait.ge [sflag:s7], $0x1400  }
0x38: {  	[sflag:s7] =	ssyncset.done $0x0  }
0x39: {  	s16 =	rddreg [dreg:$0x9];
	[sflag:s7] =	ssyncadd.s32 $0xFFFFEC00  }
0x3a: {  	[spmem:s16] =	stream.linear.scatter [tilespmem:s19], [sflag:$0x11], $0x1400, $0x38;
	[tilespmem:$0x1EA00] =	vst v63  }
0x3b: {  	_ =	swait.ge [sflag:s7], $0x1400  }
0x3c: {  	[sflag:s7] =	ssyncset.done $0x0  }
0x3d: {  	s16 =	rddreg [dreg:$0xa];
	[sflag:s7] =	ssyncadd.s32 $0xFFFFEC00  }
0x3e: {  	[spmem:s16] =	stream.linear.scatter [tilespmem:s19], [sflag:$0x11], $0x1400, $0x38;
	[tilespmem:$0x1EA00] =	vst v63  }
0x3f: {  	_ =	swait.ge [sflag:s7], $0x1400  }
0x40: {  	[sflag:s7] =	ssyncset.done $0x0  }
0x41: {  	s16 =	rddreg [dreg:$0xb];
	[sflag:s7] =	ssyncadd.s32 $0xFFFFEC00  }
0x42: {  	[spmem:s16] =	stream.linear.scatter [tilespmem:s19], [sflag:$0x11], $0x1400, $0x38;
	[tilespmem:$0x1EA00] =	vst v63  }
0x43: {  	_ =	swait.ge [sflag:s7], $0x1400  }
0x44: {  	[sflag:s7] =	ssyncset.done $0x0  }
0x45: {  	s16 =	rddreg [dreg:$0xc];
	[sflag:s7] =	ssyncadd.s32 $0xFFFFEC00  }
0x46: {  	[spmem:s16] =	stream.linear.scatter [tilespmem:s19], [sflag:$0x11], $0x1400, $0x38;
	[tilespmem:$0x1EA00] =	vst v63  }
0x47: {  	_ =	swait.ge [sflag:s7], $0x1400  }
0x48: {  	[sflag:s7] =	ssyncset.done $0x0  }
0x49: {  	s16 =	rddreg [dreg:$0xd];
	[sflag:s7] =	ssyncadd.s32 $0xFFFFEC00  }
0x4a: {  	[spmem:s16] =	stream.linear.scatter [tilespmem:s19], [sflag:$0x11], $0x1400, $0x38;
	[tilespmem:$0x1EA00] =	vst v63  }
0x4b: {  	_ =	swait.ge [sflag:s7], $0x1400  }
0x4c: {  	[sflag:s7] =	ssyncset.done $0x0  }
0x4d: {  	[sflag:s7] =	ssyncadd.s32 $0xFFFFEC00  }
0x4e: {  	s16 =	simm.s32 $0x0;
	[bflag:$0x0] =	sbarrier.arrive $0xFFFF  }
0x4f: {  	[tilespmem:s19], [sflag:$0x1] =	stream.indirect.gather [hbm4b:s1+s20], $0x40, s16, s20, $0xb8;
	[tilespmem:$0x1EA00] =	vst v63  }
0x50: {  	s7 =	simm.s32 $0x80  }
0x51: {  	[tilespmem:s22], [sflag:$0x2] =	stream.indirect.gather [hbm4b:s1+s20], $0x40, s7, s20, $0xb8;
	[tilespmem:$0x1EA00] =	vst v63  }
0x52: {  	s16 =	simm.s32 $0x100  }
0x53: {  	[tilespmem:s24], [sflag:$0x3] =	stream.indirect.gather [hbm4b:s1+s20], $0x40, s16, s20, $0xb8;
	[tilespmem:$0x1EA00] =	vst v63  }
0x54: {  	s7 =	simm.s32 $0x180  }
0x55: {  	[tilespmem:s26], [sflag:$0x4] =	stream.indirect.gather [hbm4b:s1+s20], $0x40, s7, s20, $0xb8;
	[tilespmem:$0x1EA00] =	vst v63  }
0x56: {  	s16 =	simm.s32 $0x200  }
0x57: {  	[tilespmem:s29], [sflag:$0x5] =	stream.indirect.gather [hbm4b:s1+s20], $0x40, s16, s20, $0xb8;
	[tilespmem:$0x1EA00] =	vst v63  }
0x58: {  	s7 =	simm.s32 $0x280  }
0x59: {  	[tilespmem:s31], [sflag:$0x6] =	stream.indirect.gather [hbm4b:s1+s20], $0x40, s7, s20, $0xb8;
	[tilespmem:$0x1EA00] =	vst v63  }
0x5a: {  	s16 =	simm.s32 $0x300  }
0x5b: {  	[tilespmem:s18], [sflag:$0x7] =	stream.indirect.gather [hbm4b:s1+s20], $0x40, s16, s20, $0xb8;
	[tilespmem:$0x1EA00] =	vst v63  }
0x5c: {  	s7 =	simm.s32 $0x380  }
0x5d: {  	[tilespmem:s23], [sflag:$0x8] =	stream.indirect.gather [hbm4b:s1+s20], $0x40, s7, s20, $0xb8;
	[tilespmem:$0x1EA00] =	vst v63  }
0x5e: {  	_ =	swait.ge [sflag:s25], $0x1F40  }
0x5f: {  	[sflag:s25] =	ssyncset.done $0x0  }
0x60: {  	s16 =	simm.s32 $0x2800;
	[sflag:s25] =	ssyncadd.s32 $0xFFFFE0C0  }
0x61: {  	[spmem:s3] =	stream.indirect.scatter.add.bf16 [tilespmem:s19], [sflag:$0x9], $0x40, s16, s20, $0xb8;
	[tilespmem:$0x1EA00] =	vst v63  }
0x62: {  	_ =	swait.ge [sflag:s28], $0x1F40  }
0x63: {  	[sflag:s28] =	ssyncset.done $0x0  }
0x64: {  	s7 =	simm.s32 $0x2880;
	[sflag:s28] =	ssyncadd.s32 $0xFFFFE0C0  }
0x65: {  	[spmem:s3] =	stream.indirect.scatter.add.bf16 [tilespmem:s22], [sflag:$0xA], $0x40, s7, s20, $0xb8;
	[tilespmem:$0x1EA00] =	vst v63  }
0x66: {  	_ =	swait.ge [sflag:s30], $0x1F40  }
0x67: {  	[sflag:s30] =	ssyncset.done $0x0  }
0x68: {  	s16 =	simm.s32 $0x2900;
	[sflag:s30] =	ssyncadd.s32 $0xFFFFE0C0  }
0x69: {  	[spmem:s3] =	stream.indirect.scatter.add.bf16 [tilespmem:s24], [sflag:$0xB], $0x40, s16, s20, $0xb8;
	[tilespmem:$0x1EA00] =	vst v63  }
0x6a: {  	_ =	swait.ge [sflag:s0], $0x1F40  }
0x6b: {  	[sflag:s0] =	ssyncset.done $0x0  }
0x6c: {  	s7 =	simm.s32 $0x2980;
	[sflag:s0] =	ssyncadd.s32 $0xFFFFE0C0  }
0x6d: {  	[spmem:s3] =	stream.indirect.scatter.add.bf16 [tilespmem:s26], [sflag:$0xC], $0x40, s7, s20, $0xb8;
	[tilespmem:$0x1EA00] =	vst v63  }
0x6e: {  	_ =	swait.ge [sflag:s21], $0x1F40  }
0x6f: {  	[sflag:s21] =	ssyncset.done $0x0  }
0x70: {  	s16 =	simm.s32 $0x2A00;
	[sflag:s21] =	ssyncadd.s32 $0xFFFFE0C0  }
0x71: {  	[spmem:s3] =	stream.indirect.scatter.add.bf16 [tilespmem:s29], [sflag:$0xD], $0x40, s16, s20, $0xb8;
	[tilespmem:$0x1EA00] =	vst v63  }
0x72: {  	_ =	swait.ge [sflag:s2], $0x1F40  }
0x73: {  	[sflag:s2] =	ssyncset.done $0x0  }
0x74: {  	s7 =	simm.s32 $0x2A80;
	[sflag:s2] =	ssyncadd.s32 $0xFFFFE0C0  }
0x75: {  	[spmem:s3] =	stream.indirect.scatter.add.bf16 [tilespmem:s31], [sflag:$0xE], $0x40, s7, s20, $0xb8;
	[tilespmem:$0x1EA00] =	vst v63  }
0x76: {  	_ =	swait.ge [sflag:s5], $0x1F40  }
0x77: {  	[sflag:s5] =	ssyncset.done $0x0  }
0x78: {  	s16 =	simm.s32 $0x2B00;
	[sflag:s5] =	ssyncadd.s32 $0xFFFFE0C0  }
0x79: {  	[spmem:s3] =	stream.indirect.scatter.add.bf16 [tilespmem:s18], [sflag:$0xF], $0x40, s16, s20, $0xb8;
	[tilespmem:$0x1EA00] =	vst v63  }
0x7a: {  	_ =	swait.ge [sflag:s6], $0x1F40  }
0x7b: {  	[sflag:s6] =	ssyncset.done $0x0  }
0x7c: {  	s7 =	simm.s32 $0x2B80;
	[sflag:s6] =	ssyncadd.s32 $0xFFFFE0C0  }
0x7d: {  	[spmem:s3] =	stream.indirect.scatter.add.bf16 [tilespmem:s23], [sflag:$0x10], $0x40, s7, s20, $0xb8;
	[tilespmem:$0x1EA00] =	vst v63  }
0x7e: {  	_ =	swait.ge [sflag:s8], $0x1F40  }
0x7f: {  	[sflag:s8] =	ssyncset.done $0x0  }
0x80: {  	s16 =	simm.s32 $0x400;
	[sflag:s8] =	ssyncadd.s32 $0xFFFFE0C0  }
0x81: {  	[tilespmem:s19], [sflag:$0x1] =	stream.indirect.gather [hbm4b:s1+s20], $0x40, s16, s20, $0xb8;
	[tilespmem:$0x1EA00] =	vst v63  }
0x82: {  	_ =	swait.ge [sflag:s9], $0x1F40  }
0x83: {  	[sflag:s9] =	ssyncset.done $0x0  }
0x84: {  	s7 =	simm.s32 $0x480;
	[sflag:s9] =	ssyncadd.s32 $0xFFFFE0C0  }
0x85: {  	[tilespmem:s22], [sflag:$0x2] =	stream.indirect.gather [hbm4b:s1+s20], $0x40, s7, s20, $0xb8;
	[tilespmem:$0x1EA00] =	vst v63  }
0x86: {  	_ =	swait.ge [sflag:s10], $0x1F40  }
0x87: {  	[sflag:s10] =	ssyncset.done $0x0  }
0x88: {  	s16 =	simm.s32 $0x500;
	[sflag:s10] =	ssyncadd.s32 $0xFFFFE0C0  }
0x89: {  	[tilespmem:s24], [sflag:$0x3] =	stream.indirect.gather [hbm4b:s1+s20], $0x40, s16, s20, $0xb8;
	[tilespmem:$0x1EA00] =	vst v63  }
0x8a: {  	_ =	swait.ge [sflag:s11], $0x1F40  }
0x8b: {  	[sflag:s11] =	ssyncset.done $0x0  }
0x8c: {  	s7 =	simm.s32 $0x580;
	[sflag:s11] =	ssyncadd.s32 $0xFFFFE0C0  }
0x8d: {  	[tilespmem:s26], [sflag:$0x4] =	stream.indirect.gather [hbm4b:s1+s20], $0x40, s7, s20, $0xb8;
	[tilespmem:$0x1EA00] =	vst v63  }
0x8e: {  	_ =	swait.ge [sflag:s12], $0x1F40  }
0x8f: {  	[sflag:s12] =	ssyncset.done $0x0  }
0x90: {  	s16 =	simm.s32 $0x600;
	[sflag:s12] =	ssyncadd.s32 $0xFFFFE0C0  }
0x91: {  	[tilespmem:s29], [sflag:$0x5] =	stream.indirect.gather [hbm4b:s1+s20], $0x40, s16, s20, $0xb8;
	[tilespmem:$0x1EA00] =	vst v63  }
0x92: {  	_ =	swait.ge [sflag:s13], $0x1F40  }
0x93: {  	[sflag:s13] =	ssyncset.done $0x0  }
0x94: {  	s7 =	simm.s32 $0x680;
	[sflag:s13] =	ssyncadd.s32 $0xFFFFE0C0  }
0x95: {  	[tilespmem:s31], [sflag:$0x6] =	stream.indirect.gather [hbm4b:s1+s20], $0x40, s7, s20, $0xb8;
	[tilespmem:$0x1EA00] =	vst v63  }
0x96: {  	_ =	swait.ge [sflag:s14], $0x1F40  }
0x97: {  	[sflag:s14] =	ssyncset.done $0x0  }
0x98: {  	s16 =	simm.s32 $0x700;
	[sflag:s14] =	ssyncadd.s32 $0xFFFFE0C0  }
0x99: {  	[tilespmem:s18], [sflag:$0x7] =	stream.indirect.gather [hbm4b:s1+s20], $0x40, s16, s20, $0xb8;
	[tilespmem:$0x1EA00] =	vst v63  }
0x9a: {  	_ =	swait.ge [sflag:s15], $0x1F40  }
0x9b: {  	[sflag:s15] =	ssyncset.done $0x0  }
0x9c: {  	s4 =	simm.s32 $0x1000;
	s7 =	simm.s32 $0x780;
	[sflag:s15] =	ssyncadd.s32 $0xFFFFE0C0  }
.LBB2_4:
0x9d: {  	[tilespmem:s23], [sflag:$0x8] =	stream.indirect.gather [hbm4b:s1+s20], $0x40, s7, s20, $0xb8;
	[tilespmem:$0x1EA00] =	vst v63  }
0x9e: {  	s7 =	smov.u32 s4  }
0x9f: {  	p0 =	sne.s32 s4, $0x8000;
	s4 =	sadd.s32 $0x1000, s4;
	_ =	swait.ge [sflag:s25], $0x1F40  }
0xa0: {  	s7 =	sshra.s32 s7, $0x2;
	[sflag:s25] =	ssyncset.done $0x0  }
0xa1: {  	s16 =	sadd.s32 $0x2800, s7;
	[sflag:s25] =	ssyncadd.s32 $0xFFFFE0C0  }
0xa2: {  	[spmem:s3] =	stream.indirect.scatter.add.bf16 [tilespmem:s19], [sflag:$0x9], $0x40, s16, s20, $0xb8;
	[tilespmem:$0x1EA00] =	vst v63  }
0xa3: {  	_ =	swait.ge [sflag:s28], $0x1F40  }
0xa4: {  	[sflag:s28] =	ssyncset.done $0x0  }
0xa5: {  	s16 =	sadd.s32 $0x2880, s7;
	[sflag:s28] =	ssyncadd.s32 $0xFFFFE0C0  }
0xa6: {  	[spmem:s3] =	stream.indirect.scatter.add.bf16 [tilespmem:s22], [sflag:$0xA], $0x40, s16, s20, $0xb8;
	[tilespmem:$0x1EA00] =	vst v63  }
0xa7: {  	_ =	swait.ge [sflag:s30], $0x1F40  }
0xa8: {  	[sflag:s30] =	ssyncset.done $0x0  }
0xa9: {  	s16 =	sadd.s32 $0x2900, s7;
	[sflag:s30] =	ssyncadd.s32 $0xFFFFE0C0  }
0xaa: {  	[spmem:s3] =	stream.indirect.scatter.add.bf16 [tilespmem:s24], [sflag:$0xB], $0x40, s16, s20, $0xb8;
	[tilespmem:$0x1EA00] =	vst v63  }
0xab: {  	_ =	swait.ge [sflag:s0], $0x1F40  }
0xac: {  	[sflag:s0] =	ssyncset.done $0x0  }
0xad: {  	s16 =	sadd.s32 $0x2980, s7;
	[sflag:s0] =	ssyncadd.s32 $0xFFFFE0C0  }
0xae: {  	[spmem:s3] =	stream.indirect.scatter.add.bf16 [tilespmem:s26], [sflag:$0xC], $0x40, s16, s20, $0xb8;
	[tilespmem:$0x1EA00] =	vst v63  }
0xaf: {  	_ =	swait.ge [sflag:s21], $0x1F40  }
0xb0: {  	[sflag:s21] =	ssyncset.done $0x0  }
0xb1: {  	s16 =	sadd.s32 $0x2A00, s7;
	[sflag:s21] =	ssyncadd.s32 $0xFFFFE0C0  }
0xb2: {  	[spmem:s3] =	stream.indirect.scatter.add.bf16 [tilespmem:s29], [sflag:$0xD], $0x40, s16, s20, $0xb8;
	[tilespmem:$0x1EA00] =	vst v63  }
0xb3: {  	_ =	swait.ge [sflag:s2], $0x1F40  }
0xb4: {  	[sflag:s2] =	ssyncset.done $0x0  }
0xb5: {  	s16 =	sadd.s32 $0x2A80, s7;
	[sflag:s2] =	ssyncadd.s32 $0xFFFFE0C0  }
0xb6: {  	[spmem:s3] =	stream.indirect.scatter.add.bf16 [tilespmem:s31], [sflag:$0xE], $0x40, s16, s20, $0xb8;
	[tilespmem:$0x1EA00] =	vst v63  }
0xb7: {  	_ =	swait.ge [sflag:s5], $0x1F40  }
0xb8: {  	[sflag:s5] =	ssyncset.done $0x0  }
0xb9: {  	s16 =	sadd.s32 $0x2B00, s7;
	[sflag:s5] =	ssyncadd.s32 $0xFFFFE0C0  }
0xba: {  	[spmem:s3] =	stream.indirect.scatter.add.bf16 [tilespmem:s18], [sflag:$0xF], $0x40, s16, s20, $0xb8;
	[tilespmem:$0x1EA00] =	vst v63  }
0xbb: {  	_ =	swait.ge [sflag:s6], $0x1F40  }
0xbc: {  	[sflag:s6] =	ssyncset.done $0x0  }
0xbd: {  	s16 =	sadd.s32 $0x2B80, s7;
	[sflag:s6] =	ssyncadd.s32 $0xFFFFE0C0  }
0xbe: {  	[spmem:s3] =	stream.indirect.scatter.add.bf16 [tilespmem:s23], [sflag:$0x10], $0x40, s16, s20, $0xb8;
	[tilespmem:$0x1EA00] =	vst v63  }
0xbf: {  	_ =	swait.ge [sflag:s8], $0x1F40  }
0xc0: {  	[sflag:s8] =	ssyncset.done $0x0  }
0xc1: {  	s16 =	sadd.s32 $0x400, s7;
	[sflag:s8] =	ssyncadd.s32 $0xFFFFE0C0  }
0xc2: {  	[tilespmem:s19], [sflag:$0x1] =	stream.indirect.gather [hbm4b:s1+s20], $0x40, s16, s20, $0xb8;
	[tilespmem:$0x1EA00] =	vst v63  }
0xc3: {  	_ =	swait.ge [sflag:s9], $0x1F40  }
0xc4: {  	[sflag:s9] =	ssyncset.done $0x0  }
0xc5: {  	s16 =	sadd.s32 $0x480, s7;
	[sflag:s9] =	ssyncadd.s32 $0xFFFFE0C0  }
0xc6: {  	[tilespmem:s22], [sflag:$0x2] =	stream.indirect.gather [hbm4b:s1+s20], $0x40, s16, s20, $0xb8;
	[tilespmem:$0x1EA00] =	vst v63  }
0xc7: {  	_ =	swait.ge [sflag:s10], $0x1F40  }
0xc8: {  	[sflag:s10] =	ssyncset.done $0x0  }
0xc9: {  	s16 =	sadd.s32 $0x500, s7;
	[sflag:s10] =	ssyncadd.s32 $0xFFFFE0C0  }
0xca: {  	[tilespmem:s24], [sflag:$0x3] =	stream.indirect.gather [hbm4b:s1+s20], $0x40, s16, s20, $0xb8;
	[tilespmem:$0x1EA00] =	vst v63  }
0xcb: {  	_ =	swait.ge [sflag:s11], $0x1F40  }
0xcc: {  	[sflag:s11] =	ssyncset.done $0x0  }
0xcd: {  	s16 =	sadd.s32 $0x580, s7;
	[sflag:s11] =	ssyncadd.s32 $0xFFFFE0C0  }
0xce: {  	[tilespmem:s26], [sflag:$0x4] =	stream.indirect.gather [hbm4b:s1+s20], $0x40, s16, s20, $0xb8;
	[tilespmem:$0x1EA00] =	vst v63  }
0xcf: {  	_ =	swait.ge [sflag:s12], $0x1F40  }
0xd0: {  	[sflag:s12] =	ssyncset.done $0x0  }
0xd1: {  	s16 =	sadd.s32 $0x600, s7;
	[sflag:s12] =	ssyncadd.s32 $0xFFFFE0C0  }
0xd2: {  	[tilespmem:s29], [sflag:$0x5] =	stream.indirect.gather [hbm4b:s1+s20], $0x40, s16, s20, $0xb8;
	[tilespmem:$0x1EA00] =	vst v63  }
0xd3: {  	_ =	swait.ge [sflag:s13], $0x1F40  }
0xd4: {  	[sflag:s13] =	ssyncset.done $0x0  }
0xd5: {  	s16 =	sadd.s32 $0x680, s7;
	[sflag:s13] =	ssyncadd.s32 $0xFFFFE0C0  }
0xd6: {  	[tilespmem:s31], [sflag:$0x6] =	stream.indirect.gather [hbm4b:s1+s20], $0x40, s16, s20, $0xb8;
	[tilespmem:$0x1EA00] =	vst v63  }
0xd7: {  	_ =	swait.ge [sflag:s14], $0x1F40  }
0xd8: {  	[sflag:s14] =	ssyncset.done $0x0  }
.Ltmp1:
0xd9: {  	s16 =	sadd.s32 $0x700, s7;
	[sflag:s14] =	ssyncadd.s32 $0xFFFFE0C0;
	(pc) =	sbr.rel @p0 .LBB2_4-.Ltmp1, $4  }
0xda: {  	[tilespmem:s18], [sflag:$0x7] =	stream.indirect.gather [hbm4b:s1+s20], $0x40, s16, s20, $0xb8;
	[tilespmem:$0x1EA00] =	vst v63  }
0xdb: {  	_ =	swait.ge [sflag:s15], $0x1F40  }
0xdc: {  	[sflag:s15] =	ssyncset.done $0x0  }
0xdd: {  	s7 =	sadd.s32 $0x780, s7;
	[sflag:s15] =	ssyncadd.s32 $0xFFFFE0C0  }
0xde: {  	[tilespmem:s23], [sflag:$0x8] =	stream.indirect.gather [hbm4b:s1+s20], $0x40, s7, s20, $0xb8;
	[tilespmem:$0x1EA00] =	vst v63  }
0xdf: {  	_ =	swait.ge [sflag:s25], $0x1F40  }
0xe0: {  	[sflag:s25] =	ssyncset.done $0x0  }
0xe1: {  	s4 =	simm.s32 $0x4C00;
	[sflag:s25] =	ssyncadd.s32 $0xFFFFE0C0  }
0xe2: {  	[spmem:s3] =	stream.indirect.scatter.add.bf16 [tilespmem:s19], [sflag:$0x9], $0x40, s4, s20, $0xb8;
	[tilespmem:$0x1EA00] =	vst v63  }
0xe3: {  	_ =	swait.ge [sflag:s28], $0x1F40  }
0xe4: {  	[sflag:s28] =	ssyncset.done $0x0  }
0xe5: {  	s7 =	simm.s32 $0x4C80;
	[sflag:s28] =	ssyncadd.s32 $0xFFFFE0C0  }
0xe6: {  	[spmem:s3] =	stream.indirect.scatter.add.bf16 [tilespmem:s22], [sflag:$0xA], $0x40, s7, s20, $0xb8;
	[tilespmem:$0x1EA00] =	vst v63  }
0xe7: {  	_ =	swait.ge [sflag:s30], $0x1F40  }
0xe8: {  	[sflag:s30] =	ssyncset.done $0x0  }
0xe9: {  	s16 =	simm.s32 $0x4D00;
	[sflag:s30] =	ssyncadd.s32 $0xFFFFE0C0  }
0xea: {  	[spmem:s3] =	stream.indirect.scatter.add.bf16 [tilespmem:s24], [sflag:$0xB], $0x40, s16, s20, $0xb8;
	[tilespmem:$0x1EA00] =	vst v63  }
0xeb: {  	_ =	swait.ge [sflag:s0], $0x1F40  }
0xec: {  	[sflag:s0] =	ssyncset.done $0x0  }
0xed: {  	s7 =	simm.s32 $0x4D80;
	[sflag:s0] =	ssyncadd.s32 $0xFFFFE0C0  }
0xee: {  	[spmem:s3] =	stream.indirect.scatter.add.bf16 [tilespmem:s26], [sflag:$0xC], $0x40, s7, s20, $0xb8;
	[tilespmem:$0x1EA00] =	vst v63  }
0xef: {  	_ =	swait.ge [sflag:s21], $0x1F40  }
0xf0: {  	[sflag:s21] =	ssyncset.done $0x0  }
0xf1: {  	s16 =	simm.s32 $0x4E00;
	[sflag:s21] =	ssyncadd.s32 $0xFFFFE0C0  }
0xf2: {  	[spmem:s3] =	stream.indirect.scatter.add.bf16 [tilespmem:s29], [sflag:$0xD], $0x40, s16, s20, $0xb8;
	[tilespmem:$0x1EA00] =	vst v63  }
0xf3: {  	_ =	swait.ge [sflag:s2], $0x1F40  }
0xf4: {  	[sflag:s2] =	ssyncset.done $0x0  }
0xf5: {  	s7 =	simm.s32 $0x4E80;
	[sflag:s2] =	ssyncadd.s32 $0xFFFFE0C0  }
0xf6: {  	[spmem:s3] =	stream.indirect.scatter.add.bf16 [tilespmem:s31], [sflag:$0xE], $0x40, s7, s20, $0xb8;
	[tilespmem:$0x1EA00] =	vst v63  }
0xf7: {  	_ =	swait.ge [sflag:s5], $0x1F40  }
0xf8: {  	[sflag:s5] =	ssyncset.done $0x0  }
0xf9: {  	s16 =	simm.s32 $0x4F00;
	[sflag:s5] =	ssyncadd.s32 $0xFFFFE0C0  }
0xfa: {  	[spmem:s3] =	stream.indirect.scatter.add.bf16 [tilespmem:s18], [sflag:$0xF], $0x40, s16, s20, $0xb8;
	[tilespmem:$0x1EA00] =	vst v63  }
0xfb: {  	_ =	swait.ge [sflag:s6], $0x1F40  }
0xfc: {  	[sflag:s6] =	ssyncset.done $0x0  }
0xfd: {  	s7 =	simm.s32 $0x4F80;
	[sflag:s6] =	ssyncadd.s32 $0xFFFFE0C0  }
0xfe: {  	[spmem:s3] =	stream.indirect.scatter.add.bf16 [tilespmem:s23], [sflag:$0x10], $0x40, s7, s20, $0xb8;
	[tilespmem:$0x1EA00] =	vst v63  }
0xff: {  	_ =	swait.ge [sflag:s8], $0x1F40  }
0x100: {  	[sflag:s8] =	ssyncset.done $0x0  }
0x101: {  	[sflag:s8] =	ssyncadd.s32 $0xFFFFE0C0  }
0x102: {  	_ =	swait.ge [sflag:s9], $0x1F40  }
0x103: {  	[sflag:s9] =	ssyncset.done $0x0  }
0x104: {  	[sflag:s9] =	ssyncadd.s32 $0xFFFFE0C0  }
0x105: {  	_ =	swait.ge [sflag:s10], $0x1F40  }
0x106: {  	[sflag:s10] =	ssyncset.done $0x0  }
0x107: {  	[sflag:s10] =	ssyncadd.s32 $0xFFFFE0C0  }
0x108: {  	_ =	swait.ge [sflag:s11], $0x1F40  }
0x109: {  	[sflag:s11] =	ssyncset.done $0x0  }
0x10a: {  	[sflag:s11] =	ssyncadd.s32 $0xFFFFE0C0  }
0x10b: {  	_ =	swait.ge [sflag:s12], $0x1F40  }
0x10c: {  	[sflag:s12] =	ssyncset.done $0x0  }
0x10d: {  	[sflag:s12] =	ssyncadd.s32 $0xFFFFE0C0  }
0x10e: {  	_ =	swait.ge [sflag:s13], $0x1F40  }
0x10f: {  	[sflag:s13] =	ssyncset.done $0x0  }
0x110: {  	[sflag:s13] =	ssyncadd.s32 $0xFFFFE0C0  }
0x111: {  	_ =	swait.ge [sflag:s14], $0x1F40  }
0x112: {  	[sflag:s14] =	ssyncset.done $0x0  }
0x113: {  	[sflag:s14] =	ssyncadd.s32 $0xFFFFE0C0  }
0x114: {  	_ =	swait.ge [sflag:s15], $0x1F40  }
0x115: {  	[sflag:s15] =	ssyncset.done $0x0  }
0x116: {  	s16 =	stileid.u32;
	[sflag:s15] =	ssyncadd.s32 $0xFFFFE0C0  }
0x117: {  	s4 =	sshll.u32 s16, $0x6;
	[bflag:$0x0] =	sbarrier.arrive $0xFFFF  }
0x118: {  	s17 =	sshrl.u32 s17, $0x3;
	s4 =	sor.u32 $0x1C11, s4;
	s16 =	rddreg [dreg:$0xe]  }
0x119: {  	[hbm:s16], [sflag:s4] =	dma.local [spmem:s17], $0x1400  }
0x11a: {  	s16 =	simm.s32 $0x11  }
0x11b: {  	_ =	swait.ge [sflag:s16], $0x1400  }
0x11c: {  	s4 =	rddreg [dreg:$0x10]  }
0x11d: {  	s17 =	rddreg [dreg:$0xf];
	s7 =	sadd.s32 $0x1, s4  }
0x11e: {  	p0 =	sne.s32 s7, s17  }
.Ltmp2:
0x11f: {  	_ = 	snop;
	(pc) =	sbr.rel @p0 .LBB2_1-.Ltmp2, $3  }
0x120: {  	_ =	sdelay $0x1  }
0x121: {  	[sflag:s16] =	ssyncset.done $0x0  }
0x122: {  	[sflag:s16] =	ssyncadd.s32 $0xFFFFEC00  }
0x123: {  	_ =	sfence.sel $0x180000  }
0x124: {  	[bflag:$0x0] =	sbarrier.arrive $0xFFFF  }
0x125: {  	_ =	strace $0x90000047  }
0x126: {  	s0 =	stileid.u32;
	[bflag:$0x2] =	sbarrier.arrive $0xFFFF  }
0x127: {  	p0 =	sne.s32 s0, $0x0;
	s0 =	rddreg [dreg:$0x3]  }
0x128: {  	s0 =	sadd.s32 @!p0 $0x100000, s0  }
0x129: {  	[sflag:s0] =	ssyncadd.tile.s32 @!p0 $0x1;
	_ =	shalt  }
.Lfunc_end2:
_tile_overlayer_lowered:
.L_overlay_start_2:
0x12a: {  	(tag) =	ssettag $0x2  }
0x12b: {  	s0 =	rddreg [dreg:$0x0];
	s2 =	stileid.u32  }
0x12c: {  	s1 =	rddreg [dreg:$0x1];
	p0 =	sne.s32 s2, $0x0  }
0x12d: {  	s3 =	rddreg [dreg:$0x2];
	[bflag:$0x3] =	sbarrier.arrive $0xFFFF;
	s2 =	simm.s32 @!p0 $0x1C11  }
0x12e: {  	[timem:s3], [sflag:s2] =	dma.local @!p0 [hbm:s0], s1  }
0x12f: {  	s0 =	simm.s32 @!p0 $0x11  }
0x130: {  	_ =	swait.ge @!p0 [sflag:s0], s1  }
0x131: {  	s1 =	ssub.s32 @!p0 $0x0, s1;
	[sflag:s0] =	ssyncset.done @!p0 $0x0  }
0x132: {  	[sflag:s0] =	ssyncadd.s32 @!p0 s1  }
0x133: {  	[bflag:$0x3] =	sbarrier.arrive $0xFFFF  }
0x134: {  	_ =	shalt  }

// kernel: kernel.13.cloned.1.call-start
scs
__scs_entry_jumppad:
0x0: {  	(pc) =	sbr.rel $0x88, $3  }
0x1: {  	(tag) =	ssettag $0x0;
	lr =	simm.s32 $0x1  }
0x2: {  	[smem:$0x3F9C] =	sst lr;
	_ =	strace $0xD0000000  }
0x3: {  	_ = 	snop  }
0x4: {  	_ = 	snop  }
0x5: {  	_ = 	snop  }
0x6: {  	_ = 	snop  }
0x7: {  	_ = 	snop  }
__scs_overlays_trampoline_lowered:
0x8: {  	[smem:$0x3FAB] =	sst s0  }
0x9: {  	[smem:$0x3FAC] =	sst s1  }
0xa: {  	[smem:$0x3FAD] =	sst s2  }
0xb: {  	[smem:$0x3FAE] =	sst s3  }
0xc: {  	[smem:$0x3FAF] =	sst s4  }
0xd: {  	[smem:$0x3FB0] =	sst s5  }
0xe: {  	[smem:$0x3FB1] =	sst s6  }
0xf: {  	[smem:$0x3FB2] =	sst s7  }
0x10: {  	[smem:$0x3FB3] =	sst s8  }
0x11: {  	[smem:$0x3FB4] =	sst s9;
	s0 =	simm.s32 @!p0 $0x0  }
0x12: {  	s1 =	sld [smem:$0x3F9A];
	s0 =	simm.s32 @p0 $0x1  }
0x13: {  	[smem:$0x3FB5] =	sst s0;
	s0 =	simm.s32 @!p1 $0x0  }
0x14: {  	s2 =	sld [smem:$0x3F99];
	s0 =	simm.s32 @p1 $0x1  }
0x15: {  	[smem:$0x3FB6] =	sst s0;
	s0 =	simm.s32 @!p2 $0x0  }
0x16: {  	s3 =	sld [smem:$0x3FDB];
	s0 =	simm.s32 @p2 $0x1  }
0x17: {  	s4 =	simm.s32 $0x1BF5;
	[smem:$0x3FB8] =	sst s0  }
0x18: {  	s0 =	sld [smem:$0x3F9B];
	_ =	swait.ge [sflag:s4], $0x0  }
0x19: {  	s7 =	sld [smem:$0x3F9C]  }
0x1a: {  	s8 =	sadd.s32 $0xFFFFE003, lr  }
0x1b: {  	s9 =	sadd.s32 $0xFFFFFEF7, lr;
	s5 =	simm.s32 $0xFFFFFFFF;
	p2 =	slt.u32 s8, $0xFFFFF086  }
0x1c: {  	p1 =	slt.u32 s9, $0xF7A;
	s5 =	simm.s32 @!p2 $0x0  }
0x1d: {  	s5 =	simm.s32 @p1 $0x1;
	p0 =	seq.s32 s7, s2  }
0x1e: {  	s7 =	smul.u32 @!p0 $0xF7A, s2;
	p2 =	seq.s32 @!p0 s5, $0x0  }
0x1f: {  	s9 =	smul.u32 $0xF7A, s1;
	s8 =	simm.s32 @!p0 $0x1BF5;
	p2 =	por !p2, p0  }
0x20: {  	[sflag:s8] =	ssyncset.s32 @!p0 $0xFFFFF086;
	s6 =	sadd.s32 @!p0 s3, s7;
	s7 =	simm.s32 @!p0 $0x108  }
0x21: {  	s3 =	sadd.s32 s3, s9;
	s6 =	sadd.s32 @!p0 $0x88, s6;
	s7 =	simm.s32 @p2 $0x1082  }
0x22: {  	[simem:s7], [sflag:s8] =	dma.local @!p0 [hbm:s6], $0xF7A  }
0x23: {  	s9 =	sor.u32 $0xD0000000, s2;
	s6 =	simm.s32 $0x108;
	_ =	swait.ge @!p0 [sflag:s8], $0x0  }
0x24: {  	s3 =	sadd.s32 $0x88, s3;
	s6 =	simm.s32 @!p1 $0x1082;
	[sflag:s4] =	ssyncset.s32 $0xFFFFF086  }
0x25: {  	[simem:s6], [sflag:s4] =	dma.local [hbm:s3], $0xF7A  }
0x26: {  	[smem:$0x3F9C] =	sst s1;
	(tag) =	ssettag s2;
	_ =	strace s9  }
0x27: {  	s1 =	sld [smem:$0x3FAC]  }
0x28: {  	s2 =	sld [smem:$0x3FAD]  }
0x29: {  	s4 =	sld [smem:$0x3FAF]  }
0x2a: {  	p0 =	seq.s32 s5, $0x0;
	s5 =	sld [smem:$0x3FB0]  }
0x2b: {  	s6 =	sld [smem:$0x3FB1]  }
0x2c: {  	s7 =	sld [smem:$0x3FB2]  }
0x2d: {  	s3 =	simm.s32 $0x108;
	s8 =	sld [smem:$0x3FB3]  }
0x2e: {  	s3 =	simm.s32 @!p0 $0x1082;
	s9 =	sld [smem:$0x3FB4]  }
0x2f: {  	lr =	sadd.s32 s0, s3;
	s0 =	sld [smem:$0x3FAB]  }
0x30: {  	s3 =	sld [smem:$0x3FAE]  }
0x31: {  	[smem:$0x3FB7] =	sst s10  }
0x32: {  	s10 =	sld [smem:$0x3FB5];
	_ =	sdelay $0x3  }
0x33: {  	p0 =	seq.s32 s10, $0x1;
	s10 =	sld [smem:$0x3FB7];
	_ =	sdelay $0x3  }
0x34: {  	[smem:$0x3FB7] =	sst s10  }
0x35: {  	s10 =	sld [smem:$0x3FB6];
	_ =	sdelay $0x3  }
0x36: {  	p1 =	seq.s32 s10, $0x1;
	s10 =	sld [smem:$0x3FB7];
	_ =	sdelay $0x3  }
0x37: {  	[smem:$0x3FB7] =	sst s10  }
0x38: {  	s10 =	sld [smem:$0x3FB8]  }
0x39: {  	_ = 	snop;
	(pc) =	sbr.ind lr, $3  }
0x3a: {  	_ = 	snop  }
0x3b: {  	_ = 	snop  }
0x3c: {  	p2 =	seq.s32 s10, $0x1;
	s10 =	sld [smem:$0x3FB7]  }
0x3d: {  	_ =	shalt  }
0x3e: {  	_ =	shalt  }
0x3f: {  	_ =	shalt  }
0x40: {  	_ =	shalt  }
0x41: {  	_ =	shalt  }
0x42: {  	_ =	shalt  }
0x43: {  	_ =	shalt  }
0x44: {  	_ =	shalt  }
0x45: {  	_ =	shalt  }
0x46: {  	_ =	shalt  }
0x47: {  	_ =	shalt  }
0x48: {  	_ =	shalt  }
0x49: {  	_ =	shalt  }
0x4a: {  	_ =	shalt  }
0x4b: {  	_ =	shalt  }
0x4c: {  	_ =	shalt  }
0x4d: {  	_ =	shalt  }
0x4e: {  	_ =	shalt  }
0x4f: {  	_ =	shalt  }
0x50: {  	_ =	shalt  }
0x51: {  	_ =	shalt  }
0x52: {  	_ =	shalt  }
0x53: {  	_ =	shalt  }
0x54: {  	_ =	shalt  }
0x55: {  	_ =	shalt  }
0x56: {  	_ =	shalt  }
0x57: {  	_ =	shalt  }
0x58: {  	_ =	shalt  }
0x59: {  	_ =	shalt  }
0x5a: {  	_ =	shalt  }
0x5b: {  	_ =	shalt  }
0x5c: {  	_ =	shalt  }
0x5d: {  	_ =	shalt  }
0x5e: {  	_ =	shalt  }
0x5f: {  	_ =	shalt  }
0x60: {  	_ =	shalt  }
0x61: {  	_ =	shalt  }
0x62: {  	_ =	shalt  }
0x63: {  	_ =	shalt  }
0x64: {  	_ =	shalt  }
0x65: {  	_ =	shalt  }
0x66: {  	_ =	shalt  }
0x67: {  	_ =	shalt  }
0x68: {  	_ =	shalt  }
0x69: {  	_ =	shalt  }
0x6a: {  	_ =	shalt  }
0x6b: {  	_ =	shalt  }
0x6c: {  	_ =	shalt  }
0x6d: {  	_ =	shalt  }
0x6e: {  	_ =	shalt  }
0x6f: {  	_ =	shalt  }
0x70: {  	_ =	shalt  }
0x71: {  	_ =	shalt  }
0x72: {  	_ =	shalt  }
0x73: {  	_ =	shalt  }
0x74: {  	_ =	shalt  }
0x75: {  	_ =	shalt  }
0x76: {  	_ =	shalt  }
0x77: {  	_ =	shalt  }
0x78: {  	_ =	shalt  }
0x79: {  	_ =	shalt  }
0x7a: {  	_ =	shalt  }
0x7b: {  	_ =	shalt  }
0x7c: {  	_ =	shalt  }
0x7d: {  	_ =	shalt  }
0x7e: {  	_ =	shalt  }
0x7f: {  	_ =	shalt  }
0x80: {  	_ =	shalt  }
0x81: {  	_ =	shalt  }
0x82: {  	_ =	shalt  }
0x83: {  	_ =	shalt  }
0x84: {  	_ =	shalt  }
0x85: {  	_ =	shalt  }
0x86: {  	_ =	shalt  }
0x87: {  	_ =	shalt  }
.Lfunc_end0:
.L_simem_size_0:
called_computation.2_lowered:
.L_overlay_start_0:
0x88: {  	s2 =	sld [smem:$0x3FD9]  }
0x89: {  	s3 =	sld [smem:$0x3FFE];
	_ =	sdelay $0x1  }
0x8a: {  	s1 =	srdreg.scid  }
0x8b: {  	s0 =	sand.u32 $0x1, s1  }
0x8c: {  	s17 =	sshll.u32 s0, $0xA;
	s2 =	sadd.s32 s3, s2  }
0x8d: {  	s2 =	sadd.s32 s2, s17  }
0x8e: {  	[smem:$0x3FC3] =	sst s2  }
0x8f: {  	_ = 	snop  }
0x90: {  	s2 =	sld [smem:$0x3FD0];
	(tm) =	ssettm $0x1  }
0x91: {  	s18 =	sld [smem:$0x3FFB];
	_ =	sdelay $0x3  }
0x92: {  	_ =	strace s18  }
0x93: {  	s3 =	sld [smem:$0x3FFC];
	_ =	sdelay $0x3  }
0x94: {  	_ =	strace s3  }
0x95: {  	s3 =	sld [smem:$0x3FFD];
	_ =	sdelay $0x3  }
0x96: {  	_ =	strace s3  }
0x97: {  	_ =	strace $0x8FFFFFFF  }
0x98: {  	s19 =	sld [smem:$0x3FDB];
	_ =	sdelay $0x1  }
0x99: {  	s4 =	simm.s32 $_scs_section_size  }
0x9a: {  	s5 =	simm.s32 $_size__tile_overlayer_lowered;
	s6 =	simm.s32 $_tile_overlayer_lowered  }
0x9b: {  	s22 =	simm.s32 $0x1BFF;
	s21 =	sshll.u32 s6, $0x1;
	s3 =	sadd.s32 s4, s19  }
0x9c: {  	s7 =	simm.s32 $0x0;
	s20 =	sshll.u32 s5, $0x1;
	s5 =	sadd.s32 s21, s3  }
0x9d: {  	[timem:s7], [sflag:s22] =	dma.local [hbm:s5], s20  }
0x9e: {  	_ =	swait.ge [sflag:s22], s20  }
0x9f: {  	s4 =	ssub.s32 $0x0, s20;
	[sflag:s22] =	ssyncset.done $0x0  }
0xa0: {  	[sflag:s22] =	ssyncadd.s32 s4;
	_ =	sdelay $0x1  }
0xa1: {  	s23 =	simm.s32 $0x1B8B  }
0xa2: {  	_ =	swait.ge [sflag:s23], $0x1  }
0xa3: {  	[sflag:s23] =	ssyncset.done $0x0  }
0xa4: {  	s25 =	simm.s32 $0x1B8E;
	s24 =	sld [smem:$0x3FFE];
	[sflag:s23] =	ssyncadd.s32 $0xFFFFFFFF  }
0xa5: {  	s26 =	simm.s32 $execute0_lowered;
	[smem:$0x3FD2] =	sst s25  }
0xa6: {  	s5 =	sshll.u32 s26, $0x1;
	_ =	strace $0x8000004C;
	[dreg:$0x1] =	wrdreg $0xFFFFFFFF  }
0xa7: {  	s28 =	simm.s32 $_size_execute0_lowered;
	s3 =	sadd.s32 s3, s5;
	[dreg:$0x0] =	wrdreg $0x0  }
0xa8: {  	s5 =	sshll.u32 s28, $0x1;
	[dreg:$0x2] =	wrdreg s3  }
0xa9: {  	[dreg:$0x3] =	wrdreg s5  }
0xaa: {  	[dreg:$0x4] =	wrdreg $0xC0  }
0xab: {  	_ =	task [dreg:s7], $0x5FFFF  }
0xac: {  	[dreg:$0x1] =	wrdreg $0xFFFFFFFF  }
0xad: {  	[dreg:$0x0] =	wrdreg $0x60  }
0xae: {  	[dreg:$0x2] =	wrdreg s2  }
0xaf: {  	[dreg:$0x3] =	wrdreg s24  }
0xb0: {  	[dreg:$0x4] =	wrdreg $0x14A000  }
0xb1: {  	[dreg:$0x5] =	wrdreg $0x9  }
0xb2: {  	_ =	task.clear_ibuf [dreg:s7], $0x6FFFF;
	_ =	strace $0x9000004C  }
0xb3: {  	s29 =	simm.s32 $0x9;
	_ =	strace $0x8000004E  }
0xb4: {  	_ =	swait.ge [sflag:s29], $0x1  }
0xb5: {  	[sflag:s29] =	ssyncadd.s32 $0xFFFFFFFF  }
0xb6: {  	_ =	strace $0x9000004E  }
0xb7: {  	_ =	sfence  }
0xb8: {  	s30 =	sld [smem:$0x0];
	_ =	sdelay $0x2  }
0xb9: {  	s31 =	sshll.u32 s1, $0xD;
	s1 =	sshrl.u32 s1, $0x2  }
0xba: {  	s3 =	sand.u32 $0x4000, s31;
	s1 =	sadd.s32 s1, s30  }
0xbb: {  	s0 =	sor.u32 s3, s0;
	s1 =	sshll.u32 s1, $0x11  }
0xbc: {  	s0 =	sor.u32 s1, s0  }
0xbd: {  	s0 =	sadd.s32 $0x8F2B, s0  }
0xbe: {  	[sflag:s0] =	ssyncadd.remote.s32 $0x1  }
0xbf: {  	_ =	sfence.sel $0xFFFF  }
0xc0: {  	[dreg:$0x0] =	wrdreg $0xFFFFFFFF;
	(pc) =	sbr.abs _section_cstart, $3  }
0xc1: {  	[dreg:$0x1] =	wrdreg $0xFFFFFFFF  }
0xc2: {  	_ =	task.clear_ibuf [dreg:s7], $0x2FFFF;
	_ =	strace $0x9FFFFFFF  }
0xc3: {  	(tm) =	ssettm $0x7FFFFFFF  }
tec
execute0_lowered:
.L_overlay_start_1:
0x0: {  	(tag) =	ssettag $0x1  }
0x1: {  	s1 =	rddreg [dreg:$0x0]  }
0x2: {  	s0 =	rddreg [dreg:$0x1]  }
0x3: {  	s3 =	rddreg [dreg:$0x2];
	s6 =	simm.s32 $0x0  }
0x4: {  	s2 =	srdreg.scid;
	s7 =	stileid.u32;
	s29 =	simm.s32 $0xCD00  }
0x5: {  	s31 =	simm.s32 $0xEC40;
	s28 =	simm.s32 $0x2;
	s30 =	simm.s32 $0x3  }
0x6: {  	s9 =	simm.s32 $0xA;
	s10 =	simm.s32 $0xB;
	s11 =	simm.s32 $0xC  }
0x7: {  	s12 =	simm.s32 $0xD;
	s13 =	simm.s32 $0xE;
	s14 =	simm.s32 $0xF  }
0x8: {  	s15 =	simm.s32 $0x10;
	s2 =	sand.u32 $0x1, s2;
	s5 =	smul.u32 $0x14000, s7  }
0x9: {  	s4 =	sshll.u32 s7, $0x1;
	[smem:$0x7FF] =	sst s6;
	s7 =	smul.u32 $0x28000, s7  }
0xa: {  	s4 =	sor.u32 s2, s4;
	s16 =	smul.u32 $0x140000, s2;
	s2 =	ssub.s32 $0x2, s2  }
0xb: {  	_ =	strace $0x8000004D;
	s4 =	smul.u32 $0x500, s4;
	s8 =	sshrl.u32 s2, $0x1  }
0xc: {  	s17 =	sshrl.u32 s7, $0x2;
	s6 =	sadd.s32 s5, s16;
	s2 =	ssub.s32 s2, s8  }
0xd: {  	s5 =	sshrl.u32 s5, $0x1;
	s4 =	sadd.s32 s4, s0;
	s26 =	smax.u32 s2, $0x1  }
0xe: {  	s6 =	sshrl.u32 s6, $0x4;
	s18 =	sadd.s32 $0x15600, s4;
	[dreg:$0xf] =	wrdreg s26  }
0xf: {  	s0 =	sadd.s32 s6, s0;
	s4 =	sadd.s32 $0x1F600, s4;
	[dreg:$0x4] =	wrdreg s18  }
0x10: {  	s6 =	sadd.s32 s17, s3;
	s17 =	sadd.s32 s5, s3;
	[dreg:$0x5] =	wrdreg s4  }
0x11: {  	s7 =	simm.s32 $0x0;
	s19 =	sadd.s32 $0x1400, s6;
	[dreg:$0x6] =	wrdreg s17  }
0x12: {  	s16 =	simm.s32 $0x11;
	s20 =	sadd.s32 $0x2800, s6;
	[dreg:$0x7] =	wrdreg s19  }
0x13: {  	s8 =	simm.s32 $0x9;
	s21 =	sadd.s32 $0x3C00, s6;
	[dreg:$0x8] =	wrdreg s20  }
0x14: {  	s2 =	simm.s32 $0x6;
	s22 =	sadd.s32 $0x5000, s6;
	[dreg:$0x9] =	wrdreg s21  }
0x15: {  	s26 =	simm.s32 $0xADC0;
	s23 =	sadd.s32 $0x6400, s6;
	[dreg:$0xa] =	wrdreg s22  }
0x16: {  	s5 =	simm.s32 $0x7;
	s24 =	sadd.s32 $0x7800, s6;
	[dreg:$0xb] =	wrdreg s23  }
0x17: {  	s25 =	sadd.s32 $0x8C00, s6;
	s0 =	sadd.s32 $0x29600, s0;
	[dreg:$0xc] =	wrdreg s24  }
0x18: {  	s18 =	simm.s32 $0x10B80;
	s6 =	simm.s32 $0x8;
	[dreg:$0xd] =	wrdreg s25  }
0x19: {  	[dreg:$0xe] =	wrdreg s0;
	s19 =	simm.s32 $0x5000;
	s20 =	simm.s32 $0x7D  }
0x1a: {  	s22 =	simm.s32 $0x6F40;
	s24 =	simm.s32 $0x8E80;
	s23 =	simm.s32 $0x12AC0  }
0x1b: {  	v0 =	vimm.bf16 $0.0e+00;
	s25 =	simm.s32 $0x1;
	s0 =	simm.s32 $0x4;
	s21 =	simm.s32 $0x5  }
.LBB2_1:
0x1c: {  	[dreg:$0x10] =	wrdreg s7  }
0x1d: {  	s7 =	simm.s32 $0x0;
	s4 =	rddreg [dreg:$0x4]  }
0x1e: {  	[tilespmem:s7], [sflag:$0x11] =	stream.linear.gather [hbm4b:s4+s7], $0x2800, $0x38;
	[tilespmem:$0x1EA00] =	vst v63  }
0x1f: {  	_ =	swait.ge [sflag:s16], $0x2800  }
0x20: {  	[sflag:s16] =	ssyncset.done $0x0  }
0x21: {  	s17 =	simm.s32 $0x2800;
	s4 =	rddreg [dreg:$0x5];
	[sflag:s16] =	ssyncadd.s32 $0xFFFFD800  }
0x22: {  	[tilespmem:s17], [sflag:$0x11] =	stream.linear.gather [hbm4b:s4+s7], $0x2800, $0x38;
	[tilespmem:$0x1EA00] =	vst v63  }
0x23: {  	s17 =	sand.u32 $0x7F00, s7;
	s7 =	sand.u32 $0x60, s7;
	_ =	swait.ge [sflag:s16], $0x2800  }
0x24: {  	s4 =	sshrl.u32 s17, $0x2;
	s7 =	sshrl.u32 s7, $0x1;
	[sflag:s16] =	ssyncset.done $0x0  }
0x25: {  	s7 =	sor.u32 s7, s4;
	[sflag:s16] =	ssyncadd.s32 $0xFFFFD800  }
0x26: {  	s4 =	simm.s32 $0x40;
	[tilespmem:s7+$0x5000] =	vst v0;
	s7 =	simm.s32 $0x0  }
.LBB2_2:
0x27: {  	p0 =	sne.s32 s4, $0x7CC0  }
.Ltmp0:
0x28: {  	s16 =	sand.u32 $0x7F00, s4;
	s7 =	sadd.s32 $0x20, s7;
	(pc) =	sbr.rel @p0 .LBB2_2-.Ltmp0, $4  }
0x29: {  	s4 =	sadd.s32 $0x40, s4;
	s17 =	sand.u32 $0x60, s7  }
0x2a: {  	s16 =	sshrl.u32 s16, $0x2;
	s17 =	sshrl.u32 s17, $0x1  }
0x2b: {  	s16 =	sor.u32 s17, s16  }
0x2c: {  	[tilespmem:s16+$0x5000] =	vst v0  }
0x2d: {  	s17 =	rddreg [dreg:$0x6];
	s7 =	simm.s32 $0x11  }
0x2e: {  	[spmem:s17] =	stream.linear.scatter [tilespmem:s19], [sflag:$0x11], $0x1400, $0x38;
	[tilespmem:$0x1EA00] =	vst v63  }
0x2f: {  	_ =	swait.ge [sflag:s7], $0x1400  }
0x30: {  	[sflag:s7] =	ssyncset.done $0x0  }
0x31: {  	s4 =	rddreg [dreg:$0x7];
	[sflag:s7] =	ssyncadd.s32 $0xFFFFEC00  }
0x32: {  	[spmem:s4] =	stream.linear.scatter [tilespmem:s19], [sflag:$0x11], $0x1400, $0x38;
	[tilespmem:$0x1EA00] =	vst v63  }
0x33: {  	_ =	swait.ge [sflag:s7], $0x1400  }
0x34: {  	[sflag:s7] =	ssyncset.done $0x0  }
0x35: {  	s16 =	rddreg [dreg:$0x8];
	[sflag:s7] =	ssyncadd.s32 $0xFFFFEC00  }
0x36: {  	[spmem:s16] =	stream.linear.scatter [tilespmem:s19], [sflag:$0x11], $0x1400, $0x38;
	[tilespmem:$0x1EA00] =	vst v63  }
0x37: {  	_ =	swait.ge [sflag:s7], $0x1400  }
0x38: {  	[sflag:s7] =	ssyncset.done $0x0  }
0x39: {  	s16 =	rddreg [dreg:$0x9];
	[sflag:s7] =	ssyncadd.s32 $0xFFFFEC00  }
0x3a: {  	[spmem:s16] =	stream.linear.scatter [tilespmem:s19], [sflag:$0x11], $0x1400, $0x38;
	[tilespmem:$0x1EA00] =	vst v63  }
0x3b: {  	_ =	swait.ge [sflag:s7], $0x1400  }
0x3c: {  	[sflag:s7] =	ssyncset.done $0x0  }
0x3d: {  	s16 =	rddreg [dreg:$0xa];
	[sflag:s7] =	ssyncadd.s32 $0xFFFFEC00  }
0x3e: {  	[spmem:s16] =	stream.linear.scatter [tilespmem:s19], [sflag:$0x11], $0x1400, $0x38;
	[tilespmem:$0x1EA00] =	vst v63  }
0x3f: {  	_ =	swait.ge [sflag:s7], $0x1400  }
0x40: {  	[sflag:s7] =	ssyncset.done $0x0  }
0x41: {  	s16 =	rddreg [dreg:$0xb];
	[sflag:s7] =	ssyncadd.s32 $0xFFFFEC00  }
0x42: {  	[spmem:s16] =	stream.linear.scatter [tilespmem:s19], [sflag:$0x11], $0x1400, $0x38;
	[tilespmem:$0x1EA00] =	vst v63  }
0x43: {  	_ =	swait.ge [sflag:s7], $0x1400  }
0x44: {  	[sflag:s7] =	ssyncset.done $0x0  }
0x45: {  	s16 =	rddreg [dreg:$0xc];
	[sflag:s7] =	ssyncadd.s32 $0xFFFFEC00  }
0x46: {  	[spmem:s16] =	stream.linear.scatter [tilespmem:s19], [sflag:$0x11], $0x1400, $0x38;
	[tilespmem:$0x1EA00] =	vst v63  }
0x47: {  	_ =	swait.ge [sflag:s7], $0x1400  }
0x48: {  	[sflag:s7] =	ssyncset.done $0x0  }
0x49: {  	s16 =	rddreg [dreg:$0xd];
	[sflag:s7] =	ssyncadd.s32 $0xFFFFEC00  }
0x4a: {  	[spmem:s16] =	stream.linear.scatter [tilespmem:s19], [sflag:$0x11], $0x1400, $0x38;
	[tilespmem:$0x1EA00] =	vst v63  }
0x4b: {  	_ =	swait.ge [sflag:s7], $0x1400  }
0x4c: {  	[sflag:s7] =	ssyncset.done $0x0  }
0x4d: {  	[sflag:s7] =	ssyncadd.s32 $0xFFFFEC00  }
0x4e: {  	s16 =	simm.s32 $0x0;
	[bflag:$0x0] =	sbarrier.arrive $0xFFFF  }
0x4f: {  	[tilespmem:s19], [sflag:$0x1] =	stream.indirect.gather [hbm4b:s1+s20], $0x40, s16, s20, $0xb8;
	[tilespmem:$0x1EA00] =	vst v63  }
0x50: {  	s7 =	simm.s32 $0x80  }
0x51: {  	[tilespmem:s22], [sflag:$0x2] =	stream.indirect.gather [hbm4b:s1+s20], $0x40, s7, s20, $0xb8;
	[tilespmem:$0x1EA00] =	vst v63  }
0x52: {  	s16 =	simm.s32 $0x100  }
0x53: {  	[tilespmem:s24], [sflag:$0x3] =	stream.indirect.gather [hbm4b:s1+s20], $0x40, s16, s20, $0xb8;
	[tilespmem:$0x1EA00] =	vst v63  }
0x54: {  	s7 =	simm.s32 $0x180  }
0x55: {  	[tilespmem:s26], [sflag:$0x4] =	stream.indirect.gather [hbm4b:s1+s20], $0x40, s7, s20, $0xb8;
	[tilespmem:$0x1EA00] =	vst v63  }
0x56: {  	s16 =	simm.s32 $0x200  }
0x57: {  	[tilespmem:s29], [sflag:$0x5] =	stream.indirect.gather [hbm4b:s1+s20], $0x40, s16, s20, $0xb8;
	[tilespmem:$0x1EA00] =	vst v63  }
0x58: {  	s7 =	simm.s32 $0x280  }
0x59: {  	[tilespmem:s31], [sflag:$0x6] =	stream.indirect.gather [hbm4b:s1+s20], $0x40, s7, s20, $0xb8;
	[tilespmem:$0x1EA00] =	vst v63  }
0x5a: {  	s16 =	simm.s32 $0x300  }
0x5b: {  	[tilespmem:s18], [sflag:$0x7] =	stream.indirect.gather [hbm4b:s1+s20], $0x40, s16, s20, $0xb8;
	[tilespmem:$0x1EA00] =	vst v63  }
0x5c: {  	s7 =	simm.s32 $0x380  }
0x5d: {  	[tilespmem:s23], [sflag:$0x8] =	stream.indirect.gather [hbm4b:s1+s20], $0x40, s7, s20, $0xb8;
	[tilespmem:$0x1EA00] =	vst v63  }
0x5e: {  	_ =	swait.ge [sflag:s25], $0x1F40  }
0x5f: {  	[sflag:s25] =	ssyncset.done $0x0  }
0x60: {  	s16 =	simm.s32 $0x2800;
	[sflag:s25] =	ssyncadd.s32 $0xFFFFE0C0  }
0x61: {  	[spmem:s3] =	stream.indirect.scatter.add.bf16 [tilespmem:s19], [sflag:$0x9], $0x40, s16, s20, $0xb8;
	[tilespmem:$0x1EA00] =	vst v63  }
0x62: {  	_ =	swait.ge [sflag:s28], $0x1F40  }
0x63: {  	[sflag:s28] =	ssyncset.done $0x0  }
0x64: {  	s7 =	simm.s32 $0x2880;
	[sflag:s28] =	ssyncadd.s32 $0xFFFFE0C0  }
0x65: {  	[spmem:s3] =	stream.indirect.scatter.add.bf16 [tilespmem:s22], [sflag:$0xA], $0x40, s7, s20, $0xb8;
	[tilespmem:$0x1EA00] =	vst v63  }
0x66: {  	_ =	swait.ge [sflag:s30], $0x1F40  }
0x67: {  	[sflag:s30] =	ssyncset.done $0x0  }
0x68: {  	s16 =	simm.s32 $0x2900;
	[sflag:s30] =	ssyncadd.s32 $0xFFFFE0C0  }
0x69: {  	[spmem:s3] =	stream.indirect.scatter.add.bf16 [tilespmem:s24], [sflag:$0xB], $0x40, s16, s20, $0xb8;
	[tilespmem:$0x1EA00] =	vst v63  }
0x6a: {  	_ =	swait.ge [sflag:s0], $0x1F40  }
0x6b: {  	[sflag:s0] =	ssyncset.done $0x0  }
0x6c: {  	s7 =	simm.s32 $0x2980;
	[sflag:s0] =	ssyncadd.s32 $0xFFFFE0C0  }
0x6d: {  	[spmem:s3] =	stream.indirect.scatter.add.bf16 [tilespmem:s26], [sflag:$0xC], $0x40, s7, s20, $0xb8;
	[tilespmem:$0x1EA00] =	vst v63  }
0x6e: {  	_ =	swait.ge [sflag:s21], $0x1F40  }
0x6f: {  	[sflag:s21] =	ssyncset.done $0x0  }
0x70: {  	s16 =	simm.s32 $0x2A00;
	[sflag:s21] =	ssyncadd.s32 $0xFFFFE0C0  }
0x71: {  	[spmem:s3] =	stream.indirect.scatter.add.bf16 [tilespmem:s29], [sflag:$0xD], $0x40, s16, s20, $0xb8;
	[tilespmem:$0x1EA00] =	vst v63  }
0x72: {  	_ =	swait.ge [sflag:s2], $0x1F40  }
0x73: {  	[sflag:s2] =	ssyncset.done $0x0  }
0x74: {  	s7 =	simm.s32 $0x2A80;
	[sflag:s2] =	ssyncadd.s32 $0xFFFFE0C0  }
0x75: {  	[spmem:s3] =	stream.indirect.scatter.add.bf16 [tilespmem:s31], [sflag:$0xE], $0x40, s7, s20, $0xb8;
	[tilespmem:$0x1EA00] =	vst v63  }
0x76: {  	_ =	swait.ge [sflag:s5], $0x1F40  }
0x77: {  	[sflag:s5] =	ssyncset.done $0x0  }
0x78: {  	s16 =	simm.s32 $0x2B00;
	[sflag:s5] =	ssyncadd.s32 $0xFFFFE0C0  }
0x79: {  	[spmem:s3] =	stream.indirect.scatter.add.bf16 [tilespmem:s18], [sflag:$0xF], $0x40, s16, s20, $0xb8;
	[tilespmem:$0x1EA00] =	vst v63  }
0x7a: {  	_ =	swait.ge [sflag:s6], $0x1F40  }
0x7b: {  	[sflag:s6] =	ssyncset.done $0x0  }
0x7c: {  	s7 =	simm.s32 $0x2B80;
	[sflag:s6] =	ssyncadd.s32 $0xFFFFE0C0  }
0x7d: {  	[spmem:s3] =	stream.indirect.scatter.add.bf16 [tilespmem:s23], [sflag:$0x10], $0x40, s7, s20, $0xb8;
	[tilespmem:$0x1EA00] =	vst v63  }
0x7e: {  	_ =	swait.ge [sflag:s8], $0x1F40  }
0x7f: {  	[sflag:s8] =	ssyncset.done $0x0  }
0x80: {  	s16 =	simm.s32 $0x400;
	[sflag:s8] =	ssyncadd.s32 $0xFFFFE0C0  }
0x81: {  	[tilespmem:s19], [sflag:$0x1] =	stream.indirect.gather [hbm4b:s1+s20], $0x40, s16, s20, $0xb8;
	[tilespmem:$0x1EA00] =	vst v63  }
0x82: {  	_ =	swait.ge [sflag:s9], $0x1F40  }
0x83: {  	[sflag:s9] =	ssyncset.done $0x0  }
0x84: {  	s7 =	simm.s32 $0x480;
	[sflag:s9] =	ssyncadd.s32 $0xFFFFE0C0  }
0x85: {  	[tilespmem:s22], [sflag:$0x2] =	stream.indirect.gather [hbm4b:s1+s20], $0x40, s7, s20, $0xb8;
	[tilespmem:$0x1EA00] =	vst v63  }
0x86: {  	_ =	swait.ge [sflag:s10], $0x1F40  }
0x87: {  	[sflag:s10] =	ssyncset.done $0x0  }
0x88: {  	s16 =	simm.s32 $0x500;
	[sflag:s10] =	ssyncadd.s32 $0xFFFFE0C0  }
0x89: {  	[tilespmem:s24], [sflag:$0x3] =	stream.indirect.gather [hbm4b:s1+s20], $0x40, s16, s20, $0xb8;
	[tilespmem:$0x1EA00] =	vst v63  }
0x8a: {  	_ =	swait.ge [sflag:s11], $0x1F40  }
0x8b: {  	[sflag:s11] =	ssyncset.done $0x0  }
0x8c: {  	s7 =	simm.s32 $0x580;
	[sflag:s11] =	ssyncadd.s32 $0xFFFFE0C0  }
0x8d: {  	[tilespmem:s26], [sflag:$0x4] =	stream.indirect.gather [hbm4b:s1+s20], $0x40, s7, s20, $0xb8;
	[tilespmem:$0x1EA00] =	vst v63  }
0x8e: {  	_ =	swait.ge [sflag:s12], $0x1F40  }
0x8f: {  	[sflag:s12] =	ssyncset.done $0x0  }
0x90: {  	s16 =	simm.s32 $0x600;
	[sflag:s12] =	ssyncadd.s32 $0xFFFFE0C0  }
0x91: {  	[tilespmem:s29], [sflag:$0x5] =	stream.indirect.gather [hbm4b:s1+s20], $0x40, s16, s20, $0xb8;
	[tilespmem:$0x1EA00] =	vst v63  }
0x92: {  	_ =	swait.ge [sflag:s13], $0x1F40  }
0x93: {  	[sflag:s13] =	ssyncset.done $0x0  }
0x94: {  	s7 =	simm.s32 $0x680;
	[sflag:s13] =	ssyncadd.s32 $0xFFFFE0C0  }
0x95: {  	[tilespmem:s31], [sflag:$0x6] =	stream.indirect.gather [hbm4b:s1+s20], $0x40, s7, s20, $0xb8;
	[tilespmem:$0x1EA00] =	vst v63  }
0x96: {  	_ =	swait.ge [sflag:s14], $0x1F40  }
0x97: {  	[sflag:s14] =	ssyncset.done $0x0  }
0x98: {  	s16 =	simm.s32 $0x700;
	[sflag:s14] =	ssyncadd.s32 $0xFFFFE0C0  }
0x99: {  	[tilespmem:s18], [sflag:$0x7] =	stream.indirect.gather [hbm4b:s1+s20], $0x40, s16, s20, $0xb8;
	[tilespmem:$0x1EA00] =	vst v63  }
0x9a: {  	_ =	swait.ge [sflag:s15], $0x1F40  }
0x9b: {  	[sflag:s15] =	ssyncset.done $0x0  }
0x9c: {  	s4 =	simm.s32 $0x1000;
	s7 =	simm.s32 $0x780;
	[sflag:s15] =	ssyncadd.s32 $0xFFFFE0C0  }
.LBB2_4:
0x9d: {  	[tilespmem:s23], [sflag:$0x8] =	stream.indirect.gather [hbm4b:s1+s20], $0x40, s7, s20, $0xb8;
	[tilespmem:$0x1EA00] =	vst v63  }
0x9e: {  	s7 =	smov.u32 s4  }
0x9f: {  	p0 =	sne.s32 s4, $0x8000;
	s4 =	sadd.s32 $0x1000, s4;
	_ =	swait.ge [sflag:s25], $0x1F40  }
0xa0: {  	s7 =	sshra.s32 s7, $0x2;
	[sflag:s25] =	ssyncset.done $0x0  }
0xa1: {  	s16 =	sadd.s32 $0x2800, s7;
	[sflag:s25] =	ssyncadd.s32 $0xFFFFE0C0  }
0xa2: {  	[spmem:s3] =	stream.indirect.scatter.add.bf16 [tilespmem:s19], [sflag:$0x9], $0x40, s16, s20, $0xb8;
	[tilespmem:$0x1EA00] =	vst v63  }
0xa3: {  	_ =	swait.ge [sflag:s28], $0x1F40  }
0xa4: {  	[sflag:s28] =	ssyncset.done $0x0  }
0xa5: {  	s16 =	sadd.s32 $0x2880, s7;
	[sflag:s28] =	ssyncadd.s32 $0xFFFFE0C0  }
0xa6: {  	[spmem:s3] =	stream.indirect.scatter.add.bf16 [tilespmem:s22], [sflag:$0xA], $0x40, s16, s20, $0xb8;
	[tilespmem:$0x1EA00] =	vst v63  }
0xa7: {  	_ =	swait.ge [sflag:s30], $0x1F40  }
0xa8: {  	[sflag:s30] =	ssyncset.done $0x0  }
0xa9: {  	s16 =	sadd.s32 $0x2900, s7;
	[sflag:s30] =	ssyncadd.s32 $0xFFFFE0C0  }
0xaa: {  	[spmem:s3] =	stream.indirect.scatter.add.bf16 [tilespmem:s24], [sflag:$0xB], $0x40, s16, s20, $0xb8;
	[tilespmem:$0x1EA00] =	vst v63  }
0xab: {  	_ =	swait.ge [sflag:s0], $0x1F40  }
0xac: {  	[sflag:s0] =	ssyncset.done $0x0  }
0xad: {  	s16 =	sadd.s32 $0x2980, s7;
	[sflag:s0] =	ssyncadd.s32 $0xFFFFE0C0  }
0xae: {  	[spmem:s3] =	stream.indirect.scatter.add.bf16 [tilespmem:s26], [sflag:$0xC], $0x40, s16, s20, $0xb8;
	[tilespmem:$0x1EA00] =	vst v63  }
0xaf: {  	_ =	swait.ge [sflag:s21], $0x1F40  }
0xb0: {  	[sflag:s21] =	ssyncset.done $0x0  }
0xb1: {  	s16 =	sadd.s32 $0x2A00, s7;
	[sflag:s21] =	ssyncadd.s32 $0xFFFFE0C0  }
0xb2: {  	[spmem:s3] =	stream.indirect.scatter.add.bf16 [tilespmem:s29], [sflag:$0xD], $0x40, s16, s20, $0xb8;
	[tilespmem:$0x1EA00] =	vst v63  }
0xb3: {  	_ =	swait.ge [sflag:s2], $0x1F40  }
0xb4: {  	[sflag:s2] =	ssyncset.done $0x0  }
0xb5: {  	s16 =	sadd.s32 $0x2A80, s7;
	[sflag:s2] =	ssyncadd.s32 $0xFFFFE0C0  }
0xb6: {  	[spmem:s3] =	stream.indirect.scatter.add.bf16 [tilespmem:s31], [sflag:$0xE], $0x40, s16, s20, $0xb8;
	[tilespmem:$0x1EA00] =	vst v63  }
0xb7: {  	_ =	swait.ge [sflag:s5], $0x1F40  }
0xb8: {  	[sflag:s5] =	ssyncset.done $0x0  }
0xb9: {  	s16 =	sadd.s32 $0x2B00, s7;
	[sflag:s5] =	ssyncadd.s32 $0xFFFFE0C0  }
0xba: {  	[spmem:s3] =	stream.indirect.scatter.add.bf16 [tilespmem:s18], [sflag:$0xF], $0x40, s16, s20, $0xb8;
	[tilespmem:$0x1EA00] =	vst v63  }
0xbb: {  	_ =	swait.ge [sflag:s6], $0x1F40  }
0xbc: {  	[sflag:s6] =	ssyncset.done $0x0  }
0xbd: {  	s16 =	sadd.s32 $0x2B80, s7;
	[sflag:s6] =	ssyncadd.s32 $0xFFFFE0C0  }
0xbe: {  	[spmem:s3] =	stream.indirect.scatter.add.bf16 [tilespmem:s23], [sflag:$0x10], $0x40, s16, s20, $0xb8;
	[tilespmem:$0x1EA00] =	vst v63  }
0xbf: {  	_ =	swait.ge [sflag:s8], $0x1F40  }
0xc0: {  	[sflag:s8] =	ssyncset.done $0x0  }
0xc1: {  	s16 =	sadd.s32 $0x400, s7;
	[sflag:s8] =	ssyncadd.s32 $0xFFFFE0C0  }
0xc2: {  	[tilespmem:s19], [sflag:$0x1] =	stream.indirect.gather [hbm4b:s1+s20], $0x40, s16, s20, $0xb8;
	[tilespmem:$0x1EA00] =	vst v63  }
0xc3: {  	_ =	swait.ge [sflag:s9], $0x1F40  }
0xc4: {  	[sflag:s9] =	ssyncset.done $0x0  }
0xc5: {  	s16 =	sadd.s32 $0x480, s7;
	[sflag:s9] =	ssyncadd.s32 $0xFFFFE0C0  }
0xc6: {  	[tilespmem:s22], [sflag:$0x2] =	stream.indirect.gather [hbm4b:s1+s20], $0x40, s16, s20, $0xb8;
	[tilespmem:$0x1EA00] =	vst v63  }
0xc7: {  	_ =	swait.ge [sflag:s10], $0x1F40  }
0xc8: {  	[sflag:s10] =	ssyncset.done $0x0  }
0xc9: {  	s16 =	sadd.s32 $0x500, s7;
	[sflag:s10] =	ssyncadd.s32 $0xFFFFE0C0  }
0xca: {  	[tilespmem:s24], [sflag:$0x3] =	stream.indirect.gather [hbm4b:s1+s20], $0x40, s16, s20, $0xb8;
	[tilespmem:$0x1EA00] =	vst v63  }
0xcb: {  	_ =	swait.ge [sflag:s11], $0x1F40  }
0xcc: {  	[sflag:s11] =	ssyncset.done $0x0  }
0xcd: {  	s16 =	sadd.s32 $0x580, s7;
	[sflag:s11] =	ssyncadd.s32 $0xFFFFE0C0  }
0xce: {  	[tilespmem:s26], [sflag:$0x4] =	stream.indirect.gather [hbm4b:s1+s20], $0x40, s16, s20, $0xb8;
	[tilespmem:$0x1EA00] =	vst v63  }
0xcf: {  	_ =	swait.ge [sflag:s12], $0x1F40  }
0xd0: {  	[sflag:s12] =	ssyncset.done $0x0  }
0xd1: {  	s16 =	sadd.s32 $0x600, s7;
	[sflag:s12] =	ssyncadd.s32 $0xFFFFE0C0  }
0xd2: {  	[tilespmem:s29], [sflag:$0x5] =	stream.indirect.gather [hbm4b:s1+s20], $0x40, s16, s20, $0xb8;
	[tilespmem:$0x1EA00] =	vst v63  }
0xd3: {  	_ =	swait.ge [sflag:s13], $0x1F40  }
0xd4: {  	[sflag:s13] =	ssyncset.done $0x0  }
0xd5: {  	s16 =	sadd.s32 $0x680, s7;
	[sflag:s13] =	ssyncadd.s32 $0xFFFFE0C0  }
0xd6: {  	[tilespmem:s31], [sflag:$0x6] =	stream.indirect.gather [hbm4b:s1+s20], $0x40, s16, s20, $0xb8;
	[tilespmem:$0x1EA00] =	vst v63  }
0xd7: {  	_ =	swait.ge [sflag:s14], $0x1F40  }
0xd8: {  	[sflag:s14] =	ssyncset.done $0x0  }
.Ltmp1:
0xd9: {  	s16 =	sadd.s32 $0x700, s7;
	[sflag:s14] =	ssyncadd.s32 $0xFFFFE0C0;
	(pc) =	sbr.rel @p0 .LBB2_4-.Ltmp1, $4  }
0xda: {  	[tilespmem:s18], [sflag:$0x7] =	stream.indirect.gather [hbm4b:s1+s20], $0x40, s16, s20, $0xb8;
	[tilespmem:$0x1EA00] =	vst v63  }
0xdb: {  	_ =	swait.ge [sflag:s15], $0x1F40  }
0xdc: {  	[sflag:s15] =	ssyncset.done $0x0  }
0xdd: {  	s7 =	sadd.s32 $0x780, s7;
	[sflag:s15] =	ssyncadd.s32 $0xFFFFE0C0  }
0xde: {  	[tilespmem:s23], [sflag:$0x8] =	stream.indirect.gather [hbm4b:s1+s20], $0x40, s7, s20, $0xb8;
	[tilespmem:$0x1EA00] =	vst v63  }
0xdf: {  	_ =	swait.ge [sflag:s25], $0x1F40  }
0xe0: {  	[sflag:s25] =	ssyncset.done $0x0  }
0xe1: {  	s4 =	simm.s32 $0x4C00;
	[sflag:s25] =	ssyncadd.s32 $0xFFFFE0C0  }
0xe2: {  	[spmem:s3] =	stream.indirect.scatter.add.bf16 [tilespmem:s19], [sflag:$0x9], $0x40, s4, s20, $0xb8;
	[tilespmem:$0x1EA00] =	vst v63  }
0xe3: {  	_ =	swait.ge [sflag:s28], $0x1F40  }
0xe4: {  	[sflag:s28] =	ssyncset.done $0x0  }
0xe5: {  	s7 =	simm.s32 $0x4C80;
	[sflag:s28] =	ssyncadd.s32 $0xFFFFE0C0  }
0xe6: {  	[spmem:s3] =	stream.indirect.scatter.add.bf16 [tilespmem:s22], [sflag:$0xA], $0x40, s7, s20, $0xb8;
	[tilespmem:$0x1EA00] =	vst v63  }
0xe7: {  	_ =	swait.ge [sflag:s30], $0x1F40  }
0xe8: {  	[sflag:s30] =	ssyncset.done $0x0  }
0xe9: {  	s16 =	simm.s32 $0x4D00;
	[sflag:s30] =	ssyncadd.s32 $0xFFFFE0C0  }
0xea: {  	[spmem:s3] =	stream.indirect.scatter.add.bf16 [tilespmem:s24], [sflag:$0xB], $0x40, s16, s20, $0xb8;
	[tilespmem:$0x1EA00] =	vst v63  }
0xeb: {  	_ =	swait.ge [sflag:s0], $0x1F40  }
0xec: {  	[sflag:s0] =	ssyncset.done $0x0  }
0xed: {  	s7 =	simm.s32 $0x4D80;
	[sflag:s0] =	ssyncadd.s32 $0xFFFFE0C0  }
0xee: {  	[spmem:s3] =	stream.indirect.scatter.add.bf16 [tilespmem:s26], [sflag:$0xC], $0x40, s7, s20, $0xb8;
	[tilespmem:$0x1EA00] =	vst v63  }
0xef: {  	_ =	swait.ge [sflag:s21], $0x1F40  }
0xf0: {  	[sflag:s21] =	ssyncset.done $0x0  }
0xf1: {  	s16 =	simm.s32 $0x4E00;
	[sflag:s21] =	ssyncadd.s32 $0xFFFFE0C0  }
0xf2: {  	[spmem:s3] =	stream.indirect.scatter.add.bf16 [tilespmem:s29], [sflag:$0xD], $0x40, s16, s20, $0xb8;
	[tilespmem:$0x1EA00] =	vst v63  }
0xf3: {  	_ =	swait.ge [sflag:s2], $0x1F40  }
0xf4: {  	[sflag:s2] =	ssyncset.done $0x0  }
0xf5: {  	s7 =	simm.s32 $0x4E80;
	[sflag:s2] =	ssyncadd.s32 $0xFFFFE0C0  }
0xf6: {  	[spmem:s3] =	stream.indirect.scatter.add.bf16 [tilespmem:s31], [sflag:$0xE], $0x40, s7, s20, $0xb8;
	[tilespmem:$0x1EA00] =	vst v63  }
0xf7: {  	_ =	swait.ge [sflag:s5], $0x1F40  }
0xf8: {  	[sflag:s5] =	ssyncset.done $0x0  }
0xf9: {  	s16 =	simm.s32 $0x4F00;
	[sflag:s5] =	ssyncadd.s32 $0xFFFFE0C0  }
0xfa: {  	[spmem:s3] =	stream.indirect.scatter.add.bf16 [tilespmem:s18], [sflag:$0xF], $0x40, s16, s20, $0xb8;
	[tilespmem:$0x1EA00] =	vst v63  }
0xfb: {  	_ =	swait.ge [sflag:s6], $0x1F40  }
0xfc: {  	[sflag:s6] =	ssyncset.done $0x0  }
0xfd: {  	s7 =	simm.s32 $0x4F80;
	[sflag:s6] =	ssyncadd.s32 $0xFFFFE0C0  }
0xfe: {  	[spmem:s3] =	stream.indirect.scatter.add.bf16 [tilespmem:s23], [sflag:$0x10], $0x40, s7, s20, $0xb8;
	[tilespmem:$0x1EA00] =	vst v63  }
0xff: {  	_ =	swait.ge [sflag:s8], $0x1F40  }
0x100: {  	[sflag:s8] =	ssyncset.done $0x0  }
0x101: {  	[sflag:s8] =	ssyncadd.s32 $0xFFFFE0C0  }
0x102: {  	_ =	swait.ge [sflag:s9], $0x1F40  }
0x103: {  	[sflag:s9] =	ssyncset.done $0x0  }
0x104: {  	[sflag:s9] =	ssyncadd.s32 $0xFFFFE0C0  }
0x105: {  	_ =	swait.ge [sflag:s10], $0x1F40  }
0x106: {  	[sflag:s10] =	ssyncset.done $0x0  }
0x107: {  	[sflag:s10] =	ssyncadd.s32 $0xFFFFE0C0  }
0x108: {  	_ =	swait.ge [sflag:s11], $0x1F40  }
0x109: {  	[sflag:s11] =	ssyncset.done $0x0  }
0x10a: {  	[sflag:s11] =	ssyncadd.s32 $0xFFFFE0C0  }
0x10b: {  	_ =	swait.ge [sflag:s12], $0x1F40  }
0x10c: {  	[sflag:s12] =	ssyncset.done $0x0  }
0x10d: {  	[sflag:s12] =	ssyncadd.s32 $0xFFFFE0C0  }
0x10e: {  	_ =	swait.ge [sflag:s13], $0x1F40  }
0x10f: {  	[sflag:s13] =	ssyncset.done $0x0  }
0x110: {  	[sflag:s13] =	ssyncadd.s32 $0xFFFFE0C0  }
0x111: {  	_ =	swait.ge [sflag:s14], $0x1F40  }
0x112: {  	[sflag:s14] =	ssyncset.done $0x0  }
0x113: {  	[sflag:s14] =	ssyncadd.s32 $0xFFFFE0C0  }
0x114: {  	_ =	swait.ge [sflag:s15], $0x1F40  }
0x115: {  	[sflag:s15] =	ssyncset.done $0x0  }
0x116: {  	s16 =	stileid.u32;
	[sflag:s15] =	ssyncadd.s32 $0xFFFFE0C0  }
0x117: {  	s4 =	sshll.u32 s16, $0x6;
	[bflag:$0x0] =	sbarrier.arrive $0xFFFF  }
0x118: {  	s17 =	sshrl.u32 s17, $0x3;
	s4 =	sor.u32 $0x1C11, s4;
	s16 =	rddreg [dreg:$0xe]  }
0x119: {  	[hbm:s16], [sflag:s4] =	dma.local [spmem:s17], $0x1400  }
0x11a: {  	s16 =	simm.s32 $0x11  }
0x11b: {  	_ =	swait.ge [sflag:s16], $0x1400  }
0x11c: {  	s4 =	rddreg [dreg:$0x10]  }
0x11d: {  	s17 =	rddreg [dreg:$0xf];
	s7 =	sadd.s32 $0x1, s4  }
0x11e: {  	p0 =	sne.s32 s7, s17  }
.Ltmp2:
0x11f: {  	_ = 	snop;
	(pc) =	sbr.rel @p0 .LBB2_1-.Ltmp2, $3  }
0x120: {  	_ =	sdelay $0x1  }
0x121: {  	[sflag:s16] =	ssyncset.done $0x0  }
0x122: {  	[sflag:s16] =	ssyncadd.s32 $0xFFFFEC00  }
0x123: {  	_ =	sfence.sel $0x180000  }
0x124: {  	[bflag:$0x0] =	sbarrier.arrive $0xFFFF  }
0x125: {  	_ =	strace $0x9000004D  }
0x126: {  	s0 =	stileid.u32;
	[bflag:$0x2] =	sbarrier.arrive $0xFFFF  }
0x127: {  	p0 =	sne.s32 s0, $0x0;
	s0 =	rddreg [dreg:$0x3]  }
0x128: {  	s0 =	sadd.s32 @!p0 $0x100000, s0  }
0x129: {  	[sflag:s0] =	ssyncadd.tile.s32 @!p0 $0x1;
	_ =	shalt  }
.Lfunc_end2:
_tile_overlayer_lowered:
.L_overlay_start_2:
0x12a: {  	(tag) =	ssettag $0x2  }
0x12b: {  	s0 =	rddreg [dreg:$0x0];
	s2 =	stileid.u32  }
0x12c: {  	s1 =	rddreg [dreg:$0x1];
	p0 =	sne.s32 s2, $0x0  }
0x12d: {  	s3 =	rddreg [dreg:$0x2];
	[bflag:$0x3] =	sbarrier.arrive $0xFFFF;
	s2 =	simm.s32 @!p0 $0x1C11  }
0x12e: {  	[timem:s3], [sflag:s2] =	dma.local @!p0 [hbm:s0], s1  }
0x12f: {  	s0 =	simm.s32 @!p0 $0x11  }
0x130: {  	_ =	swait.ge @!p0 [sflag:s0], s1  }
0x131: {  	s1 =	ssub.s32 @!p0 $0x0, s1;
	[sflag:s0] =	ssyncset.done @!p0 $0x0  }
0x132: {  	[sflag:s0] =	ssyncadd.s32 @!p0 s1  }
0x133: {  	[bflag:$0x3] =	sbarrier.arrive $0xFFFF  }
0x134: {  	_ =	shalt  }

// kernel: kernel.7.cloned.1.call-start
scs
__scs_entry_jumppad:
0x0: {  	(pc) =	sbr.rel $0x88, $3  }
0x1: {  	(tag) =	ssettag $0x0;
	lr =	simm.s32 $0x1  }
0x2: {  	[smem:$0x3F9C] =	sst lr;
	_ =	strace $0xD0000000  }
0x3: {  	_ = 	snop  }
0x4: {  	_ = 	snop  }
0x5: {  	_ = 	snop  }
0x6: {  	_ = 	snop  }
0x7: {  	_ = 	snop  }
__scs_overlays_trampoline_lowered:
0x8: {  	[smem:$0x3FAB] =	sst s0  }
0x9: {  	[smem:$0x3FAC] =	sst s1  }
0xa: {  	[smem:$0x3FAD] =	sst s2  }
0xb: {  	[smem:$0x3FAE] =	sst s3  }
0xc: {  	[smem:$0x3FAF] =	sst s4  }
0xd: {  	[smem:$0x3FB0] =	sst s5  }
0xe: {  	[smem:$0x3FB1] =	sst s6  }
0xf: {  	[smem:$0x3FB2] =	sst s7  }
0x10: {  	[smem:$0x3FB3] =	sst s8  }
0x11: {  	[smem:$0x3FB4] =	sst s9;
	s0 =	simm.s32 @!p0 $0x0  }
0x12: {  	s1 =	sld [smem:$0x3F9A];
	s0 =	simm.s32 @p0 $0x1  }
0x13: {  	[smem:$0x3FB5] =	sst s0;
	s0 =	simm.s32 @!p1 $0x0  }
0x14: {  	s2 =	sld [smem:$0x3F99];
	s0 =	simm.s32 @p1 $0x1  }
0x15: {  	[smem:$0x3FB6] =	sst s0;
	s0 =	simm.s32 @!p2 $0x0  }
0x16: {  	s3 =	sld [smem:$0x3FDB];
	s0 =	simm.s32 @p2 $0x1  }
0x17: {  	s4 =	simm.s32 $0x1BF5;
	[smem:$0x3FB8] =	sst s0  }
0x18: {  	s0 =	sld [smem:$0x3F9B];
	_ =	swait.ge [sflag:s4], $0x0  }
0x19: {  	s7 =	sld [smem:$0x3F9C]  }
0x1a: {  	s8 =	sadd.s32 $0xFFFFE003, lr  }
0x1b: {  	s9 =	sadd.s32 $0xFFFFFEF7, lr;
	s5 =	simm.s32 $0xFFFFFFFF;
	p2 =	slt.u32 s8, $0xFFFFF086  }
0x1c: {  	p1 =	slt.u32 s9, $0xF7A;
	s5 =	simm.s32 @!p2 $0x0  }
0x1d: {  	s5 =	simm.s32 @p1 $0x1;
	p0 =	seq.s32 s7, s2  }
0x1e: {  	s7 =	smul.u32 @!p0 $0xF7A, s2;
	p2 =	seq.s32 @!p0 s5, $0x0  }
0x1f: {  	s9 =	smul.u32 $0xF7A, s1;
	s8 =	simm.s32 @!p0 $0x1BF5;
	p2 =	por !p2, p0  }
0x20: {  	[sflag:s8] =	ssyncset.s32 @!p0 $0xFFFFF086;
	s6 =	sadd.s32 @!p0 s3, s7;
	s7 =	simm.s32 @!p0 $0x108  }
0x21: {  	s3 =	sadd.s32 s3, s9;
	s6 =	sadd.s32 @!p0 $0x88, s6;
	s7 =	simm.s32 @p2 $0x1082  }
0x22: {  	[simem:s7], [sflag:s8] =	dma.local @!p0 [hbm:s6], $0xF7A  }
0x23: {  	s9 =	sor.u32 $0xD0000000, s2;
	s6 =	simm.s32 $0x108;
	_ =	swait.ge @!p0 [sflag:s8], $0x0  }
0x24: {  	s3 =	sadd.s32 $0x88, s3;
	s6 =	simm.s32 @!p1 $0x1082;
	[sflag:s4] =	ssyncset.s32 $0xFFFFF086  }
0x25: {  	[simem:s6], [sflag:s4] =	dma.local [hbm:s3], $0xF7A  }
0x26: {  	[smem:$0x3F9C] =	sst s1;
	(tag) =	ssettag s2;
	_ =	strace s9  }
0x27: {  	s1 =	sld [smem:$0x3FAC]  }
0x28: {  	s2 =	sld [smem:$0x3FAD]  }
0x29: {  	s4 =	sld [smem:$0x3FAF]  }
0x2a: {  	p0 =	seq.s32 s5, $0x0;
	s5 =	sld [smem:$0x3FB0]  }
0x2b: {  	s6 =	sld [smem:$0x3FB1]  }
0x2c: {  	s7 =	sld [smem:$0x3FB2]  }
0x2d: {  	s3 =	simm.s32 $0x108;
	s8 =	sld [smem:$0x3FB3]  }
0x2e: {  	s3 =	simm.s32 @!p0 $0x1082;
	s9 =	sld [smem:$0x3FB4]  }
0x2f: {  	lr =	sadd.s32 s0, s3;
	s0 =	sld [smem:$0x3FAB]  }
0x30: {  	s3 =	sld [smem:$0x3FAE]  }
0x31: {  	[smem:$0x3FB7] =	sst s10  }
0x32: {  	s10 =	sld [smem:$0x3FB5];
	_ =	sdelay $0x3  }
0x33: {  	p0 =	seq.s32 s10, $0x1;
	s10 =	sld [smem:$0x3FB7];
	_ =	sdelay $0x3  }
0x34: {  	[smem:$0x3FB7] =	sst s10  }
0x35: {  	s10 =	sld [smem:$0x3FB6];
	_ =	sdelay $0x3  }
0x36: {  	p1 =	seq.s32 s10, $0x1;
	s10 =	sld [smem:$0x3FB7];
	_ =	sdelay $0x3  }
0x37: {  	[smem:$0x3FB7] =	sst s10  }
0x38: {  	s10 =	sld [smem:$0x3FB8]  }
0x39: {  	_ = 	snop;
	(pc) =	sbr.ind lr, $3  }
0x3a: {  	_ = 	snop  }
0x3b: {  	_ = 	snop  }
0x3c: {  	p2 =	seq.s32 s10, $0x1;
	s10 =	sld [smem:$0x3FB7]  }
0x3d: {  	_ =	shalt  }
0x3e: {  	_ =	shalt  }
0x3f: {  	_ =	shalt  }
0x40: {  	_ =	shalt  }
0x41: {  	_ =	shalt  }
0x42: {  	_ =	shalt  }
0x43: {  	_ =	shalt  }
0x44: {  	_ =	shalt  }
0x45: {  	_ =	shalt  }
0x46: {  	_ =	shalt  }
0x47: {  	_ =	shalt  }
0x48: {  	_ =	shalt  }
0x49: {  	_ =	shalt  }
0x4a: {  	_ =	shalt  }
0x4b: {  	_ =	shalt  }
0x4c: {  	_ =	shalt  }
0x4d: {  	_ =	shalt  }
0x4e: {  	_ =	shalt  }
0x4f: {  	_ =	shalt  }
0x50: {  	_ =	shalt  }
0x51: {  	_ =	shalt  }
0x52: {  	_ =	shalt  }
0x53: {  	_ =	shalt  }
0x54: {  	_ =	shalt  }
0x55: {  	_ =	shalt  }
0x56: {  	_ =	shalt  }
0x57: {  	_ =	shalt  }
0x58: {  	_ =	shalt  }
0x59: {  	_ =	shalt  }
0x5a: {  	_ =	shalt  }
0x5b: {  	_ =	shalt  }
0x5c: {  	_ =	shalt  }
0x5d: {  	_ =	shalt  }
0x5e: {  	_ =	shalt  }
0x5f: {  	_ =	shalt  }
0x60: {  	_ =	shalt  }
0x61: {  	_ =	shalt  }
0x62: {  	_ =	shalt  }
0x63: {  	_ =	shalt  }
0x64: {  	_ =	shalt  }
0x65: {  	_ =	shalt  }
0x66: {  	_ =	shalt  }
0x67: {  	_ =	shalt  }
0x68: {  	_ =	shalt  }
0x69: {  	_ =	shalt  }
0x6a: {  	_ =	shalt  }
0x6b: {  	_ =	shalt  }
0x6c: {  	_ =	shalt  }
0x6d: {  	_ =	shalt  }
0x6e: {  	_ =	shalt  }
0x6f: {  	_ =	shalt  }
0x70: {  	_ =	shalt  }
0x71: {  	_ =	shalt  }
0x72: {  	_ =	shalt  }
0x73: {  	_ =	shalt  }
0x74: {  	_ =	shalt  }
0x75: {  	_ =	shalt  }
0x76: {  	_ =	shalt  }
0x77: {  	_ =	shalt  }
0x78: {  	_ =	shalt  }
0x79: {  	_ =	shalt  }
0x7a: {  	_ =	shalt  }
0x7b: {  	_ =	shalt  }
0x7c: {  	_ =	shalt  }
0x7d: {  	_ =	shalt  }
0x7e: {  	_ =	shalt  }
0x7f: {  	_ =	shalt  }
0x80: {  	_ =	shalt  }
0x81: {  	_ =	shalt  }
0x82: {  	_ =	shalt  }
0x83: {  	_ =	shalt  }
0x84: {  	_ =	shalt  }
0x85: {  	_ =	shalt  }
0x86: {  	_ =	shalt  }
0x87: {  	_ =	shalt  }
.Lfunc_end0:
.L_simem_size_0:
called_computation_lowered:
.L_overlay_start_0:
0x88: {  	s2 =	sld [smem:$0x3FD9]  }
0x89: {  	s3 =	sld [smem:$0x3FFE];
	_ =	sdelay $0x1  }
0x8a: {  	s1 =	srdreg.scid  }
0x8b: {  	s0 =	sand.u32 $0x1, s1  }
0x8c: {  	s17 =	sshll.u32 s0, $0xA;
	s2 =	sadd.s32 s3, s2  }
0x8d: {  	s2 =	sadd.s32 s2, s17  }
0x8e: {  	[smem:$0x3FC3] =	sst s2  }
0x8f: {  	_ = 	snop  }
0x90: {  	s18 =	sld [smem:$0x3FC7];
	(tm) =	ssettm $0x1  }
0x91: {  	s19 =	sld [smem:$0x3FFB];
	_ =	sdelay $0x3  }
0x92: {  	_ =	strace s19  }
0x93: {  	s2 =	sld [smem:$0x3FFC];
	_ =	sdelay $0x3  }
0x94: {  	_ =	strace s2  }
0x95: {  	s2 =	sld [smem:$0x3FFD];
	_ =	sdelay $0x3  }
0x96: {  	_ =	strace s2  }
0x97: {  	_ =	strace $0x8FFFFFFF  }
0x98: {  	s20 =	sld [smem:$0x3FDB];
	_ =	sdelay $0x1  }
0x99: {  	s4 =	simm.s32 $_scs_section_size  }
0x9a: {  	s5 =	simm.s32 $_size__tile_overlayer_lowered;
	s6 =	simm.s32 $_tile_overlayer_lowered  }
0x9b: {  	s7 =	simm.s32 $0x1BFF;
	s21 =	sshll.u32 s6, $0x1;
	s4 =	sadd.s32 s4, s20  }
0x9c: {  	s22 =	simm.s32 $0x0;
	s5 =	sshll.u32 s5, $0x1;
	s6 =	sadd.s32 s21, s4  }
0x9d: {  	[timem:s22], [sflag:s7] =	dma.local [hbm:s6], s5  }
0x9e: {  	_ =	swait.ge [sflag:s7], s5  }
0x9f: {  	s5 =	ssub.s32 $0x0, s5;
	[sflag:s7] =	ssyncset.done $0x0  }
0xa0: {  	[sflag:s7] =	ssyncadd.s32 s5;
	_ =	sdelay $0x1  }
0xa1: {  	s23 =	simm.s32 $0x1B8B  }
0xa2: {  	_ =	swait.ge [sflag:s23], $0x1  }
0xa3: {  	[sflag:s23] =	ssyncset.done $0x0  }
0xa4: {  	[sflag:s23] =	ssyncadd.s32 $0xFFFFFFFF  }
0xa5: {  	s5 =	sld [smem:$0x0]  }
0xa6: {  	s6 =	sand.u32 $0xFFFFFFFE, s1  }
0xa7: {  	p0 =	sne.s32 s1, s6  }
0xa8: {  	s6 =	sshll.u32 @p0 s6, $0xE  }
0xa9: {  	s6 =	sadd.s32 @p0 $0x11B8D, s6;
	s7 =	sshll.u32 @p0 s5, $0x11  }
0xaa: {  	s6 =	sor.u32 @p0 s7, s6  }
0xab: {  	[sflag:s6] =	ssyncadd.remote.s32 @p0 $0x1;
	_ =	sdelay $0x1  }
0xac: {  	s6 =	simm.s32 @p0 $0x1B8D  }
0xad: {  	_ =	swait.eq @p0 [sflag:s6], $0x1  }
0xae: {  	[sflag:s6] =	ssyncadd.s32 @p0 $0xFFFFFFFF  }
0xaf: {  	s7 =	sshll.u32 @!p0 s1, $0xE  }
0xb0: {  	s7 =	sor.u32 @!p0 $0x4000, s7;
	s6 =	simm.s32 @!p0 $0x1B8D  }
0xb1: {  	s5 =	sshll.u32 @!p0 s5, $0x11;
	s7 =	sadd.s32 @!p0 $0x11B8D, s7;
	_ =	swait.eq @!p0 [sflag:s6], $0x1  }
0xb2: {  	s5 =	sor.u32 @!p0 s5, s7;
	[sflag:s6] =	ssyncadd.s32 @!p0 $0xFFFFFFFF  }
0xb3: {  	s25 =	simm.s32 $0x1B8E;
	s24 =	sld [smem:$0x3FFE];
	[sflag:s5] =	ssyncadd.remote.s32 @!p0 $0x1  }
0xb4: {  	s26 =	simm.s32 $execute0_lowered;
	[smem:$0x3FD2] =	sst s25  }
0xb5: {  	s6 =	sshll.u32 s26, $0x1;
	_ =	strace $0x80000049;
	[dreg:$0x1] =	wrdreg $0xFFFFFFFF  }
0xb6: {  	s28 =	simm.s32 $_size_execute0_lowered;
	s4 =	sadd.s32 s4, s6;
	[dreg:$0x0] =	wrdreg $0x0  }
0xb7: {  	s6 =	sshll.u32 s28, $0x1;
	[dreg:$0x2] =	wrdreg s4  }
0xb8: {  	[dreg:$0x3] =	wrdreg s6  }
0xb9: {  	[dreg:$0x4] =	wrdreg $0xC0  }
0xba: {  	_ =	task [dreg:s22], $0x5FFFF  }
0xbb: {  	[dreg:$0x1] =	wrdreg $0xFFFFFFFF  }
0xbc: {  	[dreg:$0x0] =	wrdreg $0x60  }
0xbd: {  	[dreg:$0x2] =	wrdreg s24  }
0xbe: {  	[dreg:$0x3] =	wrdreg s18  }
0xbf: {  	[dreg:$0x4] =	wrdreg $0x9  }
0xc0: {  	_ =	task.clear_ibuf [dreg:s22], $0x5FFFF;
	_ =	strace $0x90000049  }
0xc1: {  	s29 =	simm.s32 $0x9;
	_ =	strace $0x8000004B  }
0xc2: {  	_ =	swait.ge [sflag:s29], $0x1  }
0xc3: {  	[sflag:s29] =	ssyncadd.s32 $0xFFFFFFFF  }
0xc4: {  	_ =	strace $0x9000004B  }
0xc5: {  	_ =	sfence  }
0xc6: {  	s30 =	sld [smem:$0x0];
	_ =	sdelay $0x2  }
0xc7: {  	s31 =	sshll.u32 s1, $0xD;
	s1 =	sshrl.u32 s1, $0x2  }
0xc8: {  	s4 =	sand.u32 $0x4000, s31;
	s1 =	sadd.s32 s1, s30  }
0xc9: {  	s0 =	sor.u32 s4, s0;
	s1 =	sshll.u32 s1, $0x11  }
0xca: {  	s0 =	sor.u32 s1, s0  }
0xcb: {  	s0 =	sadd.s32 $0x8F2B, s0  }
0xcc: {  	[sflag:s0] =	ssyncadd.remote.s32 $0x1  }
0xcd: {  	_ =	sfence.sel $0xFFFF  }
0xce: {  	[dreg:$0x0] =	wrdreg $0xFFFFFFFF;
	(pc) =	sbr.abs _section_cstart, $3  }
0xcf: {  	[dreg:$0x1] =	wrdreg $0xFFFFFFFF  }
0xd0: {  	_ =	task.clear_ibuf [dreg:s22], $0x2FFFF;
	_ =	strace $0x9FFFFFFF  }
0xd1: {  	(tm) =	ssettm $0x7FFFFFFF  }
tec
execute0_lowered:
.L_overlay_start_1:
0x0: {  	(tag) =	ssettag $0x1  }
0x1: {  	s1 =	srdreg.scid  }
0x2: {  	s0 =	stileid.u32;
	s4 =	rddreg [dreg:$0x0]  }
0x3: {  	s2 =	rddreg [dreg:$0x1];
	s3 =	simm.s32 $0x0;
	s9 =	simm.s32 $0x1  }
0x4: {  	s10 =	simm.s32 $0x2710;
	s5 =	sand.u32 $0x1, s1;
	s30 =	sshll.u32 s0, $0x1  }
0x5: {  	s11 =	simm.s32 $0x4E20;
	s12 =	simm.s32 $0x7530;
	s6 =	sor.u32 s5, s30  }
0x6: {  	s13 =	simm.s32 $0x9C40;
	s5 =	ssub.s32 $0x2, s5;
	s6 =	smul.u32 $0x4E2, s6  }
0x7: {  	s14 =	simm.s32 $0x0;
	s1 =	rddreg [dreg:$0x2];
	s31 =	sshrl.u32 s5, $0x1  }
0x8: {  	[smem:$0x7FF] =	sst s3;
	s8 =	ssub.s32 s5, s31;
	s7 =	sadd.s32 s6, s4  }
0x9: {  	_ =	strace $0x8000004A;
	s8 =	smax.u32 s8, $0x1;
	s4 =	sadd.s32 $0x1A00, s7  }
0xa: {  	v0 =	vimm.f32 $0.0e+00;
	v1 =	vimm.f32 $1.000000000e+00;
	s5 =	sadd.s32 $0xB800, s7;
	s6 =	sadd.s32 $0x5B400, s7;
	s7 =	sadd.s32 $0x51600, s7  }
.LBB2_1:
0xb: {  	[tilespmem:s3], [sflag:$0x1] =	stream.linear.gather [hbm4b:s4+s3], $0x2710, $0x38;
	[tilespmem:$0xC350] =	vst v63  }
0xc: {  	_ =	swait.ge [sflag:s9], $0x2710  }
0xd: {  	[sflag:s9] =	ssyncset.done $0x0  }
0xe: {  	[sflag:s9] =	ssyncadd.s32 $0xFFFFD8F0  }
0xf: {  	[tilespmem:s10], [sflag:$0x1] =	stream.linear.gather [hbm4b:s5+s3], $0x2710, $0x38;
	[tilespmem:$0xC350] =	vst v63  }
0x10: {  	_ =	swait.ge [sflag:s9], $0x2710  }
0x11: {  	[sflag:s9] =	ssyncset.done $0x0  }
0x12: {  	[sflag:s9] =	ssyncadd.s32 $0xFFFFD8F0  }
0x13: {  	[tilespmem:s11], [sflag:$0x1] =	stream.linear.gather [hbm4b:s2+s3], $0x2710, $0x38;
	[tilespmem:$0xC350] =	vst v63  }
0x14: {  	_ =	swait.ge [sflag:s9], $0x2710  }
0x15: {  	[sflag:s9] =	ssyncset.done $0x0  }
0x16: {  	s15 =	simm.s32 $0x0;
	[sflag:s9] =	ssyncadd.s32 $0xFFFFD8F0  }
.LBB2_2:
0x17: {  	p0 =	sne.s32 s15, $0x9C00  }
.Ltmp0:
0x18: {  	_ = 	snop;
	(pc) =	sbr.rel @p0 .LBB2_2-.Ltmp0, $4  }
0x19: {  	_ = 	snop  }
0x1a: {  	s16 =	sshra.s32 s15, $0x2  }
0x1b: {  	[tilespmem:s16+$0x7530] =	vst v0  }
0x1c: {  	s15 =	sadd.s32 $0x40, s15;
	[tilespmem:s16+$0x9C40] =	vst v0  }
0x1d: {  	s15 =	simm.s32 $0x0  }
.LBB2_4:
0x1e: {  	s16 =	sshra.s32 s15, $0x2  }
0x1f: {  	v2 =	vld [tilespmem:s16+$0x2710];
	_ =	sdelay $0x4  }
0x20: {  	v3 =	vld [tilespmem:s16+$0x0];
	_ =	sdelay $0x2  }
0x21: {  	v4 =	vld.idx.msk [tilespmem:v2+s11+$0x0], $0xffff;
	_ =	sdelay $0x4  }
0x22: {  	[tilespmem:v3+s12+$0x0] =	vst.idx.add.f32.msk $0xffff, v4  }
0x23: {  	[tilespmem:v2+s13+$0x0] =	vst.idx.add.f32.msk $0xffff, v1  }
0x24: {  	v2 =	vld [tilespmem:s16+$0x2720];
	_ =	sdelay $0x4  }
0x25: {  	v3 =	vld [tilespmem:s16+$0x10];
	_ =	sdelay $0x2  }
0x26: {  	v4 =	vld.idx.msk [tilespmem:v2+s11+$0x0], $0xffff;
	_ =	sdelay $0x4  }
0x27: {  	[tilespmem:v3+s12+$0x0] =	vst.idx.add.f32.msk $0xffff, v4  }
0x28: {  	[tilespmem:v2+s13+$0x0] =	vst.idx.add.f32.msk $0xffff, v1  }
0x29: {  	v2 =	vld [tilespmem:s16+$0x2730];
	_ =	sdelay $0x4  }
0x2a: {  	v3 =	vld [tilespmem:s16+$0x20];
	_ =	sdelay $0x2  }
0x2b: {  	v4 =	vld.idx.msk [tilespmem:v2+s11+$0x0], $0xffff;
	_ =	sdelay $0x4  }
0x2c: {  	[tilespmem:v3+s12+$0x0] =	vst.idx.add.f32.msk $0xffff, v4  }
0x2d: {  	[tilespmem:v2+s13+$0x0] =	vst.idx.add.f32.msk $0xffff, v1  }
0x2e: {  	v2 =	vld [tilespmem:s16+$0x2740];
	_ =	sdelay $0x4  }
0x2f: {  	v3 =	vld [tilespmem:s16+$0x30];
	_ =	sdelay $0x2  }
0x30: {  	v4 =	vld.idx.msk [tilespmem:v2+s11+$0x0], $0xffff;
	_ =	sdelay $0x4  }
0x31: {  	[tilespmem:v3+s12+$0x0] =	vst.idx.add.f32.msk $0xffff, v4  }
0x32: {  	[tilespmem:v2+s13+$0x0] =	vst.idx.add.f32.msk $0xffff, v1  }
0x33: {  	v2 =	vld [tilespmem:s16+$0x2750];
	_ =	sdelay $0x4  }
0x34: {  	v3 =	vld [tilespmem:s16+$0x40];
	_ =	sdelay $0x2  }
0x35: {  	v4 =	vld.idx.msk [tilespmem:v2+s11+$0x0], $0xffff  }
0x36: {  	p0 =	sne.s32 s15, $0x9B00  }
.Ltmp1:
0x37: {  	_ = 	snop;
	(pc) =	sbr.rel @p0 .LBB2_4-.Ltmp1, $3  }
0x38: {  	_ =	sdelay $0x1  }
0x39: {  	[tilespmem:v3+s12+$0x0] =	vst.idx.add.f32.msk $0xffff, v4  }
0x3a: {  	s15 =	sadd.s32 $0x140, s15;
	[tilespmem:v2+s13+$0x0] =	vst.idx.add.f32.msk $0xffff, v1  }
0x3b: {  	[hbm4b:s6+s3] =	stream.linear.scatter [tilespmem:s12], [sflag:$0x1], $0x2710, $0x38;
	[tilespmem:$0xC350] =	vst v63  }
0x3c: {  	s14 =	sadd.s32 $0x1, s14;
	_ =	swait.ge [sflag:s9], $0x2710  }
0x3d: {  	p0 =	sne.s32 s14, s8;
	[sflag:s9] =	ssyncset.done $0x0  }
.Ltmp2:
0x3e: {  	[sflag:s9] =	ssyncadd.s32 $0xFFFFD8F0;
	(pc) =	sbr.rel @p0 .LBB2_1-.Ltmp2, $4  }
0x3f: {  	[hbm4b:s7+s3] =	stream.linear.scatter [tilespmem:s13], [sflag:$0x1], $0x2710, $0x38;
	[tilespmem:$0xC350] =	vst v63  }
0x40: {  	_ =	swait.ge [sflag:s9], $0x2710  }
0x41: {  	[sflag:s9] =	ssyncset.done $0x0  }
0x42: {  	[sflag:s9] =	ssyncadd.s32 $0xFFFFD8F0  }
0x43: {  	_ =	sfence.sel $0x180000  }
0x44: {  	[bflag:$0x0] =	sbarrier.arrive $0xFFFF  }
0x45: {  	p0 =	sne.s32 s0, $0x0;
	_ =	strace $0x9000004A  }
0x46: {  	s0 =	sadd.s32 @!p0 $0x100000, s1;
	[bflag:$0x2] =	sbarrier.arrive $0xFFFF  }
0x47: {  	[sflag:s0] =	ssyncadd.tile.s32 @!p0 $0x1;
	_ =	shalt  }
.Lfunc_end2:
_tile_overlayer_lowered:
.L_overlay_start_2:
0x48: {  	(tag) =	ssettag $0x2  }
0x49: {  	s0 =	rddreg [dreg:$0x0];
	s2 =	stileid.u32  }
0x4a: {  	s1 =	rddreg [dreg:$0x1];
	p0 =	sne.s32 s2, $0x0  }
0x4b: {  	s3 =	rddreg [dreg:$0x2];
	[bflag:$0x3] =	sbarrier.arrive $0xFFFF;
	s2 =	simm.s32 @!p0 $0x1C01  }
0x4c: {  	[timem:s3], [sflag:s2] =	dma.local @!p0 [hbm:s0], s1  }
0x4d: {  	s0 =	simm.s32 @!p0 $0x1  }
0x4e: {  	_ =	swait.ge @!p0 [sflag:s0], s1  }
0x4f: {  	s1 =	ssub.s32 @!p0 $0x0, s1;
	[sflag:s0] =	ssyncset.done @!p0 $0x0  }
0x50: {  	[sflag:s0] =	ssyncadd.s32 @!p0 s1  }
0x51: {  	[bflag:$0x3] =	sbarrier.arrive $0xFFFF  }
0x52: {  	_ =	shalt  }

</sc_bundles>
